<compile_context>
chip_gen: v7x
topology: tpu7x:2x2x1
jax: 0.10.2.dev20260603
libtpu: 0.0.44.dev20260713+nightly
codegen_flags: <defaults>
</compile_context>

<pallas_src>
import jax
import jax.numpy as jnp
from jax import lax
from jax.experimental import pallas as pl
from jax.experimental.pallas import tpu as pltpu
from jax.experimental.pallas import tpu_sc as plsc

N = 10000
E = 320000
D = 128
H = 128
C = 40
DH = D // 2

NC = 2
NS = 16
EPT = E // NS
CH = 80
NCHUNK = EPT // CH
NP = 10240
ROWS_PT = NP // NS
ZR = 64
RING = 8
LEAD = 4
UNROLL = 2


def _nsum_body(x2_hbm, src_hbm, dst_hbm, out_hbm, src_v, dst_v, rows, zbuf, acc_sh, isem, g, s):
    cid = lax.axis_index("c")
    sid = lax.axis_index("s")

    ic1 = pltpu.async_copy(src_hbm.at[cid, sid], src_v, isem)
    ic2 = pltpu.async_copy(dst_hbm.at[sid], dst_v, isem)

    def zrow(i, _):
        def zcol(j, _):
            zbuf[i, pl.ds(j * 16, 16)] = jnp.zeros((16,), jnp.float32)
            return 0
        return lax.fori_loop(0, DH // 16, zcol, 0)
    lax.fori_loop(0, ZR, zrow, 0)
    for q in range(ROWS_PT // ZR):
        pltpu.sync_copy(zbuf, acc_sh.at[pl.ds(sid * ROWS_PT + q * ZR, ZR)])
    ic1.wait()
    ic2.wait()
    plsc.subcore_barrier()

    def step(k, _):
        for j in range(UNROLL):
            c = k * UNROLL + j

            @pl.when(c < NCHUNK)
            def _():
                b = lax.rem(c, RING)
                pltpu.async_copy(x2_hbm.at[src_v.at[c]], rows.at[b], g.at[b])

            @pl.when(jnp.logical_and(c >= LEAD, c < NCHUNK + LEAD))
            def _():
                kk = c - LEAD
                b2 = lax.rem(kk, RING)
                pltpu.make_async_copy(x2_hbm.at[src_v.at[kk]], rows.at[b2], g.at[b2]).wait()

                @pl.when(kk >= 1)
                def _():
                    b1 = lax.rem(kk - 1, RING)
                    pltpu.make_async_copy(
                        rows.at[b1], acc_sh.at[dst_v.at[kk - 1]], s.at[b1]).wait()
                pltpu.async_copy(rows.at[b2], acc_sh.at[dst_v.at[kk]], s.at[b2], add=True)
        return 0
    lax.fori_loop(0, (NCHUNK + LEAD) // UNROLL, step, 0)
    bl = (NCHUNK - 1) % RING
    pltpu.make_async_copy(rows.at[bl], acc_sh.at[dst_v.at[NCHUNK - 1]], s.at[bl]).wait()
    plsc.subcore_barrier()

    r0 = sid * ROWS_PT
    acc_slice = acc_sh.at[pl.ds(r0, ROWS_PT)]

    @pl.when(cid == 0)
    def _():
        pltpu.sync_copy(acc_slice, out_hbm.at[pl.ds(r0, ROWS_PT), pl.ds(0, DH)])

    @pl.when(cid == 1)
    def _():
        pltpu.sync_copy(acc_slice, out_hbm.at[pl.ds(r0, ROWS_PT), pl.ds(DH, DH)])


_neighbor_sum_sc = pl.kernel(
    _nsum_body,
    out_type=jax.ShapeDtypeStruct((NP, D), jnp.float32),
    mesh=plsc.VectorSubcoreMesh(core_axis_name="c", subcore_axis_name="s",
                                num_cores=NC, num_subcores=NS),
    compiler_params=pltpu.CompilerParams(use_tc_tiling_on_sc=False),
    scratch_types=[
        pltpu.VMEM((NCHUNK, CH), jnp.int32),
        pltpu.VMEM((NCHUNK, CH), jnp.int32),
        pltpu.VMEM((RING, CH, DH), jnp.float32),
        pltpu.VMEM((ZR, DH), jnp.float32),
        pltpu.VMEM_SHARED((NP, DH), jnp.float32),
        pltpu.SemaphoreType.DMA,
        pltpu.SemaphoreType.DMA((RING,)),
        pltpu.SemaphoreType.DMA((RING,)),
    ],
)


BN = 2000


def _mlp_block(eps_ref, x_ref, p_ref, W1_ref, b1_ref, W2_ref, b2_ref, o_ref):
    h = (1.0 + eps_ref[0, 0]) * x_ref[...] + p_ref[...]
    h = jnp.maximum(jnp.dot(h, W1_ref[...], preferred_element_type=jnp.float32)
                    + b1_ref[...], 0.0)
    h = jnp.dot(h, W2_ref[...], preferred_element_type=jnp.float32) + b2_ref[...]
    o_ref[...] = jnp.maximum(h, 0.0)


def _cls_block(eps_ref, x_ref, p_ref, Wc_ref, bc_ref, o_ref):
    h = (1.0 + eps_ref[0, 0]) * x_ref[...] + p_ref[...]
    o_ref[...] = jnp.dot(h, Wc_ref[...], preferred_element_type=jnp.float32) + bc_ref[...]


def _gin_mlp_tc(eps, x, p, W1, b1, W2, b2):
    return pl.pallas_call(
        _mlp_block,
        grid=(N // BN,),
        in_specs=[
            pl.BlockSpec(memory_space=pltpu.SMEM),
            pl.BlockSpec((BN, D), lambda i: (i, 0)),
            pl.BlockSpec((BN, D), lambda i: (i, 0)),
            pl.BlockSpec((D, H), lambda i: (0, 0)),
            pl.BlockSpec((1, H), lambda i: (0, 0)),
            pl.BlockSpec((H, H), lambda i: (0, 0)),
            pl.BlockSpec((1, H), lambda i: (0, 0)),
        ],
        out_specs=pl.BlockSpec((BN, H), lambda i: (i, 0)),
        out_shape=jax.ShapeDtypeStruct((N, H), jnp.float32),
    )(eps, x, p, W1, b1, W2, b2)


def _gin_cls_tc(eps, x, p, Wc, bc):
    return pl.pallas_call(
        _cls_block,
        grid=(N // BN,),
        in_specs=[
            pl.BlockSpec(memory_space=pltpu.SMEM),
            pl.BlockSpec((BN, H), lambda i: (i, 0)),
            pl.BlockSpec((BN, H), lambda i: (i, 0)),
            pl.BlockSpec((H, C), lambda i: (0, 0)),
            pl.BlockSpec((1, C), lambda i: (0, 0)),
        ],
        out_specs=pl.BlockSpec((BN, C), lambda i: (i, 0)),
        out_shape=jax.ShapeDtypeStruct((N, C), jnp.float32),
    )(eps, x, p, Wc, bc)


def kernel(features, edge_index, eps0, W1_0, b1_0, W2_0, b2_0,
           eps1, W1_1, b1_1, W2_1, b2_1, epsc, Wc, bc):
    srcp = edge_index[0].reshape(NS, NCHUNK, CH)
    src2 = jnp.stack([srcp * 2, srcp * 2 + 1])
    dst = edge_index[1].reshape(NS, NCHUNK, CH)
    e0 = eps0.reshape(1, 1)
    e1 = eps1.reshape(1, 1)
    ec = epsc.reshape(1, 1)

    p = _neighbor_sum_sc(features.reshape(2 * N, DH), src2, dst)
    x = _gin_mlp_tc(e0, features, p, W1_0, b1_0.reshape(1, H), W2_0, b2_0.reshape(1, H))
    p = _neighbor_sum_sc(x.reshape(2 * N, DH), src2, dst)
    x = _gin_mlp_tc(e1, x, p, W1_1, b1_1.reshape(1, H), W2_1, b2_1.reshape(1, H))
    p = _neighbor_sum_sc(x.reshape(2 * N, DH), src2, dst)
    return _gin_cls_tc(ec, x, p, Wc, bc.reshape(1, C))

# --- scband reference (transcript-rebuilt; emitter-appended) ---
"""Pipeline reference for scband-gin-2499670966781 (READ-ONLY COPY).

The authoritative reference and input builder live on the scoring server;
editing this copy changes nothing except your own understanding.
"""

import jax, jax.numpy as jnp
import numpy as np

N = 10000
E = 320000
D = 128
H = 128
C = 40


def setup_inputs(seed: int = 0) -> dict:
    key = jax.random.key(seed)
    ks = jax.random.split(key, 16)
    features = jax.random.normal(ks[0], (N, D), dtype=jnp.float32)
    edge_index = jax.random.randint(ks[1], (2, E), 0, N, dtype=jnp.int32)
    s = 0.05
    # GIN block 0: GraphIsomorphismLayer with 2-layer MLP (D->H->H), learned eps
    eps0 = jnp.zeros((), dtype=jnp.float32)
    W1_0 = jax.random.normal(ks[2], (D, H), dtype=jnp.float32) * s
    b1_0 = jnp.zeros((H,), dtype=jnp.float32)
    W2_0 = jax.random.normal(ks[3], (H, H), dtype=jnp.float32) * s
    b2_0 = jnp.zeros((H,), dtype=jnp.float32)
    # GIN block 1: 2-layer MLP (H->H->H), learned eps
    eps1 = jnp.zeros((), dtype=jnp.float32)
    W1_1 = jax.random.normal(ks[4], (H, H), dtype=jnp.float32) * s
    b1_1 = jnp.zeros((H,), dtype=jnp.float32)
    W2_1 = jax.random.normal(ks[5], (H, H), dtype=jnp.float32) * s
    b2_1 = jnp.zeros((H,), dtype=jnp.float32)
    # classifier: GraphIsomorphismLayer with 1-layer MLP (H->C), learned eps
    epsc = jnp.zeros((), dtype=jnp.float32)
    Wc = jax.random.normal(ks[6], (H, C), dtype=jnp.float32) * s
    bc = jnp.zeros((C,), dtype=jnp.float32)
    return {
        'features': features, 'edge_index': edge_index,
        'eps0': eps0, 'W1_0': W1_0, 'b1_0': b1_0, 'W2_0': W2_0, 'b2_0': b2_0,
        'eps1': eps1, 'W1_1': W1_1, 'b1_1': b1_1, 'W2_1': W2_1, 'b2_1': b2_1,
        'epsc': epsc, 'Wc': Wc, 'bc': bc,
    }


def _neighbor_sum(x, edge_index):
    # sparse adj @ x : sum aggregation via gather + scatter-add
    src = edge_index[0]
    dst = edge_index[1]
    return jnp.zeros_like(x).at[dst].add(x[src])


def reference(features, edge_index, eps0, W1_0, b1_0, W2_0, b2_0,
              eps1, W1_1, b1_1, W2_1, b2_1, epsc, Wc, bc):
    x = features
    # GINBlock 0: GraphIsomorphismLayer (2-layer MLP) + ReLU + Dropout(eval=identity)
    h = (1.0 + eps0) * x + _neighbor_sum(x, edge_index)
    h = jax.nn.relu(h @ W1_0 + b1_0)
    h = h @ W2_0 + b2_0
    x = jax.nn.relu(h)
    # GINBlock 1
    h = (1.0 + eps1) * x + _neighbor_sum(x, edge_index)
    h = jax.nn.relu(h @ W1_1 + b1_1)
    h = h @ W2_1 + b2_1
    x = jax.nn.relu(h)
    # classifier: GraphIsomorphismLayer with single linear layer -> logits
    h = (1.0 + epsc) * x + _neighbor_sum(x, edge_index)
    out = h @ Wc + bc
    return out

if __name__ == "__main__":
    import jax
    _d = setup_inputs()
    print(jax.jit(kernel)(*tuple(_d.values())))

</pallas_src>

<mosaic_0001>
#map = affine_map<(d0, d1) -> (0, 0)>
#map1 = affine_map<(d0, d1) -> (0, 0, 0, 0)>
#map2 = affine_map<(d0, d1) -> (0, 0, 0)>
module attributes {stable_mosaic.version = 14 : i64} {
  func.func @_nsum_body(%arg0: i32, %arg1: i32, %arg2: memref<20000x64xf32, #tpu.memory_space<hbm>>, %arg3: memref<2x16x250x80xi32, #tpu.memory_space<hbm>>, %arg4: memref<16x250x80xi32, #tpu.memory_space<hbm>>, %arg5: memref<10240x128xf32, #tpu.memory_space<hbm>>, %arg6: memref<250x80xi32, #tpu.memory_space<vmem>>, %arg7: memref<250x80xi32, #tpu.memory_space<vmem>>, %arg8: memref<8x80x64xf32, #tpu.memory_space<vmem>>, %arg9: memref<64x64xf32, #tpu.memory_space<vmem>>, %arg10: memref<10240x64xf32, #tpu.memory_space<vmem_shared>>, %arg11: memref<!tpu.dma_semaphore, #tpu.memory_space<semaphore_mem>>, %arg12: memref<8x!tpu.dma_semaphore, #tpu.memory_space<semaphore_mem>>, %arg13: memref<8x!tpu.dma_semaphore, #tpu.memory_space<semaphore_mem>>) attributes {dimension_semantics = [#tpu.dimension_semantics<core_parallel>, #tpu.dimension_semantics<subcore_parallel>], iteration_bounds = array<i64: 2, 16>, scalar_prefetch = 0 : i64, scratch_operands = 8 : i64, tpu.core_type = #tpu.core_type<sc_vector_subcore>, window_params = [{transform_indices = #map}, {transform_indices = #map1}, {transform_indices = #map2}, {transform_indices = #map}]} {
    %dma_start3A = arith.constant 0 : i32
    %dma_start3A_0 = arith.constant 0 : i32
    %dma_start3A_1 = tpu.memref_slice %arg3[%arg0, %arg1, %dma_start3A, %dma_start3A_0] : memref<2x16x250x80xi32, #tpu.memory_space<hbm>> -> memref<1x1x250x80xi32, #tpu.memory_space<hbm>>
    %dma_start3A_2 = tpu.memref_squeeze %dma_start3A_1 : memref<1x1x250x80xi32, #tpu.memory_space<hbm>> -> memref<250x80xi32, #tpu.memory_space<hbm>>
    %dma_start3A_3 = arith.constant 0 : i32
    %dma_start3A_4 = arith.constant 0 : i32
    %dma_start3A_5 = tpu.memref_slice %arg3[%arg0, %arg1, %dma_start3A_3, %dma_start3A_4] : memref<2x16x250x80xi32, #tpu.memory_space<hbm>> -> memref<1x1x250x80xi32, #tpu.memory_space<hbm>>
    %dma_start3A_6 = tpu.memref_squeeze %dma_start3A_5 : memref<1x1x250x80xi32, #tpu.memory_space<hbm>> -> memref<250x80xi32, #tpu.memory_space<hbm>>
    tpu.enqueue_dma source(%dma_start3A_6 : memref<250x80xi32, #tpu.memory_space<hbm>>) target(%arg6 : memref<250x80xi32, #tpu.memory_space<vmem>>) target_semaphore(%arg11 : memref<!tpu.dma_semaphore, #tpu.memory_space<semaphore_mem>>)
    %dma_start3A_7 = arith.constant 0 : i32
    %dma_start3A_8 = arith.constant 0 : i32
    %dma_start3A_9 = tpu.memref_slice %arg4[%arg1, %dma_start3A_7, %dma_start3A_8] : memref<16x250x80xi32, #tpu.memory_space<hbm>> -> memref<1x250x80xi32, #tpu.memory_space<hbm>>
    %dma_start3A_10 = tpu.memref_squeeze %dma_start3A_9 : memref<1x250x80xi32, #tpu.memory_space<hbm>> -> memref<250x80xi32, #tpu.memory_space<hbm>>
    %dma_start3A_11 = arith.constant 0 : i32
    %dma_start3A_12 = arith.constant 0 : i32
    %dma_start3A_13 = tpu.memref_slice %arg4[%arg1, %dma_start3A_11, %dma_start3A_12] : memref<16x250x80xi32, #tpu.memory_space<hbm>> -> memref<1x250x80xi32, #tpu.memory_space<hbm>>
    %dma_start3A_14 = tpu.memref_squeeze %dma_start3A_13 : memref<1x250x80xi32, #tpu.memory_space<hbm>> -> memref<250x80xi32, #tpu.memory_space<hbm>>
    tpu.enqueue_dma source(%dma_start3A_14 : memref<250x80xi32, #tpu.memory_space<hbm>>) target(%arg7 : memref<250x80xi32, #tpu.memory_space<vmem>>) target_semaphore(%arg11 : memref<!tpu.dma_semaphore, #tpu.memory_space<semaphore_mem>>)
    %scan3A = arith.constant 0 : i32
    %scan3A_15 = arith.constant 0 : i32
    %scan3A_16 = arith.constant 64 : i32
    %scan3A_17 = arith.addi %scan3A_15, %scan3A_16 : i32
    %scan3A_18 = arith.constant 1 : i32
    %scan3A_19 = scf.for %scan3A_106 = %scan3A_15 to %scan3A_17 step %scan3A_18 iter_args(%scan3A_107 = %scan3A) -> (i32)  : i32 {
      %scan3A_108 = arith.constant 0 : i32
      %scan3A_109 = arith.constant 0 : i32
      %scan3A_110 = arith.constant 4 : i32
      %scan3A_111 = arith.addi %scan3A_109, %scan3A_110 : i32
      %scan3A_112 = arith.constant 1 : i32
      %scan3A_113 = scf.for %scan3A_115 = %scan3A_109 to %scan3A_111 step %scan3A_112 iter_args(%scan3A_116 = %scan3A_108) -> (i32)  : i32 {
        %broadcast_in_dim3A = arith.constant 0.000000e+00 : f32
        %broadcast_in_dim3A_117 = vector.broadcast %broadcast_in_dim3A : f32 to vector<16xf32>
        %mul3A_118 = arith.constant 16 : i32
        %mul3A_119 = arith.muli %scan3A_115, %mul3A_118 : i32
        %swap3A = arith.index_cast %scan3A_106 : i32 to index
        %swap3A_120 = arith.index_cast %mul3A_119 : i32 to index
        %swap3A_121 = tpu.vector_load %arg9[%swap3A, %swap3A_120] {strides = array<i32>} : memref<64x64xf32, #tpu.memory_space<vmem>>, vector<1x16xf32>,
        %swap3A_122 = vector.shape_cast %swap3A_121 : vector<1x16xf32> to vector<16xf32>
        %swap3A_123 = vector.shape_cast %broadcast_in_dim3A_117 : vector<16xf32> to vector<1x16xf32>
        tpu.vector_store %arg9[%swap3A, %swap3A_120], %swap3A_123 {strides = array<i32>} : memref<64x64xf32, #tpu.memory_space<vmem>>, vector<1x16xf32>,
        %scan3A_124 = arith.constant 0 : i32
        scf.yield %scan3A_124 : i32
      }
      %scan3A_114 = arith.constant 4 : i32
      scf.yield %scan3A_113 : i32
    }
    %scan3A_20 = arith.constant 64 : i32
    %mul3A = arith.constant 640 : i32
    %mul3A_21 = arith.muli %arg1, %mul3A : i32
    %add3A = arith.constant 0 : i32
    %add3A_22 = arith.addi %mul3A_21, %add3A : i32
    "tpu.region"() ({
      %run_scoped3A = tpu.sem_alloc : memref<!tpu.dma_semaphore, #tpu.memory_space<semaphore_mem>>
      %dma_start3A_106 = arith.constant 0 : i32
      %dma_start3A_107 = tpu.memref_slice %arg10[%add3A_22, %dma_start3A_106] : memref<10240x64xf32, #tpu.memory_space<vmem_shared>> -> memref<64x64xf32, #tpu.memory_space<vmem_shared>>
      %dma_start3A_108 = arith.constant 0 : i32
      %dma_start3A_109 = tpu.memref_slice %arg10[%add3A_22, %dma_start3A_108] : memref<10240x64xf32, #tpu.memory_space<vmem_shared>> -> memref<64x64xf32, #tpu.memory_space<vmem_shared>>
      tpu.enqueue_dma source(%arg9 : memref<64x64xf32, #tpu.memory_space<vmem>>) target(%dma_start3A_109 : memref<64x64xf32, #tpu.memory_space<vmem_shared>>) target_semaphore(%run_scoped3A : memref<!tpu.dma_semaphore, #tpu.memory_space<semaphore_mem>>)
      %dma_wait3A_110 = arith.constant 0 : i32
      %dma_wait3A_111 = tpu.memref_slice %arg10[%add3A_22, %dma_wait3A_110] : memref<10240x64xf32, #tpu.memory_space<vmem_shared>> -> memref<64x64xf32, #tpu.memory_space<vmem_shared>>
      %dma_wait3A_112 = arith.constant 0 : i32
      %dma_wait3A_113 = tpu.memref_slice %arg10[%add3A_22, %dma_wait3A_112] : memref<10240x64xf32, #tpu.memory_space<vmem_shared>> -> memref<64x64xf32, #tpu.memory_space<vmem_shared>>
      tpu.wait_dma2 semaphore(%run_scoped3A : memref<!tpu.dma_semaphore, #tpu.memory_space<semaphore_mem>>) src(%arg9 : memref<64x64xf32, #tpu.memory_space<vmem>>) dst(%dma_wait3A_113 : memref<64x64xf32, #tpu.memory_space<vmem_shared>>)
      tpu.yield
    }) : () -> ()
    %mul3A_23 = arith.constant 640 : i32
    %mul3A_24 = arith.muli %arg1, %mul3A_23 : i32
    %add3A_25 = arith.constant 64 : i32
    %add3A_26 = arith.addi %mul3A_24, %add3A_25 : i32
    "tpu.region"() ({
      %run_scoped3A = tpu.sem_alloc : memref<!tpu.dma_semaphore, #tpu.memory_space<semaphore_mem>>
      %dma_start3A_106 = arith.constant 0 : i32
      %dma_start3A_107 = tpu.memref_slice %arg10[%add3A_26, %dma_start3A_106] : memref<10240x64xf32, #tpu.memory_space<vmem_shared>> -> memref<64x64xf32, #tpu.memory_space<vmem_shared>>
      %dma_start3A_108 = arith.constant 0 : i32
      %dma_start3A_109 = tpu.memref_slice %arg10[%add3A_26, %dma_start3A_108] : memref<10240x64xf32, #tpu.memory_space<vmem_shared>> -> memref<64x64xf32, #tpu.memory_space<vmem_shared>>
      tpu.enqueue_dma source(%arg9 : memref<64x64xf32, #tpu.memory_space<vmem>>) target(%dma_start3A_109 : memref<64x64xf32, #tpu.memory_space<vmem_shared>>) target_semaphore(%run_scoped3A : memref<!tpu.dma_semaphore, #tpu.memory_space<semaphore_mem>>)
      %dma_wait3A_110 = arith.constant 0 : i32
      %dma_wait3A_111 = tpu.memref_slice %arg10[%add3A_26, %dma_wait3A_110] : memref<10240x64xf32, #tpu.memory_space<vmem_shared>> -> memref<64x64xf32, #tpu.memory_space<vmem_shared>>
      %dma_wait3A_112 = arith.constant 0 : i32
      %dma_wait3A_113 = tpu.memref_slice %arg10[%add3A_26, %dma_wait3A_112] : memref<10240x64xf32, #tpu.memory_space<vmem_shared>> -> memref<64x64xf32, #tpu.memory_space<vmem_shared>>
      tpu.wait_dma2 semaphore(%run_scoped3A : memref<!tpu.dma_semaphore, #tpu.memory_space<semaphore_mem>>) src(%arg9 : memref<64x64xf32, #tpu.memory_space<vmem>>) dst(%dma_wait3A_113 : memref<64x64xf32, #tpu.memory_space<vmem_shared>>)
      tpu.yield
    }) : () -> ()
    %mul3A_27 = arith.constant 640 : i32
    %mul3A_28 = arith.muli %arg1, %mul3A_27 : i32
    %add3A_29 = arith.constant 128 : i32
    %add3A_30 = arith.addi %mul3A_28, %add3A_29 : i32
    "tpu.region"() ({
      %run_scoped3A = tpu.sem_alloc : memref<!tpu.dma_semaphore, #tpu.memory_space<semaphore_mem>>
      %dma_start3A_106 = arith.constant 0 : i32
      %dma_start3A_107 = tpu.memref_slice %arg10[%add3A_30, %dma_start3A_106] : memref<10240x64xf32, #tpu.memory_space<vmem_shared>> -> memref<64x64xf32, #tpu.memory_space<vmem_shared>>
      %dma_start3A_108 = arith.constant 0 : i32
      %dma_start3A_109 = tpu.memref_slice %arg10[%add3A_30, %dma_start3A_108] : memref<10240x64xf32, #tpu.memory_space<vmem_shared>> -> memref<64x64xf32, #tpu.memory_space<vmem_shared>>
      tpu.enqueue_dma source(%arg9 : memref<64x64xf32, #tpu.memory_space<vmem>>) target(%dma_start3A_109 : memref<64x64xf32, #tpu.memory_space<vmem_shared>>) target_semaphore(%run_scoped3A : memref<!tpu.dma_semaphore, #tpu.memory_space<semaphore_mem>>)
      %dma_wait3A_110 = arith.constant 0 : i32
      %dma_wait3A_111 = tpu.memref_slice %arg10[%add3A_30, %dma_wait3A_110] : memref<10240x64xf32, #tpu.memory_space<vmem_shared>> -> memref<64x64xf32, #tpu.memory_space<vmem_shared>>
      %dma_wait3A_112 = arith.constant 0 : i32
      %dma_wait3A_113 = tpu.memref_slice %arg10[%add3A_30, %dma_wait3A_112] : memref<10240x64xf32, #tpu.memory_space<vmem_shared>> -> memref<64x64xf32, #tpu.memory_space<vmem_shared>>
      tpu.wait_dma2 semaphore(%run_scoped3A : memref<!tpu.dma_semaphore, #tpu.memory_space<semaphore_mem>>) src(%arg9 : memref<64x64xf32, #tpu.memory_space<vmem>>) dst(%dma_wait3A_113 : memref<64x64xf32, #tpu.memory_space<vmem_shared>>)
      tpu.yield
    }) : () -> ()
    %mul3A_31 = arith.constant 640 : i32
    %mul3A_32 = arith.muli %arg1, %mul3A_31 : i32
    %add3A_33 = arith.constant 192 : i32
    %add3A_34 = arith.addi %mul3A_32, %add3A_33 : i32
    "tpu.region"() ({
      %run_scoped3A = tpu.sem_alloc : memref<!tpu.dma_semaphore, #tpu.memory_space<semaphore_mem>>
      %dma_start3A_106 = arith.constant 0 : i32
      %dma_start3A_107 = tpu.memref_slice %arg10[%add3A_34, %dma_start3A_106] : memref<10240x64xf32, #tpu.memory_space<vmem_shared>> -> memref<64x64xf32, #tpu.memory_space<vmem_shared>>
      %dma_start3A_108 = arith.constant 0 : i32
      %dma_start3A_109 = tpu.memref_slice %arg10[%add3A_34, %dma_start3A_108] : memref<10240x64xf32, #tpu.memory_space<vmem_shared>> -> memref<64x64xf32, #tpu.memory_space<vmem_shared>>
      tpu.enqueue_dma source(%arg9 : memref<64x64xf32, #tpu.memory_space<vmem>>) target(%dma_start3A_109 : memref<64x64xf32, #tpu.memory_space<vmem_shared>>) target_semaphore(%run_scoped3A : memref<!tpu.dma_semaphore, #tpu.memory_space<semaphore_mem>>)
      %dma_wait3A_110 = arith.constant 0 : i32
      %dma_wait3A_111 = tpu.memref_slice %arg10[%add3A_34, %dma_wait3A_110] : memref<10240x64xf32, #tpu.memory_space<vmem_shared>> -> memref<64x64xf32, #tpu.memory_space<vmem_shared>>
      %dma_wait3A_112 = arith.constant 0 : i32
      %dma_wait3A_113 = tpu.memref_slice %arg10[%add3A_34, %dma_wait3A_112] : memref<10240x64xf32, #tpu.memory_space<vmem_shared>> -> memref<64x64xf32, #tpu.memory_space<vmem_shared>>
      tpu.wait_dma2 semaphore(%run_scoped3A : memref<!tpu.dma_semaphore, #tpu.memory_space<semaphore_mem>>) src(%arg9 : memref<64x64xf32, #tpu.memory_space<vmem>>) dst(%dma_wait3A_113 : memref<64x64xf32, #tpu.memory_space<vmem_shared>>)
      tpu.yield
    }) : () -> ()
    %mul3A_35 = arith.constant 640 : i32
    %mul3A_36 = arith.muli %arg1, %mul3A_35 : i32
    %add3A_37 = arith.constant 256 : i32
    %add3A_38 = arith.addi %mul3A_36, %add3A_37 : i32
    "tpu.region"() ({
      %run_scoped3A = tpu.sem_alloc : memref<!tpu.dma_semaphore, #tpu.memory_space<semaphore_mem>>
      %dma_start3A_106 = arith.constant 0 : i32
      %dma_start3A_107 = tpu.memref_slice %arg10[%add3A_38, %dma_start3A_106] : memref<10240x64xf32, #tpu.memory_space<vmem_shared>> -> memref<64x64xf32, #tpu.memory_space<vmem_shared>>
      %dma_start3A_108 = arith.constant 0 : i32
      %dma_start3A_109 = tpu.memref_slice %arg10[%add3A_38, %dma_start3A_108] : memref<10240x64xf32, #tpu.memory_space<vmem_shared>> -> memref<64x64xf32, #tpu.memory_space<vmem_shared>>
      tpu.enqueue_dma source(%arg9 : memref<64x64xf32, #tpu.memory_space<vmem>>) target(%dma_start3A_109 : memref<64x64xf32, #tpu.memory_space<vmem_shared>>) target_semaphore(%run_scoped3A : memref<!tpu.dma_semaphore, #tpu.memory_space<semaphore_mem>>)
      %dma_wait3A_110 = arith.constant 0 : i32
      %dma_wait3A_111 = tpu.memref_slice %arg10[%add3A_38, %dma_wait3A_110] : memref<10240x64xf32, #tpu.memory_space<vmem_shared>> -> memref<64x64xf32, #tpu.memory_space<vmem_shared>>
      %dma_wait3A_112 = arith.constant 0 : i32
      %dma_wait3A_113 = tpu.memref_slice %arg10[%add3A_38, %dma_wait3A_112] : memref<10240x64xf32, #tpu.memory_space<vmem_shared>> -> memref<64x64xf32, #tpu.memory_space<vmem_shared>>
      tpu.wait_dma2 semaphore(%run_scoped3A : memref<!tpu.dma_semaphore, #tpu.memory_space<semaphore_mem>>) src(%arg9 : memref<64x64xf32, #tpu.memory_space<vmem>>) dst(%dma_wait3A_113 : memref<64x64xf32, #tpu.memory_space<vmem_shared>>)
      tpu.yield
    }) : () -> ()
    %mul3A_39 = arith.constant 640 : i32
    %mul3A_40 = arith.muli %arg1, %mul3A_39 : i32
    %add3A_41 = arith.constant 320 : i32
    %add3A_42 = arith.addi %mul3A_40, %add3A_41 : i32
    "tpu.region"() ({
      %run_scoped3A = tpu.sem_alloc : memref<!tpu.dma_semaphore, #tpu.memory_space<semaphore_mem>>
      %dma_start3A_106 = arith.constant 0 : i32
      %dma_start3A_107 = tpu.memref_slice %arg10[%add3A_42, %dma_start3A_106] : memref<10240x64xf32, #tpu.memory_space<vmem_shared>> -> memref<64x64xf32, #tpu.memory_space<vmem_shared>>
      %dma_start3A_108 = arith.constant 0 : i32
      %dma_start3A_109 = tpu.memref_slice %arg10[%add3A_42, %dma_start3A_108] : memref<10240x64xf32, #tpu.memory_space<vmem_shared>> -> memref<64x64xf32, #tpu.memory_space<vmem_shared>>
      tpu.enqueue_dma source(%arg9 : memref<64x64xf32, #tpu.memory_space<vmem>>) target(%dma_start3A_109 : memref<64x64xf32, #tpu.memory_space<vmem_shared>>) target_semaphore(%run_scoped3A : memref<!tpu.dma_semaphore, #tpu.memory_space<semaphore_mem>>)
      %dma_wait3A_110 = arith.constant 0 : i32
      %dma_wait3A_111 = tpu.memref_slice %arg10[%add3A_42, %dma_wait3A_110] : memref<10240x64xf32, #tpu.memory_space<vmem_shared>> -> memref<64x64xf32, #tpu.memory_space<vmem_shared>>
      %dma_wait3A_112 = arith.constant 0 : i32
      %dma_wait3A_113 = tpu.memref_slice %arg10[%add3A_42, %dma_wait3A_112] : memref<10240x64xf32, #tpu.memory_space<vmem_shared>> -> memref<64x64xf32, #tpu.memory_space<vmem_shared>>
      tpu.wait_dma2 semaphore(%run_scoped3A : memref<!tpu.dma_semaphore, #tpu.memory_space<semaphore_mem>>) src(%arg9 : memref<64x64xf32, #tpu.memory_space<vmem>>) dst(%dma_wait3A_113 : memref<64x64xf32, #tpu.memory_space<vmem_shared>>)
      tpu.yield
    }) : () -> ()
    %mul3A_43 = arith.constant 640 : i32
    %mul3A_44 = arith.muli %arg1, %mul3A_43 : i32
    %add3A_45 = arith.constant 384 : i32
    %add3A_46 = arith.addi %mul3A_44, %add3A_45 : i32
    "tpu.region"() ({
      %run_scoped3A = tpu.sem_alloc : memref<!tpu.dma_semaphore, #tpu.memory_space<semaphore_mem>>
      %dma_start3A_106 = arith.constant 0 : i32
      %dma_start3A_107 = tpu.memref_slice %arg10[%add3A_46, %dma_start3A_106] : memref<10240x64xf32, #tpu.memory_space<vmem_shared>> -> memref<64x64xf32, #tpu.memory_space<vmem_shared>>
      %dma_start3A_108 = arith.constant 0 : i32
      %dma_start3A_109 = tpu.memref_slice %arg10[%add3A_46, %dma_start3A_108] : memref<10240x64xf32, #tpu.memory_space<vmem_shared>> -> memref<64x64xf32, #tpu.memory_space<vmem_shared>>
      tpu.enqueue_dma source(%arg9 : memref<64x64xf32, #tpu.memory_space<vmem>>) target(%dma_start3A_109 : memref<64x64xf32, #tpu.memory_space<vmem_shared>>) target_semaphore(%run_scoped3A : memref<!tpu.dma_semaphore, #tpu.memory_space<semaphore_mem>>)
      %dma_wait3A_110 = arith.constant 0 : i32
      %dma_wait3A_111 = tpu.memref_slice %arg10[%add3A_46, %dma_wait3A_110] : memref<10240x64xf32, #tpu.memory_space<vmem_shared>> -> memref<64x64xf32, #tpu.memory_space<vmem_shared>>
      %dma_wait3A_112 = arith.constant 0 : i32
      %dma_wait3A_113 = tpu.memref_slice %arg10[%add3A_46, %dma_wait3A_112] : memref<10240x64xf32, #tpu.memory_space<vmem_shared>> -> memref<64x64xf32, #tpu.memory_space<vmem_shared>>
      tpu.wait_dma2 semaphore(%run_scoped3A : memref<!tpu.dma_semaphore, #tpu.memory_space<semaphore_mem>>) src(%arg9 : memref<64x64xf32, #tpu.memory_space<vmem>>) dst(%dma_wait3A_113 : memref<64x64xf32, #tpu.memory_space<vmem_shared>>)
      tpu.yield
    }) : () -> ()
    %mul3A_47 = arith.constant 640 : i32
    %mul3A_48 = arith.muli %arg1, %mul3A_47 : i32
    %add3A_49 = arith.constant 448 : i32
    %add3A_50 = arith.addi %mul3A_48, %add3A_49 : i32
    "tpu.region"() ({
      %run_scoped3A = tpu.sem_alloc : memref<!tpu.dma_semaphore, #tpu.memory_space<semaphore_mem>>
      %dma_start3A_106 = arith.constant 0 : i32
      %dma_start3A_107 = tpu.memref_slice %arg10[%add3A_50, %dma_start3A_106] : memref<10240x64xf32, #tpu.memory_space<vmem_shared>> -> memref<64x64xf32, #tpu.memory_space<vmem_shared>>
      %dma_start3A_108 = arith.constant 0 : i32
      %dma_start3A_109 = tpu.memref_slice %arg10[%add3A_50, %dma_start3A_108] : memref<10240x64xf32, #tpu.memory_space<vmem_shared>> -> memref<64x64xf32, #tpu.memory_space<vmem_shared>>
      tpu.enqueue_dma source(%arg9 : memref<64x64xf32, #tpu.memory_space<vmem>>) target(%dma_start3A_109 : memref<64x64xf32, #tpu.memory_space<vmem_shared>>) target_semaphore(%run_scoped3A : memref<!tpu.dma_semaphore, #tpu.memory_space<semaphore_mem>>)
      %dma_wait3A_110 = arith.constant 0 : i32
      %dma_wait3A_111 = tpu.memref_slice %arg10[%add3A_50, %dma_wait3A_110] : memref<10240x64xf32, #tpu.memory_space<vmem_shared>> -> memref<64x64xf32, #tpu.memory_space<vmem_shared>>
      %dma_wait3A_112 = arith.constant 0 : i32
      %dma_wait3A_113 = tpu.memref_slice %arg10[%add3A_50, %dma_wait3A_112] : memref<10240x64xf32, #tpu.memory_space<vmem_shared>> -> memref<64x64xf32, #tpu.memory_space<vmem_shared>>
      tpu.wait_dma2 semaphore(%run_scoped3A : memref<!tpu.dma_semaphore, #tpu.memory_space<semaphore_mem>>) src(%arg9 : memref<64x64xf32, #tpu.memory_space<vmem>>) dst(%dma_wait3A_113 : memref<64x64xf32, #tpu.memory_space<vmem_shared>>)
      tpu.yield
    }) : () -> ()
    %mul3A_51 = arith.constant 640 : i32
    %mul3A_52 = arith.muli %arg1, %mul3A_51 : i32
    %add3A_53 = arith.constant 512 : i32
    %add3A_54 = arith.addi %mul3A_52, %add3A_53 : i32
    "tpu.region"() ({
      %run_scoped3A = tpu.sem_alloc : memref<!tpu.dma_semaphore, #tpu.memory_space<semaphore_mem>>
      %dma_start3A_106 = arith.constant 0 : i32
      %dma_start3A_107 = tpu.memref_slice %arg10[%add3A_54, %dma_start3A_106] : memref<10240x64xf32, #tpu.memory_space<vmem_shared>> -> memref<64x64xf32, #tpu.memory_space<vmem_shared>>
      %dma_start3A_108 = arith.constant 0 : i32
      %dma_start3A_109 = tpu.memref_slice %arg10[%add3A_54, %dma_start3A_108] : memref<10240x64xf32, #tpu.memory_space<vmem_shared>> -> memref<64x64xf32, #tpu.memory_space<vmem_shared>>
      tpu.enqueue_dma source(%arg9 : memref<64x64xf32, #tpu.memory_space<vmem>>) target(%dma_start3A_109 : memref<64x64xf32, #tpu.memory_space<vmem_shared>>) target_semaphore(%run_scoped3A : memref<!tpu.dma_semaphore, #tpu.memory_space<semaphore_mem>>)
      %dma_wait3A_110 = arith.constant 0 : i32
      %dma_wait3A_111 = tpu.memref_slice %arg10[%add3A_54, %dma_wait3A_110] : memref<10240x64xf32, #tpu.memory_space<vmem_shared>> -> memref<64x64xf32, #tpu.memory_space<vmem_shared>>
      %dma_wait3A_112 = arith.constant 0 : i32
      %dma_wait3A_113 = tpu.memref_slice %arg10[%add3A_54, %dma_wait3A_112] : memref<10240x64xf32, #tpu.memory_space<vmem_shared>> -> memref<64x64xf32, #tpu.memory_space<vmem_shared>>
      tpu.wait_dma2 semaphore(%run_scoped3A : memref<!tpu.dma_semaphore, #tpu.memory_space<semaphore_mem>>) src(%arg9 : memref<64x64xf32, #tpu.memory_space<vmem>>) dst(%dma_wait3A_113 : memref<64x64xf32, #tpu.memory_space<vmem_shared>>)
      tpu.yield
    }) : () -> ()
    %mul3A_55 = arith.constant 640 : i32
    %mul3A_56 = arith.muli %arg1, %mul3A_55 : i32
    %add3A_57 = arith.constant 576 : i32
    %add3A_58 = arith.addi %mul3A_56, %add3A_57 : i32
    "tpu.region"() ({
      %run_scoped3A = tpu.sem_alloc : memref<!tpu.dma_semaphore, #tpu.memory_space<semaphore_mem>>
      %dma_start3A_106 = arith.constant 0 : i32
      %dma_start3A_107 = tpu.memref_slice %arg10[%add3A_58, %dma_start3A_106] : memref<10240x64xf32, #tpu.memory_space<vmem_shared>> -> memref<64x64xf32, #tpu.memory_space<vmem_shared>>
      %dma_start3A_108 = arith.constant 0 : i32
      %dma_start3A_109 = tpu.memref_slice %arg10[%add3A_58, %dma_start3A_108] : memref<10240x64xf32, #tpu.memory_space<vmem_shared>> -> memref<64x64xf32, #tpu.memory_space<vmem_shared>>
      tpu.enqueue_dma source(%arg9 : memref<64x64xf32, #tpu.memory_space<vmem>>) target(%dma_start3A_109 : memref<64x64xf32, #tpu.memory_space<vmem_shared>>) target_semaphore(%run_scoped3A : memref<!tpu.dma_semaphore, #tpu.memory_space<semaphore_mem>>)
      %dma_wait3A_110 = arith.constant 0 : i32
      %dma_wait3A_111 = tpu.memref_slice %arg10[%add3A_58, %dma_wait3A_110] : memref<10240x64xf32, #tpu.memory_space<vmem_shared>> -> memref<64x64xf32, #tpu.memory_space<vmem_shared>>
      %dma_wait3A_112 = arith.constant 0 : i32
      %dma_wait3A_113 = tpu.memref_slice %arg10[%add3A_58, %dma_wait3A_112] : memref<10240x64xf32, #tpu.memory_space<vmem_shared>> -> memref<64x64xf32, #tpu.memory_space<vmem_shared>>
      tpu.wait_dma2 semaphore(%run_scoped3A : memref<!tpu.dma_semaphore, #tpu.memory_space<semaphore_mem>>) src(%arg9 : memref<64x64xf32, #tpu.memory_space<vmem>>) dst(%dma_wait3A_113 : memref<64x64xf32, #tpu.memory_space<vmem_shared>>)
      tpu.yield
    }) : () -> ()
    %dma_wait3A = arith.constant 0 : i32
    %dma_wait3A_59 = arith.constant 0 : i32
    %dma_wait3A_60 = tpu.memref_slice %arg3[%arg0, %arg1, %dma_wait3A, %dma_wait3A_59] : memref<2x16x250x80xi32, #tpu.memory_space<hbm>> -> memref<1x1x250x80xi32, #tpu.memory_space<hbm>>
    %dma_wait3A_61 = tpu.memref_squeeze %dma_wait3A_60 : memref<1x1x250x80xi32, #tpu.memory_space<hbm>> -> memref<250x80xi32, #tpu.memory_space<hbm>>
    %dma_wait3A_62 = arith.constant 0 : i32
    %dma_wait3A_63 = arith.constant 0 : i32
    %dma_wait3A_64 = tpu.memref_slice %arg3[%arg0, %arg1, %dma_wait3A_62, %dma_wait3A_63] : memref<2x16x250x80xi32, #tpu.memory_space<hbm>> -> memref<1x1x250x80xi32, #tpu.memory_space<hbm>>
    %dma_wait3A_65 = tpu.memref_squeeze %dma_wait3A_64 : memref<1x1x250x80xi32, #tpu.memory_space<hbm>> -> memref<250x80xi32, #tpu.memory_space<hbm>>
    tpu.wait_dma2 semaphore(%arg11 : memref<!tpu.dma_semaphore, #tpu.memory_space<semaphore_mem>>) src(%dma_wait3A_65 : memref<250x80xi32, #tpu.memory_space<hbm>>) dst(%arg6 : memref<250x80xi32, #tpu.memory_space<vmem>>)
    %dma_wait3A_66 = arith.constant 0 : i32
    %dma_wait3A_67 = arith.constant 0 : i32
    %dma_wait3A_68 = tpu.memref_slice %arg4[%arg1, %dma_wait3A_66, %dma_wait3A_67] : memref<16x250x80xi32, #tpu.memory_space<hbm>> -> memref<1x250x80xi32, #tpu.memory_space<hbm>>
    %dma_wait3A_69 = tpu.memref_squeeze %dma_wait3A_68 : memref<1x250x80xi32, #tpu.memory_space<hbm>> -> memref<250x80xi32, #tpu.memory_space<hbm>>
    %dma_wait3A_70 = arith.constant 0 : i32
    %dma_wait3A_71 = arith.constant 0 : i32
    %dma_wait3A_72 = tpu.memref_slice %arg4[%arg1, %dma_wait3A_70, %dma_wait3A_71] : memref<16x250x80xi32, #tpu.memory_space<hbm>> -> memref<1x250x80xi32, #tpu.memory_space<hbm>>
    %dma_wait3A_73 = tpu.memref_squeeze %dma_wait3A_72 : memref<1x250x80xi32, #tpu.memory_space<hbm>> -> memref<250x80xi32, #tpu.memory_space<hbm>>
    tpu.wait_dma2 semaphore(%arg11 : memref<!tpu.dma_semaphore, #tpu.memory_space<semaphore_mem>>) src(%dma_wait3A_73 : memref<250x80xi32, #tpu.memory_space<hbm>>) dst(%arg7 : memref<250x80xi32, #tpu.memory_space<vmem>>)
    %barrier3A = arith.constant 0 : index
    tpu.barrier barrier_id(%barrier3A)
    %scan3A_74 = arith.constant 0 : i32
    %scan3A_75 = arith.constant 0 : i32
    %scan3A_76 = arith.constant 127 : i32
    %scan3A_77 = arith.addi %scan3A_75, %scan3A_76 : i32
    %scan3A_78 = arith.constant 1 : i32
    %scan3A_79 = scf.for %scan3A_106 = %scan3A_75 to %scan3A_77 step %scan3A_78 iter_args(%scan3A_107 = %scan3A_74) -> (i32)  : i32 {
      %mul3A_108 = arith.constant 2 : i32
      %mul3A_109 = arith.muli %scan3A_106, %mul3A_108 : i32
      %add3A_110 = arith.constant 0 : i32
      %add3A_111 = arith.addi %mul3A_109, %add3A_110 : i32
      %lt3A = arith.constant 250 : i32
      %lt3A_112 = arith.cmpi slt, %add3A_111, %lt3A : i32
      %convert_element_type3A_113 = arith.extui %lt3A_112 : i1 to i32
      %cond3A_114 = arith.constant 0 : i32
      %cond3A_115 = arith.cmpi ne, %convert_element_type3A_113, %cond3A_114 : i32
      scf.if %cond3A_115 {
        %rem3A = arith.constant 8 : i32
        %rem3A_140 = arith.remsi %add3A_111, %rem3A : i32
        %dma_start3A_141 = arith.constant 0 : i32
        %dma_start3A_142 = arith.constant 0 : i32
        %dma_start3A_143 = tpu.memref_slice %arg8[%rem3A_140, %dma_start3A_141, %dma_start3A_142] : memref<8x80x64xf32, #tpu.memory_space<vmem>> -> memref<1x80x64xf32, #tpu.memory_space<vmem>>
        %dma_start3A_144 = tpu.memref_squeeze %dma_start3A_143 : memref<1x80x64xf32, #tpu.memory_space<vmem>> -> memref<80x64xf32, #tpu.memory_space<vmem>>
        %dma_start3A_145 = arith.constant 0 : i32
        %dma_start3A_146 = tpu.memref_slice %arg6[%add3A_111, %dma_start3A_145] : memref<250x80xi32, #tpu.memory_space<vmem>> -> memref<1x80xi32, #tpu.memory_space<vmem>>
        %dma_start3A_147 = tpu.memref_squeeze %dma_start3A_146 : memref<1x80xi32, #tpu.memory_space<vmem>> -> memref<80xi32, #tpu.memory_space<vmem>>
        %dma_start3A_148 = arith.constant 0 : i32
        %dma_start3A_149 = arith.constant 0 : i32
        %dma_start3A_150 = tpu.memref_slice %arg2[%dma_start3A_148, %dma_start3A_149] : memref<20000x64xf32, #tpu.memory_space<hbm>> -> memref<20000x64xf32, #tpu.memory_space<hbm>>
        %dma_start3A_151 = tpu.memref_slice %arg12[%rem3A_140] : memref<8x!tpu.dma_semaphore, #tpu.memory_space<semaphore_mem>> -> memref<1x!tpu.dma_semaphore, #tpu.memory_space<semaphore_mem>>
        %dma_start3A_152 = tpu.memref_squeeze %dma_start3A_151 : memref<1x!tpu.dma_semaphore, #tpu.memory_space<semaphore_mem>> -> memref<!tpu.dma_semaphore, #tpu.memory_space<semaphore_mem>>
        tpu.enqueue_indirect_dma source(%dma_start3A_150 : memref<20000x64xf32, #tpu.memory_space<hbm>>) target(%dma_start3A_144 : memref<80x64xf32, #tpu.memory_space<vmem>>) offsets(%dma_start3A_147 : memref<80xi32, #tpu.memory_space<vmem>>) semaphore(%dma_start3A_152 : memref<!tpu.dma_semaphore, #tpu.memory_space<semaphore_mem>>)
      } else {
      }
      %ge3A = arith.constant 4 : i32
      %ge3A_116 = arith.cmpi sge, %add3A_111, %ge3A : i32
      %lt3A_117 = arith.constant 254 : i32
      %lt3A_118 = arith.cmpi slt, %add3A_111, %lt3A_117 : i32
      %and3A = arith.andi %ge3A_116, %lt3A_118 : i1
      %convert_element_type3A_119 = arith.extui %and3A : i1 to i32
      %cond3A_120 = arith.constant 0 : i32
      %cond3A_121 = arith.cmpi ne, %convert_element_type3A_119, %cond3A_120 : i32
      scf.if %cond3A_121 {
        %sub3A = arith.constant 4 : i32
        %sub3A_140 = arith.subi %add3A_111, %sub3A : i32
        %rem3A = arith.constant 8 : i32
        %rem3A_141 = arith.remsi %sub3A_140, %rem3A : i32
        %dma_wait3A_142 = arith.constant 0 : i32
        %dma_wait3A_143 = arith.constant 0 : i32
        %dma_wait3A_144 = tpu.memref_slice %arg8[%rem3A_141, %dma_wait3A_142, %dma_wait3A_143] : memref<8x80x64xf32, #tpu.memory_space<vmem>> -> memref<1x80x64xf32, #tpu.memory_space<vmem>>
        %dma_wait3A_145 = tpu.memref_squeeze %dma_wait3A_144 : memref<1x80x64xf32, #tpu.memory_space<vmem>> -> memref<80x64xf32, #tpu.memory_space<vmem>>
        %dma_wait3A_146 = arith.constant 0 : i32
        %dma_wait3A_147 = tpu.memref_slice %arg6[%sub3A_140, %dma_wait3A_146] : memref<250x80xi32, #tpu.memory_space<vmem>> -> memref<1x80xi32, #tpu.memory_space<vmem>>
        %dma_wait3A_148 = tpu.memref_squeeze %dma_wait3A_147 : memref<1x80xi32, #tpu.memory_space<vmem>> -> memref<80xi32, #tpu.memory_space<vmem>>
        %dma_wait3A_149 = arith.constant 0 : i32
        %dma_wait3A_150 = arith.constant 0 : i32
        %dma_wait3A_151 = tpu.memref_slice %arg2[%dma_wait3A_149, %dma_wait3A_150] : memref<20000x64xf32, #tpu.memory_space<hbm>> -> memref<20000x64xf32, #tpu.memory_space<hbm>>
        %dma_wait3A_152 = tpu.memref_slice %arg12[%rem3A_141] : memref<8x!tpu.dma_semaphore, #tpu.memory_space<semaphore_mem>> -> memref<1x!tpu.dma_semaphore, #tpu.memory_space<semaphore_mem>>
        %dma_wait3A_153 = tpu.memref_squeeze %dma_wait3A_152 : memref<1x!tpu.dma_semaphore, #tpu.memory_space<semaphore_mem>> -> memref<!tpu.dma_semaphore, #tpu.memory_space<semaphore_mem>>
        tpu.wait_indirect_dma semaphore(%dma_wait3A_153 : memref<!tpu.dma_semaphore, #tpu.memory_space<semaphore_mem>>) src(%dma_wait3A_151 : memref<20000x64xf32, #tpu.memory_space<hbm>>) dst(%dma_wait3A_145 : memref<80x64xf32, #tpu.memory_space<vmem>>)
        %ge3A_154 = arith.constant 1 : i32
        %ge3A_155 = arith.cmpi sge, %sub3A_140, %ge3A_154 : i32
        %convert_element_type3A_156 = arith.extui %ge3A_155 : i1 to i32
        %cond3A_157 = arith.constant 0 : i32
        %cond3A_158 = arith.cmpi ne, %convert_element_type3A_156, %cond3A_157 : i32
        scf.if %cond3A_158 {
          %sub3A_171 = arith.constant 1 : i32
          %sub3A_172 = arith.subi %sub3A_140, %sub3A_171 : i32
          %rem3A_173 = arith.constant 8 : i32
          %rem3A_174 = arith.remsi %sub3A_172, %rem3A_173 : i32
          %sub3A_175 = arith.constant 1 : i32
          %sub3A_176 = arith.subi %sub3A_140, %sub3A_175 : i32
          %dma_wait3A_177 = arith.constant 0 : i32
          %dma_wait3A_178 = arith.constant 0 : i32
          %dma_wait3A_179 = tpu.memref_slice %arg8[%rem3A_174, %dma_wait3A_177, %dma_wait3A_178] : memref<8x80x64xf32, #tpu.memory_space<vmem>> -> memref<1x80x64xf32, #tpu.memory_space<vmem>>
          %dma_wait3A_180 = tpu.memref_squeeze %dma_wait3A_179 : memref<1x80x64xf32, #tpu.memory_space<vmem>> -> memref<80x64xf32, #tpu.memory_space<vmem>>
          %dma_wait3A_181 = arith.constant 0 : i32
          %dma_wait3A_182 = tpu.memref_slice %arg7[%sub3A_176, %dma_wait3A_181] : memref<250x80xi32, #tpu.memory_space<vmem>> -> memref<1x80xi32, #tpu.memory_space<vmem>>
          %dma_wait3A_183 = tpu.memref_squeeze %dma_wait3A_182 : memref<1x80xi32, #tpu.memory_space<vmem>> -> memref<80xi32, #tpu.memory_space<vmem>>
          %dma_wait3A_184 = arith.constant 0 : i32
          %dma_wait3A_185 = arith.constant 0 : i32
          %dma_wait3A_186 = tpu.memref_slice %arg10[%dma_wait3A_184, %dma_wait3A_185] : memref<10240x64xf32, #tpu.memory_space<vmem_shared>> -> memref<10240x64xf32, #tpu.memory_space<vmem_shared>>
          %dma_wait3A_187 = tpu.memref_slice %arg13[%rem3A_174] : memref<8x!tpu.dma_semaphore, #tpu.memory_space<semaphore_mem>> -> memref<1x!tpu.dma_semaphore, #tpu.memory_space<semaphore_mem>>
          %dma_wait3A_188 = tpu.memref_squeeze %dma_wait3A_187 : memref<1x!tpu.dma_semaphore, #tpu.memory_space<semaphore_mem>> -> memref<!tpu.dma_semaphore, #tpu.memory_space<semaphore_mem>>
          tpu.wait_indirect_dma semaphore(%dma_wait3A_188 : memref<!tpu.dma_semaphore, #tpu.memory_space<semaphore_mem>>) src(%dma_wait3A_180 : memref<80x64xf32, #tpu.memory_space<vmem>>) dst(%dma_wait3A_186 : memref<10240x64xf32, #tpu.memory_space<vmem_shared>>)
        } else {
        }
        %dma_start3A_159 = arith.constant 0 : i32
        %dma_start3A_160 = arith.constant 0 : i32
        %dma_start3A_161 = tpu.memref_slice %arg8[%rem3A_141, %dma_start3A_159, %dma_start3A_160] : memref<8x80x64xf32, #tpu.memory_space<vmem>> -> memref<1x80x64xf32, #tpu.memory_space<vmem>>
        %dma_start3A_162 = tpu.memref_squeeze %dma_start3A_161 : memref<1x80x64xf32, #tpu.memory_space<vmem>> -> memref<80x64xf32, #tpu.memory_space<vmem>>
        %dma_start3A_163 = arith.constant 0 : i32
        %dma_start3A_164 = tpu.memref_slice %arg7[%sub3A_140, %dma_start3A_163] : memref<250x80xi32, #tpu.memory_space<vmem>> -> memref<1x80xi32, #tpu.memory_space<vmem>>
        %dma_start3A_165 = tpu.memref_squeeze %dma_start3A_164 : memref<1x80xi32, #tpu.memory_space<vmem>> -> memref<80xi32, #tpu.memory_space<vmem>>
        %dma_start3A_166 = arith.constant 0 : i32
        %dma_start3A_167 = arith.constant 0 : i32
        %dma_start3A_168 = tpu.memref_slice %arg10[%dma_start3A_166, %dma_start3A_167] : memref<10240x64xf32, #tpu.memory_space<vmem_shared>> -> memref<10240x64xf32, #tpu.memory_space<vmem_shared>>
        %dma_start3A_169 = tpu.memref_slice %arg13[%rem3A_141] : memref<8x!tpu.dma_semaphore, #tpu.memory_space<semaphore_mem>> -> memref<1x!tpu.dma_semaphore, #tpu.memory_space<semaphore_mem>>
        %dma_start3A_170 = tpu.memref_squeeze %dma_start3A_169 : memref<1x!tpu.dma_semaphore, #tpu.memory_space<semaphore_mem>> -> memref<!tpu.dma_semaphore, #tpu.memory_space<semaphore_mem>>
        tpu.enqueue_indirect_dma source(%dma_start3A_162 : memref<80x64xf32, #tpu.memory_space<vmem>>) target(%dma_start3A_168 : memref<10240x64xf32, #tpu.memory_space<vmem_shared>>) offsets(%dma_start3A_165 : memref<80xi32, #tpu.memory_space<vmem>>) semaphore(%dma_start3A_170 : memref<!tpu.dma_semaphore, #tpu.memory_space<semaphore_mem>>) {add = true}
      } else {
      }
      %mul3A_122 = arith.constant 2 : i32
      %mul3A_123 = arith.muli %scan3A_106, %mul3A_122 : i32
      %add3A_124 = arith.constant 1 : i32
      %add3A_125 = arith.addi %mul3A_123, %add3A_124 : i32
      %lt3A_126 = arith.constant 250 : i32
      %lt3A_127 = arith.cmpi slt, %add3A_125, %lt3A_126 : i32
      %convert_element_type3A_128 = arith.extui %lt3A_127 : i1 to i32
      %cond3A_129 = arith.constant 0 : i32
      %cond3A_130 = arith.cmpi ne, %convert_element_type3A_128, %cond3A_129 : i32
      scf.if %cond3A_130 {
        %rem3A = arith.constant 8 : i32
        %rem3A_140 = arith.remsi %add3A_125, %rem3A : i32
        %dma_start3A_141 = arith.constant 0 : i32
        %dma_start3A_142 = arith.constant 0 : i32
        %dma_start3A_143 = tpu.memref_slice %arg8[%rem3A_140, %dma_start3A_141, %dma_start3A_142] : memref<8x80x64xf32, #tpu.memory_space<vmem>> -> memref<1x80x64xf32, #tpu.memory_space<vmem>>
        %dma_start3A_144 = tpu.memref_squeeze %dma_start3A_143 : memref<1x80x64xf32, #tpu.memory_space<vmem>> -> memref<80x64xf32, #tpu.memory_space<vmem>>
        %dma_start3A_145 = arith.constant 0 : i32
        %dma_start3A_146 = tpu.memref_slice %arg6[%add3A_125, %dma_start3A_145] : memref<250x80xi32, #tpu.memory_space<vmem>> -> memref<1x80xi32, #tpu.memory_space<vmem>>
        %dma_start3A_147 = tpu.memref_squeeze %dma_start3A_146 : memref<1x80xi32, #tpu.memory_space<vmem>> -> memref<80xi32, #tpu.memory_space<vmem>>
        %dma_start3A_148 = arith.constant 0 : i32
        %dma_start3A_149 = arith.constant 0 : i32
        %dma_start3A_150 = tpu.memref_slice %arg2[%dma_start3A_148, %dma_start3A_149] : memref<20000x64xf32, #tpu.memory_space<hbm>> -> memref<20000x64xf32, #tpu.memory_space<hbm>>
        %dma_start3A_151 = tpu.memref_slice %arg12[%rem3A_140] : memref<8x!tpu.dma_semaphore, #tpu.memory_space<semaphore_mem>> -> memref<1x!tpu.dma_semaphore, #tpu.memory_space<semaphore_mem>>
        %dma_start3A_152 = tpu.memref_squeeze %dma_start3A_151 : memref<1x!tpu.dma_semaphore, #tpu.memory_space<semaphore_mem>> -> memref<!tpu.dma_semaphore, #tpu.memory_space<semaphore_mem>>
        tpu.enqueue_indirect_dma source(%dma_start3A_150 : memref<20000x64xf32, #tpu.memory_space<hbm>>) target(%dma_start3A_144 : memref<80x64xf32, #tpu.memory_space<vmem>>) offsets(%dma_start3A_147 : memref<80xi32, #tpu.memory_space<vmem>>) semaphore(%dma_start3A_152 : memref<!tpu.dma_semaphore, #tpu.memory_space<semaphore_mem>>)
      } else {
      }
      %ge3A_131 = arith.constant 4 : i32
      %ge3A_132 = arith.cmpi sge, %add3A_125, %ge3A_131 : i32
      %lt3A_133 = arith.constant 254 : i32
      %lt3A_134 = arith.cmpi slt, %add3A_125, %lt3A_133 : i32
      %and3A_135 = arith.andi %ge3A_132, %lt3A_134 : i1
      %convert_element_type3A_136 = arith.extui %and3A_135 : i1 to i32
      %cond3A_137 = arith.constant 0 : i32
      %cond3A_138 = arith.cmpi ne, %convert_element_type3A_136, %cond3A_137 : i32
      scf.if %cond3A_138 {
        %sub3A = arith.constant 4 : i32
        %sub3A_140 = arith.subi %add3A_125, %sub3A : i32
        %rem3A = arith.constant 8 : i32
        %rem3A_141 = arith.remsi %sub3A_140, %rem3A : i32
        %dma_wait3A_142 = arith.constant 0 : i32
        %dma_wait3A_143 = arith.constant 0 : i32
        %dma_wait3A_144 = tpu.memref_slice %arg8[%rem3A_141, %dma_wait3A_142, %dma_wait3A_143] : memref<8x80x64xf32, #tpu.memory_space<vmem>> -> memref<1x80x64xf32, #tpu.memory_space<vmem>>
        %dma_wait3A_145 = tpu.memref_squeeze %dma_wait3A_144 : memref<1x80x64xf32, #tpu.memory_space<vmem>> -> memref<80x64xf32, #tpu.memory_space<vmem>>
        %dma_wait3A_146 = arith.constant 0 : i32
        %dma_wait3A_147 = tpu.memref_slice %arg6[%sub3A_140, %dma_wait3A_146] : memref<250x80xi32, #tpu.memory_space<vmem>> -> memref<1x80xi32, #tpu.memory_space<vmem>>
        %dma_wait3A_148 = tpu.memref_squeeze %dma_wait3A_147 : memref<1x80xi32, #tpu.memory_space<vmem>> -> memref<80xi32, #tpu.memory_space<vmem>>
        %dma_wait3A_149 = arith.constant 0 : i32
        %dma_wait3A_150 = arith.constant 0 : i32
        %dma_wait3A_151 = tpu.memref_slice %arg2[%dma_wait3A_149, %dma_wait3A_150] : memref<20000x64xf32, #tpu.memory_space<hbm>> -> memref<20000x64xf32, #tpu.memory_space<hbm>>
        %dma_wait3A_152 = tpu.memref_slice %arg12[%rem3A_141] : memref<8x!tpu.dma_semaphore, #tpu.memory_space<semaphore_mem>> -> memref<1x!tpu.dma_semaphore, #tpu.memory_space<semaphore_mem>>
        %dma_wait3A_153 = tpu.memref_squeeze %dma_wait3A_152 : memref<1x!tpu.dma_semaphore, #tpu.memory_space<semaphore_mem>> -> memref<!tpu.dma_semaphore, #tpu.memory_space<semaphore_mem>>
        tpu.wait_indirect_dma semaphore(%dma_wait3A_153 : memref<!tpu.dma_semaphore, #tpu.memory_space<semaphore_mem>>) src(%dma_wait3A_151 : memref<20000x64xf32, #tpu.memory_space<hbm>>) dst(%dma_wait3A_145 : memref<80x64xf32, #tpu.memory_space<vmem>>)
        %ge3A_154 = arith.constant 1 : i32
        %ge3A_155 = arith.cmpi sge, %sub3A_140, %ge3A_154 : i32
        %convert_element_type3A_156 = arith.extui %ge3A_155 : i1 to i32
        %cond3A_157 = arith.constant 0 : i32
        %cond3A_158 = arith.cmpi ne, %convert_element_type3A_156, %cond3A_157 : i32
        scf.if %cond3A_158 {
          %sub3A_171 = arith.constant 1 : i32
          %sub3A_172 = arith.subi %sub3A_140, %sub3A_171 : i32
          %rem3A_173 = arith.constant 8 : i32
          %rem3A_174 = arith.remsi %sub3A_172, %rem3A_173 : i32
          %sub3A_175 = arith.constant 1 : i32
          %sub3A_176 = arith.subi %sub3A_140, %sub3A_175 : i32
          %dma_wait3A_177 = arith.constant 0 : i32
          %dma_wait3A_178 = arith.constant 0 : i32
          %dma_wait3A_179 = tpu.memref_slice %arg8[%rem3A_174, %dma_wait3A_177, %dma_wait3A_178] : memref<8x80x64xf32, #tpu.memory_space<vmem>> -> memref<1x80x64xf32, #tpu.memory_space<vmem>>
          %dma_wait3A_180 = tpu.memref_squeeze %dma_wait3A_179 : memref<1x80x64xf32, #tpu.memory_space<vmem>> -> memref<80x64xf32, #tpu.memory_space<vmem>>
          %dma_wait3A_181 = arith.constant 0 : i32
          %dma_wait3A_182 = tpu.memref_slice %arg7[%sub3A_176, %dma_wait3A_181] : memref<250x80xi32, #tpu.memory_space<vmem>> -> memref<1x80xi32, #tpu.memory_space<vmem>>
          %dma_wait3A_183 = tpu.memref_squeeze %dma_wait3A_182 : memref<1x80xi32, #tpu.memory_space<vmem>> -> memref<80xi32, #tpu.memory_space<vmem>>
          %dma_wait3A_184 = arith.constant 0 : i32
          %dma_wait3A_185 = arith.constant 0 : i32
          %dma_wait3A_186 = tpu.memref_slice %arg10[%dma_wait3A_184, %dma_wait3A_185] : memref<10240x64xf32, #tpu.memory_space<vmem_shared>> -> memref<10240x64xf32, #tpu.memory_space<vmem_shared>>
          %dma_wait3A_187 = tpu.memref_slice %arg13[%rem3A_174] : memref<8x!tpu.dma_semaphore, #tpu.memory_space<semaphore_mem>> -> memref<1x!tpu.dma_semaphore, #tpu.memory_space<semaphore_mem>>
          %dma_wait3A_188 = tpu.memref_squeeze %dma_wait3A_187 : memref<1x!tpu.dma_semaphore, #tpu.memory_space<semaphore_mem>> -> memref<!tpu.dma_semaphore, #tpu.memory_space<semaphore_mem>>
          tpu.wait_indirect_dma semaphore(%dma_wait3A_188 : memref<!tpu.dma_semaphore, #tpu.memory_space<semaphore_mem>>) src(%dma_wait3A_180 : memref<80x64xf32, #tpu.memory_space<vmem>>) dst(%dma_wait3A_186 : memref<10240x64xf32, #tpu.memory_space<vmem_shared>>)
        } else {
        }
        %dma_start3A_159 = arith.constant 0 : i32
        %dma_start3A_160 = arith.constant 0 : i32
        %dma_start3A_161 = tpu.memref_slice %arg8[%rem3A_141, %dma_start3A_159, %dma_start3A_160] : memref<8x80x64xf32, #tpu.memory_space<vmem>> -> memref<1x80x64xf32, #tpu.memory_space<vmem>>
        %dma_start3A_162 = tpu.memref_squeeze %dma_start3A_161 : memref<1x80x64xf32, #tpu.memory_space<vmem>> -> memref<80x64xf32, #tpu.memory_space<vmem>>
        %dma_start3A_163 = arith.constant 0 : i32
        %dma_start3A_164 = tpu.memref_slice %arg7[%sub3A_140, %dma_start3A_163] : memref<250x80xi32, #tpu.memory_space<vmem>> -> memref<1x80xi32, #tpu.memory_space<vmem>>
        %dma_start3A_165 = tpu.memref_squeeze %dma_start3A_164 : memref<1x80xi32, #tpu.memory_space<vmem>> -> memref<80xi32, #tpu.memory_space<vmem>>
        %dma_start3A_166 = arith.constant 0 : i32
        %dma_start3A_167 = arith.constant 0 : i32
        %dma_start3A_168 = tpu.memref_slice %arg10[%dma_start3A_166, %dma_start3A_167] : memref<10240x64xf32, #tpu.memory_space<vmem_shared>> -> memref<10240x64xf32, #tpu.memory_space<vmem_shared>>
        %dma_start3A_169 = tpu.memref_slice %arg13[%rem3A_141] : memref<8x!tpu.dma_semaphore, #tpu.memory_space<semaphore_mem>> -> memref<1x!tpu.dma_semaphore, #tpu.memory_space<semaphore_mem>>
        %dma_start3A_170 = tpu.memref_squeeze %dma_start3A_169 : memref<1x!tpu.dma_semaphore, #tpu.memory_space<semaphore_mem>> -> memref<!tpu.dma_semaphore, #tpu.memory_space<semaphore_mem>>
        tpu.enqueue_indirect_dma source(%dma_start3A_162 : memref<80x64xf32, #tpu.memory_space<vmem>>) target(%dma_start3A_168 : memref<10240x64xf32, #tpu.memory_space<vmem_shared>>) offsets(%dma_start3A_165 : memref<80xi32, #tpu.memory_space<vmem>>) semaphore(%dma_start3A_170 : memref<!tpu.dma_semaphore, #tpu.memory_space<semaphore_mem>>) {add = true}
      } else {
      }
      %scan3A_139 = arith.constant 0 : i32
      scf.yield %scan3A_139 : i32
    }
    %scan3A_80 = arith.constant 127 : i32
    %dma_wait3A_81 = arith.constant 1 : i32
    %dma_wait3A_82 = arith.constant 249 : i32
    %dma_wait3A_83 = arith.constant 1 : i32
    %dma_wait3A_84 = arith.constant 0 : i32
    %dma_wait3A_85 = arith.constant 0 : i32
    %dma_wait3A_86 = tpu.memref_slice %arg8[%dma_wait3A_81, %dma_wait3A_84, %dma_wait3A_85] : memref<8x80x64xf32, #tpu.memory_space<vmem>> -> memref<1x80x64xf32, #tpu.memory_space<vmem>>
    %dma_wait3A_87 = tpu.memref_squeeze %dma_wait3A_86 : memref<1x80x64xf32, #tpu.memory_space<vmem>> -> memref<80x64xf32, #tpu.memory_space<vmem>>
    %dma_wait3A_88 = arith.constant 0 : i32
    %dma_wait3A_89 = tpu.memref_slice %arg7[%dma_wait3A_82, %dma_wait3A_88] : memref<250x80xi32, #tpu.memory_space<vmem>> -> memref<1x80xi32, #tpu.memory_space<vmem>>
    %dma_wait3A_90 = tpu.memref_squeeze %dma_wait3A_89 : memref<1x80xi32, #tpu.memory_space<vmem>> -> memref<80xi32, #tpu.memory_space<vmem>>
    %dma_wait3A_91 = arith.constant 0 : i32
    %dma_wait3A_92 = arith.constant 0 : i32
    %dma_wait3A_93 = tpu.memref_slice %arg10[%dma_wait3A_91, %dma_wait3A_92] : memref<10240x64xf32, #tpu.memory_space<vmem_shared>> -> memref<10240x64xf32, #tpu.memory_space<vmem_shared>>
    %dma_wait3A_94 = tpu.memref_slice %arg13[%dma_wait3A_83] : memref<8x!tpu.dma_semaphore, #tpu.memory_space<semaphore_mem>> -> memref<1x!tpu.dma_semaphore, #tpu.memory_space<semaphore_mem>>
    %dma_wait3A_95 = tpu.memref_squeeze %dma_wait3A_94 : memref<1x!tpu.dma_semaphore, #tpu.memory_space<semaphore_mem>> -> memref<!tpu.dma_semaphore, #tpu.memory_space<semaphore_mem>>
    tpu.wait_indirect_dma semaphore(%dma_wait3A_95 : memref<!tpu.dma_semaphore, #tpu.memory_space<semaphore_mem>>) src(%dma_wait3A_87 : memref<80x64xf32, #tpu.memory_space<vmem>>) dst(%dma_wait3A_93 : memref<10240x64xf32, #tpu.memory_space<vmem_shared>>)
    %barrier3A_96 = arith.constant 0 : index
    tpu.barrier barrier_id(%barrier3A_96)
    %mul3A_97 = arith.constant 640 : i32
    %mul3A_98 = arith.muli %arg1, %mul3A_97 : i32
    %eq3A = arith.constant 0 : i32
    %eq3A_99 = arith.cmpi eq, %arg0, %eq3A : i32
    %convert_element_type3A = arith.extui %eq3A_99 : i1 to i32
    %cond3A = arith.constant 0 : i32
    %cond3A_100 = arith.cmpi ne, %convert_element_type3A, %cond3A : i32
    scf.if %cond3A_100 {
      "tpu.region"() ({
        %run_scoped3A = tpu.sem_alloc : memref<!tpu.dma_semaphore, #tpu.memory_space<semaphore_mem>>
        %dma_start3A_106 = arith.constant 0 : i32
        %dma_start3A_107 = tpu.memref_slice %arg5[%mul3A_98, %dma_start3A_106] : memref<10240x128xf32, #tpu.memory_space<hbm>> -> memref<640x64xf32, #tpu.memory_space<hbm>>
        %dma_start3A_108 = arith.constant 0 : i32
        %dma_start3A_109 = tpu.memref_slice %arg10[%mul3A_98, %dma_start3A_108] : memref<10240x64xf32, #tpu.memory_space<vmem_shared>> -> memref<640x64xf32, #tpu.memory_space<vmem_shared>>
        tpu.enqueue_dma source(%dma_start3A_109 : memref<640x64xf32, #tpu.memory_space<vmem_shared>>) target(%dma_start3A_107 : memref<640x64xf32, #tpu.memory_space<hbm>>) target_semaphore(%run_scoped3A : memref<!tpu.dma_semaphore, #tpu.memory_space<semaphore_mem>>)
        %dma_wait3A_110 = arith.constant 0 : i32
        %dma_wait3A_111 = tpu.memref_slice %arg5[%mul3A_98, %dma_wait3A_110] : memref<10240x128xf32, #tpu.memory_space<hbm>> -> memref<640x64xf32, #tpu.memory_space<hbm>>
        %dma_wait3A_112 = arith.constant 0 : i32
        %dma_wait3A_113 = tpu.memref_slice %arg10[%mul3A_98, %dma_wait3A_112] : memref<10240x64xf32, #tpu.memory_space<vmem_shared>> -> memref<640x64xf32, #tpu.memory_space<vmem_shared>>
        tpu.wait_dma2 semaphore(%run_scoped3A : memref<!tpu.dma_semaphore, #tpu.memory_space<semaphore_mem>>) src(%dma_wait3A_113 : memref<640x64xf32, #tpu.memory_space<vmem_shared>>) dst(%dma_wait3A_111 : memref<640x64xf32, #tpu.memory_space<hbm>>)
        tpu.yield
      }) : () -> ()
    } else {
    }
    %eq3A_101 = arith.constant 1 : i32
    %eq3A_102 = arith.cmpi eq, %arg0, %eq3A_101 : i32
    %convert_element_type3A_103 = arith.extui %eq3A_102 : i1 to i32
    %cond3A_104 = arith.constant 0 : i32
    %cond3A_105 = arith.cmpi ne, %convert_element_type3A_103, %cond3A_104 : i32
    scf.if %cond3A_105 {
      "tpu.region"() ({
        %run_scoped3A = tpu.sem_alloc : memref<!tpu.dma_semaphore, #tpu.memory_space<semaphore_mem>>
        %dma_start3A_106 = arith.constant 64 : i32
        %dma_start3A_107 = tpu.memref_slice %arg5[%mul3A_98, %dma_start3A_106] : memref<10240x128xf32, #tpu.memory_space<hbm>> -> memref<640x64xf32, #tpu.memory_space<hbm>>
        %dma_start3A_108 = arith.constant 0 : i32
        %dma_start3A_109 = tpu.memref_slice %arg10[%mul3A_98, %dma_start3A_108] : memref<10240x64xf32, #tpu.memory_space<vmem_shared>> -> memref<640x64xf32, #tpu.memory_space<vmem_shared>>
        tpu.enqueue_dma source(%dma_start3A_109 : memref<640x64xf32, #tpu.memory_space<vmem_shared>>) target(%dma_start3A_107 : memref<640x64xf32, #tpu.memory_space<hbm>>) target_semaphore(%run_scoped3A : memref<!tpu.dma_semaphore, #tpu.memory_space<semaphore_mem>>)
        %dma_wait3A_110 = arith.constant 64 : i32
        %dma_wait3A_111 = tpu.memref_slice %arg5[%mul3A_98, %dma_wait3A_110] : memref<10240x128xf32, #tpu.memory_space<hbm>> -> memref<640x64xf32, #tpu.memory_space<hbm>>
        %dma_wait3A_112 = arith.constant 0 : i32
        %dma_wait3A_113 = tpu.memref_slice %arg10[%mul3A_98, %dma_wait3A_112] : memref<10240x64xf32, #tpu.memory_space<vmem_shared>> -> memref<640x64xf32, #tpu.memory_space<vmem_shared>>
        tpu.wait_dma2 semaphore(%run_scoped3A : memref<!tpu.dma_semaphore, #tpu.memory_space<semaphore_mem>>) src(%dma_wait3A_113 : memref<640x64xf32, #tpu.memory_space<vmem_shared>>) dst(%dma_wait3A_111 : memref<640x64xf32, #tpu.memory_space<hbm>>)
        tpu.yield
      }) : () -> ()
    } else {
    }
    return
  }
}

#map = affine_map<(d0, d1) -> (0, 0)>
#map1 = affine_map<(d0, d1) -> (0, 0, 0, 0)>
#map2 = affine_map<(d0, d1) -> (0, 0, 0)>
module attributes {stable_mosaic.version = 14 : i64} {
  func.func @_nsum_body(%arg0: i32, %arg1: i32, %arg2: memref<20000x64xf32, #tpu.memory_space<hbm>>, %arg3: memref<2x16x250x80xi32, #tpu.memory_space<hbm>>, %arg4: memref<16x250x80xi32, #tpu.memory_space<hbm>>, %arg5: memref<10240x128xf32, #tpu.memory_space<hbm>>, %arg6: memref<250x80xi32, #tpu.memory_space<vmem>>, %arg7: memref<250x80xi32, #tpu.memory_space<vmem>>, %arg8: memref<8x80x64xf32, #tpu.memory_space<vmem>>, %arg9: memref<64x64xf32, #tpu.memory_space<vmem>>, %arg10: memref<10240x64xf32, #tpu.memory_space<vmem_shared>>, %arg11: memref<!tpu.dma_semaphore, #tpu.memory_space<semaphore_mem>>, %arg12: memref<8x!tpu.dma_semaphore, #tpu.memory_space<semaphore_mem>>, %arg13: memref<8x!tpu.dma_semaphore, #tpu.memory_space<semaphore_mem>>) attributes {dimension_semantics = [#tpu.dimension_semantics<core_parallel>, #tpu.dimension_semantics<subcore_parallel>], iteration_bounds = array<i64: 2, 16>, scalar_prefetch = 0 : i64, scratch_operands = 8 : i64, tpu.core_type = #tpu.core_type<sc_vector_subcore>, window_params = [{transform_indices = #map}, {transform_indices = #map1}, {transform_indices = #map2}, {transform_indices = #map}]} {
    %dma_start3A = arith.constant 0 : i32
    %dma_start3A_0 = arith.constant 0 : i32
    %dma_start3A_1 = tpu.memref_slice %arg3[%arg0, %arg1, %dma_start3A, %dma_start3A_0] : memref<2x16x250x80xi32, #tpu.memory_space<hbm>> -> memref<1x1x250x80xi32, #tpu.memory_space<hbm>>
    %dma_start3A_2 = tpu.memref_squeeze %dma_start3A_1 : memref<1x1x250x80xi32, #tpu.memory_space<hbm>> -> memref<250x80xi32, #tpu.memory_space<hbm>>
    %dma_start3A_3 = arith.constant 0 : i32
    %dma_start3A_4 = arith.constant 0 : i32
    %dma_start3A_5 = tpu.memref_slice %arg3[%arg0, %arg1, %dma_start3A_3, %dma_start3A_4] : memref<2x16x250x80xi32, #tpu.memory_space<hbm>> -> memref<1x1x250x80xi32, #tpu.memory_space<hbm>>
    %dma_start3A_6 = tpu.memref_squeeze %dma_start3A_5 : memref<1x1x250x80xi32, #tpu.memory_space<hbm>> -> memref<250x80xi32, #tpu.memory_space<hbm>>
    tpu.enqueue_dma source(%dma_start3A_6 : memref<250x80xi32, #tpu.memory_space<hbm>>) target(%arg6 : memref<250x80xi32, #tpu.memory_space<vmem>>) target_semaphore(%arg11 : memref<!tpu.dma_semaphore, #tpu.memory_space<semaphore_mem>>)
    %dma_start3A_7 = arith.constant 0 : i32
    %dma_start3A_8 = arith.constant 0 : i32
    %dma_start3A_9 = tpu.memref_slice %arg4[%arg1, %dma_start3A_7, %dma_start3A_8] : memref<16x250x80xi32, #tpu.memory_space<hbm>> -> memref<1x250x80xi32, #tpu.memory_space<hbm>>
    %dma_start3A_10 = tpu.memref_squeeze %dma_start3A_9 : memref<1x250x80xi32, #tpu.memory_space<hbm>> -> memref<250x80xi32, #tpu.memory_space<hbm>>
    %dma_start3A_11 = arith.constant 0 : i32
    %dma_start3A_12 = arith.constant 0 : i32
    %dma_start3A_13 = tpu.memref_slice %arg4[%arg1, %dma_start3A_11, %dma_start3A_12] : memref<16x250x80xi32, #tpu.memory_space<hbm>> -> memref<1x250x80xi32, #tpu.memory_space<hbm>>
    %dma_start3A_14 = tpu.memref_squeeze %dma_start3A_13 : memref<1x250x80xi32, #tpu.memory_space<hbm>> -> memref<250x80xi32, #tpu.memory_space<hbm>>
    tpu.enqueue_dma source(%dma_start3A_14 : memref<250x80xi32, #tpu.memory_space<hbm>>) target(%arg7 : memref<250x80xi32, #tpu.memory_space<vmem>>) target_semaphore(%arg11 : memref<!tpu.dma_semaphore, #tpu.memory_space<semaphore_mem>>)
    %scan3A = arith.constant 0 : i32
    %scan3A_15 = arith.constant 0 : i32
    %scan3A_16 = arith.constant 64 : i32
    %scan3A_17 = arith.addi %scan3A_15, %scan3A_16 : i32
    %scan3A_18 = arith.constant 1 : i32
    %scan3A_19 = scf.for %scan3A_106 = %scan3A_15 to %scan3A_17 step %scan3A_18 iter_args(%scan3A_107 = %scan3A) -> (i32)  : i32 {
      %scan3A_108 = arith.constant 0 : i32
      %scan3A_109 = arith.constant 0 : i32
      %scan3A_110 = arith.constant 4 : i32
      %scan3A_111 = arith.addi %scan3A_109, %scan3A_110 : i32
      %scan3A_112 = arith.constant 1 : i32
      %scan3A_113 = scf.for %scan3A_115 = %scan3A_109 to %scan3A_111 step %scan3A_112 iter_args(%scan3A_116 = %scan3A_108) -> (i32)  : i32 {
        %broadcast_in_dim3A = arith.constant 0.000000e+00 : f32
        %broadcast_in_dim3A_117 = vector.broadcast %broadcast_in_dim3A : f32 to vector<16xf32>
        %mul3A_118 = arith.constant 16 : i32
        %mul3A_119 = arith.muli %scan3A_115, %mul3A_118 : i32
        %swap3A = arith.index_cast %scan3A_106 : i32 to index
        %swap3A_120 = arith.index_cast %mul3A_119 : i32 to index
        %swap3A_121 = tpu.vector_load %arg9[%swap3A, %swap3A_120] {strides = array<i32>} : memref<64x64xf32, #tpu.memory_space<vmem>>, vector<1x16xf32>,
        %swap3A_122 = vector.shape_cast %swap3A_121 : vector<1x16xf32> to vector<16xf32>
        %swap3A_123 = vector.shape_cast %broadcast_in_dim3A_117 : vector<16xf32> to vector<1x16xf32>
        tpu.vector_store %arg9[%swap3A, %swap3A_120], %swap3A_123 {strides = array<i32>} : memref<64x64xf32, #tpu.memory_space<vmem>>, vector<1x16xf32>,
        %scan3A_124 = arith.constant 0 : i32
        scf.yield %scan3A_124 : i32
      }
      %scan3A_114 = arith.constant 4 : i32
      scf.yield %scan3A_113 : i32
    }
    %scan3A_20 = arith.constant 64 : i32
    %mul3A = arith.constant 640 : i32
    %mul3A_21 = arith.muli %arg1, %mul3A : i32
    %add3A = arith.constant 0 : i32
    %add3A_22 = arith.addi %mul3A_21, %add3A : i32
    "tpu.region"() ({
      %run_scoped3A = tpu.sem_alloc : memref<!tpu.dma_semaphore, #tpu.memory_space<semaphore_mem>>
      %dma_start3A_106 = arith.constant 0 : i32
      %dma_start3A_107 = tpu.memref_slice %arg10[%add3A_22, %dma_start3A_106] : memref<10240x64xf32, #tpu.memory_space<vmem_shared>> -> memref<64x64xf32, #tpu.memory_space<vmem_shared>>
      %dma_start3A_108 = arith.constant 0 : i32
      %dma_start3A_109 = tpu.memref_slice %arg10[%add3A_22, %dma_start3A_108] : memref<10240x64xf32, #tpu.memory_space<vmem_shared>> -> memref<64x64xf32, #tpu.memory_space<vmem_shared>>
      tpu.enqueue_dma source(%arg9 : memref<64x64xf32, #tpu.memory_space<vmem>>) target(%dma_start3A_109 : memref<64x64xf32, #tpu.memory_space<vmem_shared>>) target_semaphore(%run_scoped3A : memref<!tpu.dma_semaphore, #tpu.memory_space<semaphore_mem>>)
      %dma_wait3A_110 = arith.constant 0 : i32
      %dma_wait3A_111 = tpu.memref_slice %arg10[%add3A_22, %dma_wait3A_110] : memref<10240x64xf32, #tpu.memory_space<vmem_shared>> -> memref<64x64xf32, #tpu.memory_space<vmem_shared>>
      %dma_wait3A_112 = arith.constant 0 : i32
      %dma_wait3A_113 = tpu.memref_slice %arg10[%add3A_22, %dma_wait3A_112] : memref<10240x64xf32, #tpu.memory_space<vmem_shared>> -> memref<64x64xf32, #tpu.memory_space<vmem_shared>>
      tpu.wait_dma2 semaphore(%run_scoped3A : memref<!tpu.dma_semaphore, #tpu.memory_space<semaphore_mem>>) src(%arg9 : memref<64x64xf32, #tpu.memory_space<vmem>>) dst(%dma_wait3A_113 : memref<64x64xf32, #tpu.memory_space<vmem_shared>>)
      tpu.yield
    }) : () -> ()
    %mul3A_23 = arith.constant 640 : i32
    %mul3A_24 = arith.muli %arg1, %mul3A_23 : i32
    %add3A_25 = arith.constant 64 : i32
    %add3A_26 = arith.addi %mul3A_24, %add3A_25 : i32
    "tpu.region"() ({
      %run_scoped3A = tpu.sem_alloc : memref<!tpu.dma_semaphore, #tpu.memory_space<semaphore_mem>>
      %dma_start3A_106 = arith.constant 0 : i32
      %dma_start3A_107 = tpu.memref_slice %arg10[%add3A_26, %dma_start3A_106] : memref<10240x64xf32, #tpu.memory_space<vmem_shared>> -> memref<64x64xf32, #tpu.memory_space<vmem_shared>>
      %dma_start3A_108 = arith.constant 0 : i32
      %dma_start3A_109 = tpu.memref_slice %arg10[%add3A_26, %dma_start3A_108] : memref<10240x64xf32, #tpu.memory_space<vmem_shared>> -> memref<64x64xf32, #tpu.memory_space<vmem_shared>>
      tpu.enqueue_dma source(%arg9 : memref<64x64xf32, #tpu.memory_space<vmem>>) target(%dma_start3A_109 : memref<64x64xf32, #tpu.memory_space<vmem_shared>>) target_semaphore(%run_scoped3A : memref<!tpu.dma_semaphore, #tpu.memory_space<semaphore_mem>>)
      %dma_wait3A_110 = arith.constant 0 : i32
      %dma_wait3A_111 = tpu.memref_slice %arg10[%add3A_26, %dma_wait3A_110] : memref<10240x64xf32, #tpu.memory_space<vmem_shared>> -> memref<64x64xf32, #tpu.memory_space<vmem_shared>>
      %dma_wait3A_112 = arith.constant 0 : i32
      %dma_wait3A_113 = tpu.memref_slice %arg10[%add3A_26, %dma_wait3A_112] : memref<10240x64xf32, #tpu.memory_space<vmem_shared>> -> memref<64x64xf32, #tpu.memory_space<vmem_shared>>
      tpu.wait_dma2 semaphore(%run_scoped3A : memref<!tpu.dma_semaphore, #tpu.memory_space<semaphore_mem>>) src(%arg9 : memref<64x64xf32, #tpu.memory_space<vmem>>) dst(%dma_wait3A_113 : memref<64x64xf32, #tpu.memory_space<vmem_shared>>)
      tpu.yield
    }) : () -> ()
    %mul3A_27 = arith.constant 640 : i32
    %mul3A_28 = arith.muli %arg1, %mul3A_27 : i32
    %add3A_29 = arith.constant 128 : i32
    %add3A_30 = arith.addi %mul3A_28, %add3A_29 : i32
    "tpu.region"() ({
      %run_scoped3A = tpu.sem_alloc : memref<!tpu.dma_semaphore, #tpu.memory_space<semaphore_mem>>
      %dma_start3A_106 = arith.constant 0 : i32
      %dma_start3A_107 = tpu.memref_slice %arg10[%add3A_30, %dma_start3A_106] : memref<10240x64xf32, #tpu.memory_space<vmem_shared>> -> memref<64x64xf32, #tpu.memory_space<vmem_shared>>
      %dma_start3A_108 = arith.constant 0 : i32
      %dma_start3A_109 = tpu.memref_slice %arg10[%add3A_30, %dma_start3A_108] : memref<10240x64xf32, #tpu.memory_space<vmem_shared>> -> memref<64x64xf32, #tpu.memory_space<vmem_shared>>
      tpu.enqueue_dma source(%arg9 : memref<64x64xf32, #tpu.memory_space<vmem>>) target(%dma_start3A_109 : memref<64x64xf32, #tpu.memory_space<vmem_shared>>) target_semaphore(%run_scoped3A : memref<!tpu.dma_semaphore, #tpu.memory_space<semaphore_mem>>)
      %dma_wait3A_110 = arith.constant 0 : i32
      %dma_wait3A_111 = tpu.memref_slice %arg10[%add3A_30, %dma_wait3A_110] : memref<10240x64xf32, #tpu.memory_space<vmem_shared>> -> memref<64x64xf32, #tpu.memory_space<vmem_shared>>
      %dma_wait3A_112 = arith.constant 0 : i32
      %dma_wait3A_113 = tpu.memref_slice %arg10[%add3A_30, %dma_wait3A_112] : memref<10240x64xf32, #tpu.memory_space<vmem_shared>> -> memref<64x64xf32, #tpu.memory_space<vmem_shared>>
      tpu.wait_dma2 semaphore(%run_scoped3A : memref<!tpu.dma_semaphore, #tpu.memory_space<semaphore_mem>>) src(%arg9 : memref<64x64xf32, #tpu.memory_space<vmem>>) dst(%dma_wait3A_113 : memref<64x64xf32, #tpu.memory_space<vmem_shared>>)
      tpu.yield
    }) : () -> ()
    %mul3A_31 = arith.constant 640 : i32
    %mul3A_32 = arith.muli %arg1, %mul3A_31 : i32
    %add3A_33 = arith.constant 192 : i32
    %add3A_34 = arith.addi %mul3A_32, %add3A_33 : i32
    "tpu.region"() ({
      %run_scoped3A = tpu.sem_alloc : memref<!tpu.dma_semaphore, #tpu.memory_space<semaphore_mem>>
      %dma_start3A_106 = arith.constant 0 : i32
      %dma_start3A_107 = tpu.memref_slice %arg10[%add3A_34, %dma_start3A_106] : memref<10240x64xf32, #tpu.memory_space<vmem_shared>> -> memref<64x64xf32, #tpu.memory_space<vmem_shared>>
      %dma_start3A_108 = arith.constant 0 : i32
      %dma_start3A_109 = tpu.memref_slice %arg10[%add3A_34, %dma_start3A_108] : memref<10240x64xf32, #tpu.memory_space<vmem_shared>> -> memref<64x64xf32, #tpu.memory_space<vmem_shared>>
      tpu.enqueue_dma source(%arg9 : memref<64x64xf32, #tpu.memory_space<vmem>>) target(%dma_start3A_109 : memref<64x64xf32, #tpu.memory_space<vmem_shared>>) target_semaphore(%run_scoped3A : memref<!tpu.dma_semaphore, #tpu.memory_space<semaphore_mem>>)
      %dma_wait3A_110 = arith.constant 0 : i32
      %dma_wait3A_111 = tpu.memref_slice %arg10[%add3A_34, %dma_wait3A_110] : memref<10240x64xf32, #tpu.memory_space<vmem_shared>> -> memref<64x64xf32, #tpu.memory_space<vmem_shared>>
      %dma_wait3A_112 = arith.constant 0 : i32
      %dma_wait3A_113 = tpu.memref_slice %arg10[%add3A_34, %dma_wait3A_112] : memref<10240x64xf32, #tpu.memory_space<vmem_shared>> -> memref<64x64xf32, #tpu.memory_space<vmem_shared>>
      tpu.wait_dma2 semaphore(%run_scoped3A : memref<!tpu.dma_semaphore, #tpu.memory_space<semaphore_mem>>) src(%arg9 : memref<64x64xf32, #tpu.memory_space<vmem>>) dst(%dma_wait3A_113 : memref<64x64xf32, #tpu.memory_space<vmem_shared>>)
      tpu.yield
    }) : () -> ()
    %mul3A_35 = arith.constant 640 : i32
    %mul3A_36 = arith.muli %arg1, %mul3A_35 : i32
    %add3A_37 = arith.constant 256 : i32
    %add3A_38 = arith.addi %mul3A_36, %add3A_37 : i32
    "tpu.region"() ({
      %run_scoped3A = tpu.sem_alloc : memref<!tpu.dma_semaphore, #tpu.memory_space<semaphore_mem>>
      %dma_start3A_106 = arith.constant 0 : i32
      %dma_start3A_107 = tpu.memref_slice %arg10[%add3A_38, %dma_start3A_106] : memref<10240x64xf32, #tpu.memory_space<vmem_shared>> -> memref<64x64xf32, #tpu.memory_space<vmem_shared>>
      %dma_start3A_108 = arith.constant 0 : i32
      %dma_start3A_109 = tpu.memref_slice %arg10[%add3A_38, %dma_start3A_108] : memref<10240x64xf32, #tpu.memory_space<vmem_shared>> -> memref<64x64xf32, #tpu.memory_space<vmem_shared>>
      tpu.enqueue_dma source(%arg9 : memref<64x64xf32, #tpu.memory_space<vmem>>) target(%dma_start3A_109 : memref<64x64xf32, #tpu.memory_space<vmem_shared>>) target_semaphore(%run_scoped3A : memref<!tpu.dma_semaphore, #tpu.memory_space<semaphore_mem>>)
      %dma_wait3A_110 = arith.constant 0 : i32
      %dma_wait3A_111 = tpu.memref_slice %arg10[%add3A_38, %dma_wait3A_110] : memref<10240x64xf32, #tpu.memory_space<vmem_shared>> -> memref<64x64xf32, #tpu.memory_space<vmem_shared>>
      %dma_wait3A_112 = arith.constant 0 : i32
      %dma_wait3A_113 = tpu.memref_slice %arg10[%add3A_38, %dma_wait3A_112] : memref<10240x64xf32, #tpu.memory_space<vmem_shared>> -> memref<64x64xf32, #tpu.memory_space<vmem_shared>>
      tpu.wait_dma2 semaphore(%run_scoped3A : memref<!tpu.dma_semaphore, #tpu.memory_space<semaphore_mem>>) src(%arg9 : memref<64x64xf32, #tpu.memory_space<vmem>>) dst(%dma_wait3A_113 : memref<64x64xf32, #tpu.memory_space<vmem_shared>>)
      tpu.yield
    }) : () -> ()
    %mul3A_39 = arith.constant 640 : i32
    %mul3A_40 = arith.muli %arg1, %mul3A_39 : i32
    %add3A_41 = arith.constant 320 : i32
    %add3A_42 = arith.addi %mul3A_40, %add3A_41 : i32
    "tpu.region"() ({
      %run_scoped3A = tpu.sem_alloc : memref<!tpu.dma_semaphore, #tpu.memory_space<semaphore_mem>>
      %dma_start3A_106 = arith.constant 0 : i32
      %dma_start3A_107 = tpu.memref_slice %arg10[%add3A_42, %dma_start3A_106] : memref<10240x64xf32, #tpu.memory_space<vmem_shared>> -> memref<64x64xf32, #tpu.memory_space<vmem_shared>>
      %dma_start3A_108 = arith.constant 0 : i32
      %dma_start3A_109 = tpu.memref_slice %arg10[%add3A_42, %dma_start3A_108] : memref<10240x64xf32, #tpu.memory_space<vmem_shared>> -> memref<64x64xf32, #tpu.memory_space<vmem_shared>>
      tpu.enqueue_dma source(%arg9 : memref<64x64xf32, #tpu.memory_space<vmem>>) target(%dma_start3A_109 : memref<64x64xf32, #tpu.memory_space<vmem_shared>>) target_semaphore(%run_scoped3A : memref<!tpu.dma_semaphore, #tpu.memory_space<semaphore_mem>>)
      %dma_wait3A_110 = arith.constant 0 : i32
      %dma_wait3A_111 = tpu.memref_slice %arg10[%add3A_42, %dma_wait3A_110] : memref<10240x64xf32, #tpu.memory_space<vmem_shared>> -> memref<64x64xf32, #tpu.memory_space<vmem_shared>>
      %dma_wait3A_112 = arith.constant 0 : i32
      %dma_wait3A_113 = tpu.memref_slice %arg10[%add3A_42, %dma_wait3A_112] : memref<10240x64xf32, #tpu.memory_space<vmem_shared>> -> memref<64x64xf32, #tpu.memory_space<vmem_shared>>
      tpu.wait_dma2 semaphore(%run_scoped3A : memref<!tpu.dma_semaphore, #tpu.memory_space<semaphore_mem>>) src(%arg9 : memref<64x64xf32, #tpu.memory_space<vmem>>) dst(%dma_wait3A_113 : memref<64x64xf32, #tpu.memory_space<vmem_shared>>)
      tpu.yield
    }) : () -> ()
    %mul3A_43 = arith.constant 640 : i32
    %mul3A_44 = arith.muli %arg1, %mul3A_43 : i32
    %add3A_45 = arith.constant 384 : i32
    %add3A_46 = arith.addi %mul3A_44, %add3A_45 : i32
    "tpu.region"() ({
      %run_scoped3A = tpu.sem_alloc : memref<!tpu.dma_semaphore, #tpu.memory_space<semaphore_mem>>
      %dma_start3A_106 = arith.constant 0 : i32
      %dma_start3A_107 = tpu.memref_slice %arg10[%add3A_46, %dma_start3A_106] : memref<10240x64xf32, #tpu.memory_space<vmem_shared>> -> memref<64x64xf32, #tpu.memory_space<vmem_shared>>
      %dma_start3A_108 = arith.constant 0 : i32
      %dma_start3A_109 = tpu.memref_slice %arg10[%add3A_46, %dma_start3A_108] : memref<10240x64xf32, #tpu.memory_space<vmem_shared>> -> memref<64x64xf32, #tpu.memory_space<vmem_shared>>
      tpu.enqueue_dma source(%arg9 : memref<64x64xf32, #tpu.memory_space<vmem>>) target(%dma_start3A_109 : memref<64x64xf32, #tpu.memory_space<vmem_shared>>) target_semaphore(%run_scoped3A : memref<!tpu.dma_semaphore, #tpu.memory_space<semaphore_mem>>)
      %dma_wait3A_110 = arith.constant 0 : i32
      %dma_wait3A_111 = tpu.memref_slice %arg10[%add3A_46, %dma_wait3A_110] : memref<10240x64xf32, #tpu.memory_space<vmem_shared>> -> memref<64x64xf32, #tpu.memory_space<vmem_shared>>
      %dma_wait3A_112 = arith.constant 0 : i32
      %dma_wait3A_113 = tpu.memref_slice %arg10[%add3A_46, %dma_wait3A_112] : memref<10240x64xf32, #tpu.memory_space<vmem_shared>> -> memref<64x64xf32, #tpu.memory_space<vmem_shared>>
      tpu.wait_dma2 semaphore(%run_scoped3A : memref<!tpu.dma_semaphore, #tpu.memory_space<semaphore_mem>>) src(%arg9 : memref<64x64xf32, #tpu.memory_space<vmem>>) dst(%dma_wait3A_113 : memref<64x64xf32, #tpu.memory_space<vmem_shared>>)
      tpu.yield
    }) : () -> ()
    %mul3A_47 = arith.constant 640 : i32
    %mul3A_48 = arith.muli %arg1, %mul3A_47 : i32
    %add3A_49 = arith.constant 448 : i32
    %add3A_50 = arith.addi %mul3A_48, %add3A_49 : i32
    "tpu.region"() ({
      %run_scoped3A = tpu.sem_alloc : memref<!tpu.dma_semaphore, #tpu.memory_space<semaphore_mem>>
      %dma_start3A_106 = arith.constant 0 : i32
      %dma_start3A_107 = tpu.memref_slice %arg10[%add3A_50, %dma_start3A_106] : memref<10240x64xf32, #tpu.memory_space<vmem_shared>> -> memref<64x64xf32, #tpu.memory_space<vmem_shared>>
      %dma_start3A_108 = arith.constant 0 : i32
      %dma_start3A_109 = tpu.memref_slice %arg10[%add3A_50, %dma_start3A_108] : memref<10240x64xf32, #tpu.memory_space<vmem_shared>> -> memref<64x64xf32, #tpu.memory_space<vmem_shared>>
      tpu.enqueue_dma source(%arg9 : memref<64x64xf32, #tpu.memory_space<vmem>>) target(%dma_start3A_109 : memref<64x64xf32, #tpu.memory_space<vmem_shared>>) target_semaphore(%run_scoped3A : memref<!tpu.dma_semaphore, #tpu.memory_space<semaphore_mem>>)
      %dma_wait3A_110 = arith.constant 0 : i32
      %dma_wait3A_111 = tpu.memref_slice %arg10[%add3A_50, %dma_wait3A_110] : memref<10240x64xf32, #tpu.memory_space<vmem_shared>> -> memref<64x64xf32, #tpu.memory_space<vmem_shared>>
      %dma_wait3A_112 = arith.constant 0 : i32
      %dma_wait3A_113 = tpu.memref_slice %arg10[%add3A_50, %dma_wait3A_112] : memref<10240x64xf32, #tpu.memory_space<vmem_shared>> -> memref<64x64xf32, #tpu.memory_space<vmem_shared>>
      tpu.wait_dma2 semaphore(%run_scoped3A : memref<!tpu.dma_semaphore, #tpu.memory_space<semaphore_mem>>) src(%arg9 : memref<64x64xf32, #tpu.memory_space<vmem>>) dst(%dma_wait3A_113 : memref<64x64xf32, #tpu.memory_space<vmem_shared>>)
      tpu.yield
    }) : () -> ()
    %mul3A_51 = arith.constant 640 : i32
    %mul3A_52 = arith.muli %arg1, %mul3A_51 : i32
    %add3A_53 = arith.constant 512 : i32
    %add3A_54 = arith.addi %mul3A_52, %add3A_53 : i32
    "tpu.region"() ({
      %run_scoped3A = tpu.sem_alloc : memref<!tpu.dma_semaphore, #tpu.memory_space<semaphore_mem>>
      %dma_start3A_106 = arith.constant 0 : i32
      %dma_start3A_107 = tpu.memref_slice %arg10[%add3A_54, %dma_start3A_106] : memref<10240x64xf32, #tpu.memory_space<vmem_shared>> -> memref<64x64xf32, #tpu.memory_space<vmem_shared>>
      %dma_start3A_108 = arith.constant 0 : i32
      %dma_start3A_109 = tpu.memref_slice %arg10[%add3A_54, %dma_start3A_108] : memref<10240x64xf32, #tpu.memory_space<vmem_shared>> -> memref<64x64xf32, #tpu.memory_space<vmem_shared>>
      tpu.enqueue_dma source(%arg9 : memref<64x64xf32, #tpu.memory_space<vmem>>) target(%dma_start3A_109 : memref<64x64xf32, #tpu.memory_space<vmem_shared>>) target_semaphore(%run_scoped3A : memref<!tpu.dma_semaphore, #tpu.memory_space<semaphore_mem>>)
      %dma_wait3A_110 = arith.constant 0 : i32
      %dma_wait3A_111 = tpu.memref_slice %arg10[%add3A_54, %dma_wait3A_110] : memref<10240x64xf32, #tpu.memory_space<vmem_shared>> -> memref<64x64xf32, #tpu.memory_space<vmem_shared>>
      %dma_wait3A_112 = arith.constant 0 : i32
      %dma_wait3A_113 = tpu.memref_slice %arg10[%add3A_54, %dma_wait3A_112] : memref<10240x64xf32, #tpu.memory_space<vmem_shared>> -> memref<64x64xf32, #tpu.memory_space<vmem_shared>>
      tpu.wait_dma2 semaphore(%run_scoped3A : memref<!tpu.dma_semaphore, #tpu.memory_space<semaphore_mem>>) src(%arg9 : memref<64x64xf32, #tpu.memory_space<vmem>>) dst(%dma_wait3A_113 : memref<64x64xf32, #tpu.memory_space<vmem_shared>>)
      tpu.yield
    }) : () -> ()
    %mul3A_55 = arith.constant 640 : i32
    %mul3A_56 = arith.muli %arg1, %mul3A_55 : i32
    %add3A_57 = arith.constant 576 : i32
    %add3A_58 = arith.addi %mul3A_56, %add3A_57 : i32
    "tpu.region"() ({
      %run_scoped3A = tpu.sem_alloc : memref<!tpu.dma_semaphore, #tpu.memory_space<semaphore_mem>>
      %dma_start3A_106 = arith.constant 0 : i32
      %dma_start3A_107 = tpu.memref_slice %arg10[%add3A_58, %dma_start3A_106] : memref<10240x64xf32, #tpu.memory_space<vmem_shared>> -> memref<64x64xf32, #tpu.memory_space<vmem_shared>>
      %dma_start3A_108 = arith.constant 0 : i32
      %dma_start3A_109 = tpu.memref_slice %arg10[%add3A_58, %dma_start3A_108] : memref<10240x64xf32, #tpu.memory_space<vmem_shared>> -> memref<64x64xf32, #tpu.memory_space<vmem_shared>>
      tpu.enqueue_dma source(%arg9 : memref<64x64xf32, #tpu.memory_space<vmem>>) target(%dma_start3A_109 : memref<64x64xf32, #tpu.memory_space<vmem_shared>>) target_semaphore(%run_scoped3A : memref<!tpu.dma_semaphore, #tpu.memory_space<semaphore_mem>>)
      %dma_wait3A_110 = arith.constant 0 : i32
      %dma_wait3A_111 = tpu.memref_slice %arg10[%add3A_58, %dma_wait3A_110] : memref<10240x64xf32, #tpu.memory_space<vmem_shared>> -> memref<64x64xf32, #tpu.memory_space<vmem_shared>>
      %dma_wait3A_112 = arith.constant 0 : i32
      %dma_wait3A_113 = tpu.memref_slice %arg10[%add3A_58, %dma_wait3A_112] : memref<10240x64xf32, #tpu.memory_space<vmem_shared>> -> memref<64x64xf32, #tpu.memory_space<vmem_shared>>
      tpu.wait_dma2 semaphore(%run_scoped3A : memref<!tpu.dma_semaphore, #tpu.memory_space<semaphore_mem>>) src(%arg9 : memref<64x64xf32, #tpu.memory_space<vmem>>) dst(%dma_wait3A_113 : memref<64x64xf32, #tpu.memory_space<vmem_shared>>)
      tpu.yield
    }) : () -> ()
    %dma_wait3A = arith.constant 0 : i32
    %dma_wait3A_59 = arith.constant 0 : i32
    %dma_wait3A_60 = tpu.memref_slice %arg3[%arg0, %arg1, %dma_wait3A, %dma_wait3A_59] : memref<2x16x250x80xi32, #tpu.memory_space<hbm>> -> memref<1x1x250x80xi32, #tpu.memory_space<hbm>>
    %dma_wait3A_61 = tpu.memref_squeeze %dma_wait3A_60 : memref<1x1x250x80xi32, #tpu.memory_space<hbm>> -> memref<250x80xi32, #tpu.memory_space<hbm>>
    %dma_wait3A_62 = arith.constant 0 : i32
    %dma_wait3A_63 = arith.constant 0 : i32
    %dma_wait3A_64 = tpu.memref_slice %arg3[%arg0, %arg1, %dma_wait3A_62, %dma_wait3A_63] : memref<2x16x250x80xi32, #tpu.memory_space<hbm>> -> memref<1x1x250x80xi32, #tpu.memory_space<hbm>>
    %dma_wait3A_65 = tpu.memref_squeeze %dma_wait3A_64 : memref<1x1x250x80xi32, #tpu.memory_space<hbm>> -> memref<250x80xi32, #tpu.memory_space<hbm>>
    tpu.wait_dma2 semaphore(%arg11 : memref<!tpu.dma_semaphore, #tpu.memory_space<semaphore_mem>>) src(%dma_wait3A_65 : memref<250x80xi32, #tpu.memory_space<hbm>>) dst(%arg6 : memref<250x80xi32, #tpu.memory_space<vmem>>)
    %dma_wait3A_66 = arith.constant 0 : i32
    %dma_wait3A_67 = arith.constant 0 : i32
    %dma_wait3A_68 = tpu.memref_slice %arg4[%arg1, %dma_wait3A_66, %dma_wait3A_67] : memref<16x250x80xi32, #tpu.memory_space<hbm>> -> memref<1x250x80xi32, #tpu.memory_space<hbm>>
    %dma_wait3A_69 = tpu.memref_squeeze %dma_wait3A_68 : memref<1x250x80xi32, #tpu.memory_space<hbm>> -> memref<250x80xi32, #tpu.memory_space<hbm>>
    %dma_wait3A_70 = arith.constant 0 : i32
    %dma_wait3A_71 = arith.constant 0 : i32
    %dma_wait3A_72 = tpu.memref_slice %arg4[%arg1, %dma_wait3A_70, %dma_wait3A_71] : memref<16x250x80xi32, #tpu.memory_space<hbm>> -> memref<1x250x80xi32, #tpu.memory_space<hbm>>
    %dma_wait3A_73 = tpu.memref_squeeze %dma_wait3A_72 : memref<1x250x80xi32, #tpu.memory_space<hbm>> -> memref<250x80xi32, #tpu.memory_space<hbm>>
    tpu.wait_dma2 semaphore(%arg11 : memref<!tpu.dma_semaphore, #tpu.memory_space<semaphore_mem>>) src(%dma_wait3A_73 : memref<250x80xi32, #tpu.memory_space<hbm>>) dst(%arg7 : memref<250x80xi32, #tpu.memory_space<vmem>>)
    %barrier3A = arith.constant 0 : index
    tpu.barrier barrier_id(%barrier3A)
    %scan3A_74 = arith.constant 0 : i32
    %scan3A_75 = arith.constant 0 : i32
    %scan3A_76 = arith.constant 127 : i32
    %scan3A_77 = arith.addi %scan3A_75, %scan3A_76 : i32
    %scan3A_78 = arith.constant 1 : i32
    %scan3A_79 = scf.for %scan3A_106 = %scan3A_75 to %scan3A_77 step %scan3A_78 iter_args(%scan3A_107 = %scan3A_74) -> (i32)  : i32 {
      %mul3A_108 = arith.constant 2 : i32
      %mul3A_109 = arith.muli %scan3A_106, %mul3A_108 : i32
      %add3A_110 = arith.constant 0 : i32
      %add3A_111 = arith.addi %mul3A_109, %add3A_110 : i32
      %lt3A = arith.constant 250 : i32
      %lt3A_112 = arith.cmpi slt, %add3A_111, %lt3A : i32
      %convert_element_type3A_113 = arith.extui %lt3A_112 : i1 to i32
      %cond3A_114 = arith.constant 0 : i32
      %cond3A_115 = arith.cmpi ne, %convert_element_type3A_113, %cond3A_114 : i32
      scf.if %cond3A_115 {
        %rem3A = arith.constant 8 : i32
        %rem3A_140 = arith.remsi %add3A_111, %rem3A : i32
        %dma_start3A_141 = arith.constant 0 : i32
        %dma_start3A_142 = arith.constant 0 : i32
        %dma_start3A_143 = tpu.memref_slice %arg8[%rem3A_140, %dma_start3A_141, %dma_start3A_142] : memref<8x80x64xf32, #tpu.memory_space<vmem>> -> memref<1x80x64xf32, #tpu.memory_space<vmem>>
        %dma_start3A_144 = tpu.memref_squeeze %dma_start3A_143 : memref<1x80x64xf32, #tpu.memory_space<vmem>> -> memref<80x64xf32, #tpu.memory_space<vmem>>
        %dma_start3A_145 = arith.constant 0 : i32
        %dma_start3A_146 = tpu.memref_slice %arg6[%add3A_111, %dma_start3A_145] : memref<250x80xi32, #tpu.memory_space<vmem>> -> memref<1x80xi32, #tpu.memory_space<vmem>>
        %dma_start3A_147 = tpu.memref_squeeze %dma_start3A_146 : memref<1x80xi32, #tpu.memory_space<vmem>> -> memref<80xi32, #tpu.memory_space<vmem>>
        %dma_start3A_148 = arith.constant 0 : i32
        %dma_start3A_149 = arith.constant 0 : i32
        %dma_start3A_150 = tpu.memref_slice %arg2[%dma_start3A_148, %dma_start3A_149] : memref<20000x64xf32, #tpu.memory_space<hbm>> -> memref<20000x64xf32, #tpu.memory_space<hbm>>
        %dma_start3A_151 = tpu.memref_slice %arg12[%rem3A_140] : memref<8x!tpu.dma_semaphore, #tpu.memory_space<semaphore_mem>> -> memref<1x!tpu.dma_semaphore, #tpu.memory_space<semaphore_mem>>
        %dma_start3A_152 = tpu.memref_squeeze %dma_start3A_151 : memref<1x!tpu.dma_semaphore, #tpu.memory_space<semaphore_mem>> -> memref<!tpu.dma_semaphore, #tpu.memory_space<semaphore_mem>>
        tpu.enqueue_indirect_dma source(%dma_start3A_150 : memref<20000x64xf32, #tpu.memory_space<hbm>>) target(%dma_start3A_144 : memref<80x64xf32, #tpu.memory_space<vmem>>) offsets(%dma_start3A_147 : memref<80xi32, #tpu.memory_space<vmem>>) semaphore(%dma_start3A_152 : memref<!tpu.dma_semaphore, #tpu.memory_space<semaphore_mem>>)
      } else {
      }
      %ge3A = arith.constant 4 : i32
      %ge3A_116 = arith.cmpi sge, %add3A_111, %ge3A : i32
      %lt3A_117 = arith.constant 254 : i32
      %lt3A_118 = arith.cmpi slt, %add3A_111, %lt3A_117 : i32
      %and3A = arith.andi %ge3A_116, %lt3A_118 : i1
      %convert_element_type3A_119 = arith.extui %and3A : i1 to i32
      %cond3A_120 = arith.constant 0 : i32
      %cond3A_121 = arith.cmpi ne, %convert_element_type3A_119, %cond3A_120 : i32
      scf.if %cond3A_121 {
        %sub3A = arith.constant 4 : i32
        %sub3A_140 = arith.subi %add3A_111, %sub3A : i32
        %rem3A = arith.constant 8 : i32
        %rem3A_141 = arith.remsi %sub3A_140, %rem3A : i32
        %dma_wait3A_142 = arith.constant 0 : i32
        %dma_wait3A_143 = arith.constant 0 : i32
        %dma_wait3A_144 = tpu.memref_slice %arg8[%rem3A_141, %dma_wait3A_142, %dma_wait3A_143] : memref<8x80x64xf32, #tpu.memory_space<vmem>> -> memref<1x80x64xf32, #tpu.memory_space<vmem>>
        %dma_wait3A_145 = tpu.memref_squeeze %dma_wait3A_144 : memref<1x80x64xf32, #tpu.memory_space<vmem>> -> memref<80x64xf32, #tpu.memory_space<vmem>>
        %dma_wait3A_146 = arith.constant 0 : i32
        %dma_wait3A_147 = tpu.memref_slice %arg6[%sub3A_140, %dma_wait3A_146] : memref<250x80xi32, #tpu.memory_space<vmem>> -> memref<1x80xi32, #tpu.memory_space<vmem>>
        %dma_wait3A_148 = tpu.memref_squeeze %dma_wait3A_147 : memref<1x80xi32, #tpu.memory_space<vmem>> -> memref<80xi32, #tpu.memory_space<vmem>>
        %dma_wait3A_149 = arith.constant 0 : i32
        %dma_wait3A_150 = arith.constant 0 : i32
        %dma_wait3A_151 = tpu.memref_slice %arg2[%dma_wait3A_149, %dma_wait3A_150] : memref<20000x64xf32, #tpu.memory_space<hbm>> -> memref<20000x64xf32, #tpu.memory_space<hbm>>
        %dma_wait3A_152 = tpu.memref_slice %arg12[%rem3A_141] : memref<8x!tpu.dma_semaphore, #tpu.memory_space<semaphore_mem>> -> memref<1x!tpu.dma_semaphore, #tpu.memory_space<semaphore_mem>>
        %dma_wait3A_153 = tpu.memref_squeeze %dma_wait3A_152 : memref<1x!tpu.dma_semaphore, #tpu.memory_space<semaphore_mem>> -> memref<!tpu.dma_semaphore, #tpu.memory_space<semaphore_mem>>
        tpu.wait_indirect_dma semaphore(%dma_wait3A_153 : memref<!tpu.dma_semaphore, #tpu.memory_space<semaphore_mem>>) src(%dma_wait3A_151 : memref<20000x64xf32, #tpu.memory_space<hbm>>) dst(%dma_wait3A_145 : memref<80x64xf32, #tpu.memory_space<vmem>>)
        %ge3A_154 = arith.constant 1 : i32
        %ge3A_155 = arith.cmpi sge, %sub3A_140, %ge3A_154 : i32
        %convert_element_type3A_156 = arith.extui %ge3A_155 : i1 to i32
        %cond3A_157 = arith.constant 0 : i32
        %cond3A_158 = arith.cmpi ne, %convert_element_type3A_156, %cond3A_157 : i32
        scf.if %cond3A_158 {
          %sub3A_171 = arith.constant 1 : i32
          %sub3A_172 = arith.subi %sub3A_140, %sub3A_171 : i32
          %rem3A_173 = arith.constant 8 : i32
          %rem3A_174 = arith.remsi %sub3A_172, %rem3A_173 : i32
          %sub3A_175 = arith.constant 1 : i32
          %sub3A_176 = arith.subi %sub3A_140, %sub3A_175 : i32
          %dma_wait3A_177 = arith.constant 0 : i32
          %dma_wait3A_178 = arith.constant 0 : i32
          %dma_wait3A_179 = tpu.memref_slice %arg8[%rem3A_174, %dma_wait3A_177, %dma_wait3A_178] : memref<8x80x64xf32, #tpu.memory_space<vmem>> -> memref<1x80x64xf32, #tpu.memory_space<vmem>>
          %dma_wait3A_180 = tpu.memref_squeeze %dma_wait3A_179 : memref<1x80x64xf32, #tpu.memory_space<vmem>> -> memref<80x64xf32, #tpu.memory_space<vmem>>
          %dma_wait3A_181 = arith.constant 0 : i32
          %dma_wait3A_182 = tpu.memref_slice %arg7[%sub3A_176, %dma_wait3A_181] : memref<250x80xi32, #tpu.memory_space<vmem>> -> memref<1x80xi32, #tpu.memory_space<vmem>>
          %dma_wait3A_183 = tpu.memref_squeeze %dma_wait3A_182 : memref<1x80xi32, #tpu.memory_space<vmem>> -> memref<80xi32, #tpu.memory_space<vmem>>
          %dma_wait3A_184 = arith.constant 0 : i32
          %dma_wait3A_185 = arith.constant 0 : i32
          %dma_wait3A_186 = tpu.memref_slice %arg10[%dma_wait3A_184, %dma_wait3A_185] : memref<10240x64xf32, #tpu.memory_space<vmem_shared>> -> memref<10240x64xf32, #tpu.memory_space<vmem_shared>>
          %dma_wait3A_187 = tpu.memref_slice %arg13[%rem3A_174] : memref<8x!tpu.dma_semaphore, #tpu.memory_space<semaphore_mem>> -> memref<1x!tpu.dma_semaphore, #tpu.memory_space<semaphore_mem>>
          %dma_wait3A_188 = tpu.memref_squeeze %dma_wait3A_187 : memref<1x!tpu.dma_semaphore, #tpu.memory_space<semaphore_mem>> -> memref<!tpu.dma_semaphore, #tpu.memory_space<semaphore_mem>>
          tpu.wait_indirect_dma semaphore(%dma_wait3A_188 : memref<!tpu.dma_semaphore, #tpu.memory_space<semaphore_mem>>) src(%dma_wait3A_180 : memref<80x64xf32, #tpu.memory_space<vmem>>) dst(%dma_wait3A_186 : memref<10240x64xf32, #tpu.memory_space<vmem_shared>>)
        } else {
        }
        %dma_start3A_159 = arith.constant 0 : i32
        %dma_start3A_160 = arith.constant 0 : i32
        %dma_start3A_161 = tpu.memref_slice %arg8[%rem3A_141, %dma_start3A_159, %dma_start3A_160] : memref<8x80x64xf32, #tpu.memory_space<vmem>> -> memref<1x80x64xf32, #tpu.memory_space<vmem>>
        %dma_start3A_162 = tpu.memref_squeeze %dma_start3A_161 : memref<1x80x64xf32, #tpu.memory_space<vmem>> -> memref<80x64xf32, #tpu.memory_space<vmem>>
        %dma_start3A_163 = arith.constant 0 : i32
        %dma_start3A_164 = tpu.memref_slice %arg7[%sub3A_140, %dma_start3A_163] : memref<250x80xi32, #tpu.memory_space<vmem>> -> memref<1x80xi32, #tpu.memory_space<vmem>>
        %dma_start3A_165 = tpu.memref_squeeze %dma_start3A_164 : memref<1x80xi32, #tpu.memory_space<vmem>> -> memref<80xi32, #tpu.memory_space<vmem>>
        %dma_start3A_166 = arith.constant 0 : i32
        %dma_start3A_167 = arith.constant 0 : i32
        %dma_start3A_168 = tpu.memref_slice %arg10[%dma_start3A_166, %dma_start3A_167] : memref<10240x64xf32, #tpu.memory_space<vmem_shared>> -> memref<10240x64xf32, #tpu.memory_space<vmem_shared>>
        %dma_start3A_169 = tpu.memref_slice %arg13[%rem3A_141] : memref<8x!tpu.dma_semaphore, #tpu.memory_space<semaphore_mem>> -> memref<1x!tpu.dma_semaphore, #tpu.memory_space<semaphore_mem>>
        %dma_start3A_170 = tpu.memref_squeeze %dma_start3A_169 : memref<1x!tpu.dma_semaphore, #tpu.memory_space<semaphore_mem>> -> memref<!tpu.dma_semaphore, #tpu.memory_space<semaphore_mem>>
        tpu.enqueue_indirect_dma source(%dma_start3A_162 : memref<80x64xf32, #tpu.memory_space<vmem>>) target(%dma_start3A_168 : memref<10240x64xf32, #tpu.memory_space<vmem_shared>>) offsets(%dma_start3A_165 : memref<80xi32, #tpu.memory_space<vmem>>) semaphore(%dma_start3A_170 : memref<!tpu.dma_semaphore, #tpu.memory_space<semaphore_mem>>) {add = true}
      } else {
      }
      %mul3A_122 = arith.constant 2 : i32
      %mul3A_123 = arith.muli %scan3A_106, %mul3A_122 : i32
      %add3A_124 = arith.constant 1 : i32
      %add3A_125 = arith.addi %mul3A_123, %add3A_124 : i32
      %lt3A_126 = arith.constant 250 : i32
      %lt3A_127 = arith.cmpi slt, %add3A_125, %lt3A_126 : i32
      %convert_element_type3A_128 = arith.extui %lt3A_127 : i1 to i32
      %cond3A_129 = arith.constant 0 : i32
      %cond3A_130 = arith.cmpi ne, %convert_element_type3A_128, %cond3A_129 : i32
      scf.if %cond3A_130 {
        %rem3A = arith.constant 8 : i32
        %rem3A_140 = arith.remsi %add3A_125, %rem3A : i32
        %dma_start3A_141 = arith.constant 0 : i32
        %dma_start3A_142 = arith.constant 0 : i32
        %dma_start3A_143 = tpu.memref_slice %arg8[%rem3A_140, %dma_start3A_141, %dma_start3A_142] : memref<8x80x64xf32, #tpu.memory_space<vmem>> -> memref<1x80x64xf32, #tpu.memory_space<vmem>>
        %dma_start3A_144 = tpu.memref_squeeze %dma_start3A_143 : memref<1x80x64xf32, #tpu.memory_space<vmem>> -> memref<80x64xf32, #tpu.memory_space<vmem>>
        %dma_start3A_145 = arith.constant 0 : i32
        %dma_start3A_146 = tpu.memref_slice %arg6[%add3A_125, %dma_start3A_145] : memref<250x80xi32, #tpu.memory_space<vmem>> -> memref<1x80xi32, #tpu.memory_space<vmem>>
        %dma_start3A_147 = tpu.memref_squeeze %dma_start3A_146 : memref<1x80xi32, #tpu.memory_space<vmem>> -> memref<80xi32, #tpu.memory_space<vmem>>
        %dma_start3A_148 = arith.constant 0 : i32
        %dma_start3A_149 = arith.constant 0 : i32
        %dma_start3A_150 = tpu.memref_slice %arg2[%dma_start3A_148, %dma_start3A_149] : memref<20000x64xf32, #tpu.memory_space<hbm>> -> memref<20000x64xf32, #tpu.memory_space<hbm>>
        %dma_start3A_151 = tpu.memref_slice %arg12[%rem3A_140] : memref<8x!tpu.dma_semaphore, #tpu.memory_space<semaphore_mem>> -> memref<1x!tpu.dma_semaphore, #tpu.memory_space<semaphore_mem>>
        %dma_start3A_152 = tpu.memref_squeeze %dma_start3A_151 : memref<1x!tpu.dma_semaphore, #tpu.memory_space<semaphore_mem>> -> memref<!tpu.dma_semaphore, #tpu.memory_space<semaphore_mem>>
        tpu.enqueue_indirect_dma source(%dma_start3A_150 : memref<20000x64xf32, #tpu.memory_space<hbm>>) target(%dma_start3A_144 : memref<80x64xf32, #tpu.memory_space<vmem>>) offsets(%dma_start3A_147 : memref<80xi32, #tpu.memory_space<vmem>>) semaphore(%dma_start3A_152 : memref<!tpu.dma_semaphore, #tpu.memory_space<semaphore_mem>>)
      } else {
      }
      %ge3A_131 = arith.constant 4 : i32
      %ge3A_132 = arith.cmpi sge, %add3A_125, %ge3A_131 : i32
      %lt3A_133 = arith.constant 254 : i32
      %lt3A_134 = arith.cmpi slt, %add3A_125, %lt3A_133 : i32
      %and3A_135 = arith.andi %ge3A_132, %lt3A_134 : i1
      %convert_element_type3A_136 = arith.extui %and3A_135 : i1 to i32
      %cond3A_137 = arith.constant 0 : i32
      %cond3A_138 = arith.cmpi ne, %convert_element_type3A_136, %cond3A_137 : i32
      scf.if %cond3A_138 {
        %sub3A = arith.constant 4 : i32
        %sub3A_140 = arith.subi %add3A_125, %sub3A : i32
        %rem3A = arith.constant 8 : i32
        %rem3A_141 = arith.remsi %sub3A_140, %rem3A : i32
        %dma_wait3A_142 = arith.constant 0 : i32
        %dma_wait3A_143 = arith.constant 0 : i32
        %dma_wait3A_144 = tpu.memref_slice %arg8[%rem3A_141, %dma_wait3A_142, %dma_wait3A_143] : memref<8x80x64xf32, #tpu.memory_space<vmem>> -> memref<1x80x64xf32, #tpu.memory_space<vmem>>
        %dma_wait3A_145 = tpu.memref_squeeze %dma_wait3A_144 : memref<1x80x64xf32, #tpu.memory_space<vmem>> -> memref<80x64xf32, #tpu.memory_space<vmem>>
        %dma_wait3A_146 = arith.constant 0 : i32
        %dma_wait3A_147 = tpu.memref_slice %arg6[%sub3A_140, %dma_wait3A_146] : memref<250x80xi32, #tpu.memory_space<vmem>> -> memref<1x80xi32, #tpu.memory_space<vmem>>
        %dma_wait3A_148 = tpu.memref_squeeze %dma_wait3A_147 : memref<1x80xi32, #tpu.memory_space<vmem>> -> memref<80xi32, #tpu.memory_space<vmem>>
        %dma_wait3A_149 = arith.constant 0 : i32
        %dma_wait3A_150 = arith.constant 0 : i32
        %dma_wait3A_151 = tpu.memref_slice %arg2[%dma_wait3A_149, %dma_wait3A_150] : memref<20000x64xf32, #tpu.memory_space<hbm>> -> memref<20000x64xf32, #tpu.memory_space<hbm>>
        %dma_wait3A_152 = tpu.memref_slice %arg12[%rem3A_141] : memref<8x!tpu.dma_semaphore, #tpu.memory_space<semaphore_mem>> -> memref<1x!tpu.dma_semaphore, #tpu.memory_space<semaphore_mem>>
        %dma_wait3A_153 = tpu.memref_squeeze %dma_wait3A_152 : memref<1x!tpu.dma_semaphore, #tpu.memory_space<semaphore_mem>> -> memref<!tpu.dma_semaphore, #tpu.memory_space<semaphore_mem>>
        tpu.wait_indirect_dma semaphore(%dma_wait3A_153 : memref<!tpu.dma_semaphore, #tpu.memory_space<semaphore_mem>>) src(%dma_wait3A_151 : memref<20000x64xf32, #tpu.memory_space<hbm>>) dst(%dma_wait3A_145 : memref<80x64xf32, #tpu.memory_space<vmem>>)
        %ge3A_154 = arith.constant 1 : i32
        %ge3A_155 = arith.cmpi sge, %sub3A_140, %ge3A_154 : i32
        %convert_element_type3A_156 = arith.extui %ge3A_155 : i1 to i32
        %cond3A_157 = arith.constant 0 : i32
        %cond3A_158 = arith.cmpi ne, %convert_element_type3A_156, %cond3A_157 : i32
        scf.if %cond3A_158 {
          %sub3A_171 = arith.constant 1 : i32
          %sub3A_172 = arith.subi %sub3A_140, %sub3A_171 : i32
          %rem3A_173 = arith.constant 8 : i32
          %rem3A_174 = arith.remsi %sub3A_172, %rem3A_173 : i32
          %sub3A_175 = arith.constant 1 : i32
          %sub3A_176 = arith.subi %sub3A_140, %sub3A_175 : i32
          %dma_wait3A_177 = arith.constant 0 : i32
          %dma_wait3A_178 = arith.constant 0 : i32
          %dma_wait3A_179 = tpu.memref_slice %arg8[%rem3A_174, %dma_wait3A_177, %dma_wait3A_178] : memref<8x80x64xf32, #tpu.memory_space<vmem>> -> memref<1x80x64xf32, #tpu.memory_space<vmem>>
          %dma_wait3A_180 = tpu.memref_squeeze %dma_wait3A_179 : memref<1x80x64xf32, #tpu.memory_space<vmem>> -> memref<80x64xf32, #tpu.memory_space<vmem>>
          %dma_wait3A_181 = arith.constant 0 : i32
          %dma_wait3A_182 = tpu.memref_slice %arg7[%sub3A_176, %dma_wait3A_181] : memref<250x80xi32, #tpu.memory_space<vmem>> -> memref<1x80xi32, #tpu.memory_space<vmem>>
          %dma_wait3A_183 = tpu.memref_squeeze %dma_wait3A_182 : memref<1x80xi32, #tpu.memory_space<vmem>> -> memref<80xi32, #tpu.memory_space<vmem>>
          %dma_wait3A_184 = arith.constant 0 : i32
          %dma_wait3A_185 = arith.constant 0 : i32
          %dma_wait3A_186 = tpu.memref_slice %arg10[%dma_wait3A_184, %dma_wait3A_185] : memref<10240x64xf32, #tpu.memory_space<vmem_shared>> -> memref<10240x64xf32, #tpu.memory_space<vmem_shared>>
          %dma_wait3A_187 = tpu.memref_slice %arg13[%rem3A_174] : memref<8x!tpu.dma_semaphore, #tpu.memory_space<semaphore_mem>> -> memref<1x!tpu.dma_semaphore, #tpu.memory_space<semaphore_mem>>
          %dma_wait3A_188 = tpu.memref_squeeze %dma_wait3A_187 : memref<1x!tpu.dma_semaphore, #tpu.memory_space<semaphore_mem>> -> memref<!tpu.dma_semaphore, #tpu.memory_space<semaphore_mem>>
          tpu.wait_indirect_dma semaphore(%dma_wait3A_188 : memref<!tpu.dma_semaphore, #tpu.memory_space<semaphore_mem>>) src(%dma_wait3A_180 : memref<80x64xf32, #tpu.memory_space<vmem>>) dst(%dma_wait3A_186 : memref<10240x64xf32, #tpu.memory_space<vmem_shared>>)
        } else {
        }
        %dma_start3A_159 = arith.constant 0 : i32
        %dma_start3A_160 = arith.constant 0 : i32
        %dma_start3A_161 = tpu.memref_slice %arg8[%rem3A_141, %dma_start3A_159, %dma_start3A_160] : memref<8x80x64xf32, #tpu.memory_space<vmem>> -> memref<1x80x64xf32, #tpu.memory_space<vmem>>
        %dma_start3A_162 = tpu.memref_squeeze %dma_start3A_161 : memref<1x80x64xf32, #tpu.memory_space<vmem>> -> memref<80x64xf32, #tpu.memory_space<vmem>>
        %dma_start3A_163 = arith.constant 0 : i32
        %dma_start3A_164 = tpu.memref_slice %arg7[%sub3A_140, %dma_start3A_163] : memref<250x80xi32, #tpu.memory_space<vmem>> -> memref<1x80xi32, #tpu.memory_space<vmem>>
        %dma_start3A_165 = tpu.memref_squeeze %dma_start3A_164 : memref<1x80xi32, #tpu.memory_space<vmem>> -> memref<80xi32, #tpu.memory_space<vmem>>
        %dma_start3A_166 = arith.constant 0 : i32
        %dma_start3A_167 = arith.constant 0 : i32
        %dma_start3A_168 = tpu.memref_slice %arg10[%dma_start3A_166, %dma_start3A_167] : memref<10240x64xf32, #tpu.memory_space<vmem_shared>> -> memref<10240x64xf32, #tpu.memory_space<vmem_shared>>
        %dma_start3A_169 = tpu.memref_slice %arg13[%rem3A_141] : memref<8x!tpu.dma_semaphore, #tpu.memory_space<semaphore_mem>> -> memref<1x!tpu.dma_semaphore, #tpu.memory_space<semaphore_mem>>
        %dma_start3A_170 = tpu.memref_squeeze %dma_start3A_169 : memref<1x!tpu.dma_semaphore, #tpu.memory_space<semaphore_mem>> -> memref<!tpu.dma_semaphore, #tpu.memory_space<semaphore_mem>>
        tpu.enqueue_indirect_dma source(%dma_start3A_162 : memref<80x64xf32, #tpu.memory_space<vmem>>) target(%dma_start3A_168 : memref<10240x64xf32, #tpu.memory_space<vmem_shared>>) offsets(%dma_start3A_165 : memref<80xi32, #tpu.memory_space<vmem>>) semaphore(%dma_start3A_170 : memref<!tpu.dma_semaphore, #tpu.memory_space<semaphore_mem>>) {add = true}
      } else {
      }
      %scan3A_139 = arith.constant 0 : i32
      scf.yield %scan3A_139 : i32
    }
    %scan3A_80 = arith.constant 127 : i32
    %dma_wait3A_81 = arith.constant 1 : i32
    %dma_wait3A_82 = arith.constant 249 : i32
    %dma_wait3A_83 = arith.constant 1 : i32
    %dma_wait3A_84 = arith.constant 0 : i32
    %dma_wait3A_85 = arith.constant 0 : i32
    %dma_wait3A_86 = tpu.memref_slice %arg8[%dma_wait3A_81, %dma_wait3A_84, %dma_wait3A_85] : memref<8x80x64xf32, #tpu.memory_space<vmem>> -> memref<1x80x64xf32, #tpu.memory_space<vmem>>
    %dma_wait3A_87 = tpu.memref_squeeze %dma_wait3A_86 : memref<1x80x64xf32, #tpu.memory_space<vmem>> -> memref<80x64xf32, #tpu.memory_space<vmem>>
    %dma_wait3A_88 = arith.constant 0 : i32
    %dma_wait3A_89 = tpu.memref_slice %arg7[%dma_wait3A_82, %dma_wait3A_88] : memref<250x80xi32, #tpu.memory_space<vmem>> -> memref<1x80xi32, #tpu.memory_space<vmem>>
    %dma_wait3A_90 = tpu.memref_squeeze %dma_wait3A_89 : memref<1x80xi32, #tpu.memory_space<vmem>> -> memref<80xi32, #tpu.memory_space<vmem>>
    %dma_wait3A_91 = arith.constant 0 : i32
    %dma_wait3A_92 = arith.constant 0 : i32
    %dma_wait3A_93 = tpu.memref_slice %arg10[%dma_wait3A_91, %dma_wait3A_92] : memref<10240x64xf32, #tpu.memory_space<vmem_shared>> -> memref<10240x64xf32, #tpu.memory_space<vmem_shared>>
    %dma_wait3A_94 = tpu.memref_slice %arg13[%dma_wait3A_83] : memref<8x!tpu.dma_semaphore, #tpu.memory_space<semaphore_mem>> -> memref<1x!tpu.dma_semaphore, #tpu.memory_space<semaphore_mem>>
    %dma_wait3A_95 = tpu.memref_squeeze %dma_wait3A_94 : memref<1x!tpu.dma_semaphore, #tpu.memory_space<semaphore_mem>> -> memref<!tpu.dma_semaphore, #tpu.memory_space<semaphore_mem>>
    tpu.wait_indirect_dma semaphore(%dma_wait3A_95 : memref<!tpu.dma_semaphore, #tpu.memory_space<semaphore_mem>>) src(%dma_wait3A_87 : memref<80x64xf32, #tpu.memory_space<vmem>>) dst(%dma_wait3A_93 : memref<10240x64xf32, #tpu.memory_space<vmem_shared>>)
    %barrier3A_96 = arith.constant 0 : index
    tpu.barrier barrier_id(%barrier3A_96)
    %mul3A_97 = arith.constant 640 : i32
    %mul3A_98 = arith.muli %arg1, %mul3A_97 : i32
    %eq3A = arith.constant 0 : i32
    %eq3A_99 = arith.cmpi eq, %arg0, %eq3A : i32
    %convert_element_type3A = arith.extui %eq3A_99 : i1 to i32
    %cond3A = arith.constant 0 : i32
    %cond3A_100 = arith.cmpi ne, %convert_element_type3A, %cond3A : i32
    scf.if %cond3A_100 {
      "tpu.region"() ({
        %run_scoped3A = tpu.sem_alloc : memref<!tpu.dma_semaphore, #tpu.memory_space<semaphore_mem>>
        %dma_start3A_106 = arith.constant 0 : i32
        %dma_start3A_107 = tpu.memref_slice %arg5[%mul3A_98, %dma_start3A_106] : memref<10240x128xf32, #tpu.memory_space<hbm>> -> memref<640x64xf32, #tpu.memory_space<hbm>>
        %dma_start3A_108 = arith.constant 0 : i32
        %dma_start3A_109 = tpu.memref_slice %arg10[%mul3A_98, %dma_start3A_108] : memref<10240x64xf32, #tpu.memory_space<vmem_shared>> -> memref<640x64xf32, #tpu.memory_space<vmem_shared>>
        tpu.enqueue_dma source(%dma_start3A_109 : memref<640x64xf32, #tpu.memory_space<vmem_shared>>) target(%dma_start3A_107 : memref<640x64xf32, #tpu.memory_space<hbm>>) target_semaphore(%run_scoped3A : memref<!tpu.dma_semaphore, #tpu.memory_space<semaphore_mem>>)
        %dma_wait3A_110 = arith.constant 0 : i32
        %dma_wait3A_111 = tpu.memref_slice %arg5[%mul3A_98, %dma_wait3A_110] : memref<10240x128xf32, #tpu.memory_space<hbm>> -> memref<640x64xf32, #tpu.memory_space<hbm>>
        %dma_wait3A_112 = arith.constant 0 : i32
        %dma_wait3A_113 = tpu.memref_slice %arg10[%mul3A_98, %dma_wait3A_112] : memref<10240x64xf32, #tpu.memory_space<vmem_shared>> -> memref<640x64xf32, #tpu.memory_space<vmem_shared>>
        tpu.wait_dma2 semaphore(%run_scoped3A : memref<!tpu.dma_semaphore, #tpu.memory_space<semaphore_mem>>) src(%dma_wait3A_113 : memref<640x64xf32, #tpu.memory_space<vmem_shared>>) dst(%dma_wait3A_111 : memref<640x64xf32, #tpu.memory_space<hbm>>)
        tpu.yield
      }) : () -> ()
    } else {
    }
    %eq3A_101 = arith.constant 1 : i32
    %eq3A_102 = arith.cmpi eq, %arg0, %eq3A_101 : i32
    %convert_element_type3A_103 = arith.extui %eq3A_102 : i1 to i32
    %cond3A_104 = arith.constant 0 : i32
    %cond3A_105 = arith.cmpi ne, %convert_element_type3A_103, %cond3A_104 : i32
    scf.if %cond3A_105 {
      "tpu.region"() ({
        %run_scoped3A = tpu.sem_alloc : memref<!tpu.dma_semaphore, #tpu.memory_space<semaphore_mem>>
        %dma_start3A_106 = arith.constant 64 : i32
        %dma_start3A_107 = tpu.memref_slice %arg5[%mul3A_98, %dma_start3A_106] : memref<10240x128xf32, #tpu.memory_space<hbm>> -> memref<640x64xf32, #tpu.memory_space<hbm>>
        %dma_start3A_108 = arith.constant 0 : i32
        %dma_start3A_109 = tpu.memref_slice %arg10[%mul3A_98, %dma_start3A_108] : memref<10240x64xf32, #tpu.memory_space<vmem_shared>> -> memref<640x64xf32, #tpu.memory_space<vmem_shared>>
        tpu.enqueue_dma source(%dma_start3A_109 : memref<640x64xf32, #tpu.memory_space<vmem_shared>>) target(%dma_start3A_107 : memref<640x64xf32, #tpu.memory_space<hbm>>) target_semaphore(%run_scoped3A : memref<!tpu.dma_semaphore, #tpu.memory_space<semaphore_mem>>)
        %dma_wait3A_110 = arith.constant 64 : i32
        %dma_wait3A_111 = tpu.memref_slice %arg5[%mul3A_98, %dma_wait3A_110] : memref<10240x128xf32, #tpu.memory_space<hbm>> -> memref<640x64xf32, #tpu.memory_space<hbm>>
        %dma_wait3A_112 = arith.constant 0 : i32
        %dma_wait3A_113 = tpu.memref_slice %arg10[%mul3A_98, %dma_wait3A_112] : memref<10240x64xf32, #tpu.memory_space<vmem_shared>> -> memref<640x64xf32, #tpu.memory_space<vmem_shared>>
        tpu.wait_dma2 semaphore(%run_scoped3A : memref<!tpu.dma_semaphore, #tpu.memory_space<semaphore_mem>>) src(%dma_wait3A_113 : memref<640x64xf32, #tpu.memory_space<vmem_shared>>) dst(%dma_wait3A_111 : memref<640x64xf32, #tpu.memory_space<hbm>>)
        tpu.yield
      }) : () -> ()
    } else {
    }
    return
  }
}

#map = affine_map<(d0, d1) -> (0, 0)>
#map1 = affine_map<(d0, d1) -> (0, 0, 0, 0)>
#map2 = affine_map<(d0, d1) -> (0, 0, 0)>
module attributes {stable_mosaic.version = 14 : i64} {
  func.func @_nsum_body(%arg0: i32, %arg1: i32, %arg2: memref<20000x64xf32, #tpu.memory_space<hbm>>, %arg3: memref<2x16x250x80xi32, #tpu.memory_space<hbm>>, %arg4: memref<16x250x80xi32, #tpu.memory_space<hbm>>, %arg5: memref<10240x128xf32, #tpu.memory_space<hbm>>, %arg6: memref<250x80xi32, #tpu.memory_space<vmem>>, %arg7: memref<250x80xi32, #tpu.memory_space<vmem>>, %arg8: memref<8x80x64xf32, #tpu.memory_space<vmem>>, %arg9: memref<64x64xf32, #tpu.memory_space<vmem>>, %arg10: memref<10240x64xf32, #tpu.memory_space<vmem_shared>>, %arg11: memref<!tpu.dma_semaphore, #tpu.memory_space<semaphore_mem>>, %arg12: memref<8x!tpu.dma_semaphore, #tpu.memory_space<semaphore_mem>>, %arg13: memref<8x!tpu.dma_semaphore, #tpu.memory_space<semaphore_mem>>) attributes {dimension_semantics = [#tpu.dimension_semantics<core_parallel>, #tpu.dimension_semantics<subcore_parallel>], iteration_bounds = array<i64: 2, 16>, scalar_prefetch = 0 : i64, scratch_operands = 8 : i64, tpu.core_type = #tpu.core_type<sc_vector_subcore>, window_params = [{transform_indices = #map}, {transform_indices = #map1}, {transform_indices = #map2}, {transform_indices = #map}]} {
    %dma_start3A = arith.constant 0 : i32
    %dma_start3A_0 = arith.constant 0 : i32
    %dma_start3A_1 = tpu.memref_slice %arg3[%arg0, %arg1, %dma_start3A, %dma_start3A_0] : memref<2x16x250x80xi32, #tpu.memory_space<hbm>> -> memref<1x1x250x80xi32, #tpu.memory_space<hbm>>
    %dma_start3A_2 = tpu.memref_squeeze %dma_start3A_1 : memref<1x1x250x80xi32, #tpu.memory_space<hbm>> -> memref<250x80xi32, #tpu.memory_space<hbm>>
    %dma_start3A_3 = arith.constant 0 : i32
    %dma_start3A_4 = arith.constant 0 : i32
    %dma_start3A_5 = tpu.memref_slice %arg3[%arg0, %arg1, %dma_start3A_3, %dma_start3A_4] : memref<2x16x250x80xi32, #tpu.memory_space<hbm>> -> memref<1x1x250x80xi32, #tpu.memory_space<hbm>>
    %dma_start3A_6 = tpu.memref_squeeze %dma_start3A_5 : memref<1x1x250x80xi32, #tpu.memory_space<hbm>> -> memref<250x80xi32, #tpu.memory_space<hbm>>
    tpu.enqueue_dma source(%dma_start3A_6 : memref<250x80xi32, #tpu.memory_space<hbm>>) target(%arg6 : memref<250x80xi32, #tpu.memory_space<vmem>>) target_semaphore(%arg11 : memref<!tpu.dma_semaphore, #tpu.memory_space<semaphore_mem>>)
    %dma_start3A_7 = arith.constant 0 : i32
    %dma_start3A_8 = arith.constant 0 : i32
    %dma_start3A_9 = tpu.memref_slice %arg4[%arg1, %dma_start3A_7, %dma_start3A_8] : memref<16x250x80xi32, #tpu.memory_space<hbm>> -> memref<1x250x80xi32, #tpu.memory_space<hbm>>
    %dma_start3A_10 = tpu.memref_squeeze %dma_start3A_9 : memref<1x250x80xi32, #tpu.memory_space<hbm>> -> memref<250x80xi32, #tpu.memory_space<hbm>>
    %dma_start3A_11 = arith.constant 0 : i32
    %dma_start3A_12 = arith.constant 0 : i32
    %dma_start3A_13 = tpu.memref_slice %arg4[%arg1, %dma_start3A_11, %dma_start3A_12] : memref<16x250x80xi32, #tpu.memory_space<hbm>> -> memref<1x250x80xi32, #tpu.memory_space<hbm>>
    %dma_start3A_14 = tpu.memref_squeeze %dma_start3A_13 : memref<1x250x80xi32, #tpu.memory_space<hbm>> -> memref<250x80xi32, #tpu.memory_space<hbm>>
    tpu.enqueue_dma source(%dma_start3A_14 : memref<250x80xi32, #tpu.memory_space<hbm>>) target(%arg7 : memref<250x80xi32, #tpu.memory_space<vmem>>) target_semaphore(%arg11 : memref<!tpu.dma_semaphore, #tpu.memory_space<semaphore_mem>>)
    %scan3A = arith.constant 0 : i32
    %scan3A_15 = arith.constant 0 : i32
    %scan3A_16 = arith.constant 64 : i32
    %scan3A_17 = arith.addi %scan3A_15, %scan3A_16 : i32
    %scan3A_18 = arith.constant 1 : i32
    %scan3A_19 = scf.for %scan3A_106 = %scan3A_15 to %scan3A_17 step %scan3A_18 iter_args(%scan3A_107 = %scan3A) -> (i32)  : i32 {
      %scan3A_108 = arith.constant 0 : i32
      %scan3A_109 = arith.constant 0 : i32
      %scan3A_110 = arith.constant 4 : i32
      %scan3A_111 = arith.addi %scan3A_109, %scan3A_110 : i32
      %scan3A_112 = arith.constant 1 : i32
      %scan3A_113 = scf.for %scan3A_115 = %scan3A_109 to %scan3A_111 step %scan3A_112 iter_args(%scan3A_116 = %scan3A_108) -> (i32)  : i32 {
        %broadcast_in_dim3A = arith.constant 0.000000e+00 : f32
        %broadcast_in_dim3A_117 = vector.broadcast %broadcast_in_dim3A : f32 to vector<16xf32>
        %mul3A_118 = arith.constant 16 : i32
        %mul3A_119 = arith.muli %scan3A_115, %mul3A_118 : i32
        %swap3A = arith.index_cast %scan3A_106 : i32 to index
        %swap3A_120 = arith.index_cast %mul3A_119 : i32 to index
        %swap3A_121 = tpu.vector_load %arg9[%swap3A, %swap3A_120] {strides = array<i32>} : memref<64x64xf32, #tpu.memory_space<vmem>>, vector<1x16xf32>,
        %swap3A_122 = vector.shape_cast %swap3A_121 : vector<1x16xf32> to vector<16xf32>
        %swap3A_123 = vector.shape_cast %broadcast_in_dim3A_117 : vector<16xf32> to vector<1x16xf32>
        tpu.vector_store %arg9[%swap3A, %swap3A_120], %swap3A_123 {strides = array<i32>} : memref<64x64xf32, #tpu.memory_space<vmem>>, vector<1x16xf32>,
        %scan3A_124 = arith.constant 0 : i32
        scf.yield %scan3A_124 : i32
      }
      %scan3A_114 = arith.constant 4 : i32
      scf.yield %scan3A_113 : i32
    }
    %scan3A_20 = arith.constant 64 : i32
    %mul3A = arith.constant 640 : i32
    %mul3A_21 = arith.muli %arg1, %mul3A : i32
    %add3A = arith.constant 0 : i32
    %add3A_22 = arith.addi %mul3A_21, %add3A : i32
    "tpu.region"() ({
      %run_scoped3A = tpu.sem_alloc : memref<!tpu.dma_semaphore, #tpu.memory_space<semaphore_mem>>
      %dma_start3A_106 = arith.constant 0 : i32
      %dma_start3A_107 = tpu.memref_slice %arg10[%add3A_22, %dma_start3A_106] : memref<10240x64xf32, #tpu.memory_space<vmem_shared>> -> memref<64x64xf32, #tpu.memory_space<vmem_shared>>
      %dma_start3A_108 = arith.constant 0 : i32
      %dma_start3A_109 = tpu.memref_slice %arg10[%add3A_22, %dma_start3A_108] : memref<10240x64xf32, #tpu.memory_space<vmem_shared>> -> memref<64x64xf32, #tpu.memory_space<vmem_shared>>
      tpu.enqueue_dma source(%arg9 : memref<64x64xf32, #tpu.memory_space<vmem>>) target(%dma_start3A_109 : memref<64x64xf32, #tpu.memory_space<vmem_shared>>) target_semaphore(%run_scoped3A : memref<!tpu.dma_semaphore, #tpu.memory_space<semaphore_mem>>)
      %dma_wait3A_110 = arith.constant 0 : i32
      %dma_wait3A_111 = tpu.memref_slice %arg10[%add3A_22, %dma_wait3A_110] : memref<10240x64xf32, #tpu.memory_space<vmem_shared>> -> memref<64x64xf32, #tpu.memory_space<vmem_shared>>
      %dma_wait3A_112 = arith.constant 0 : i32
      %dma_wait3A_113 = tpu.memref_slice %arg10[%add3A_22, %dma_wait3A_112] : memref<10240x64xf32, #tpu.memory_space<vmem_shared>> -> memref<64x64xf32, #tpu.memory_space<vmem_shared>>
      tpu.wait_dma2 semaphore(%run_scoped3A : memref<!tpu.dma_semaphore, #tpu.memory_space<semaphore_mem>>) src(%arg9 : memref<64x64xf32, #tpu.memory_space<vmem>>) dst(%dma_wait3A_113 : memref<64x64xf32, #tpu.memory_space<vmem_shared>>)
      tpu.yield
    }) : () -> ()
    %mul3A_23 = arith.constant 640 : i32
    %mul3A_24 = arith.muli %arg1, %mul3A_23 : i32
    %add3A_25 = arith.constant 64 : i32
    %add3A_26 = arith.addi %mul3A_24, %add3A_25 : i32
    "tpu.region"() ({
      %run_scoped3A = tpu.sem_alloc : memref<!tpu.dma_semaphore, #tpu.memory_space<semaphore_mem>>
      %dma_start3A_106 = arith.constant 0 : i32
      %dma_start3A_107 = tpu.memref_slice %arg10[%add3A_26, %dma_start3A_106] : memref<10240x64xf32, #tpu.memory_space<vmem_shared>> -> memref<64x64xf32, #tpu.memory_space<vmem_shared>>
      %dma_start3A_108 = arith.constant 0 : i32
      %dma_start3A_109 = tpu.memref_slice %arg10[%add3A_26, %dma_start3A_108] : memref<10240x64xf32, #tpu.memory_space<vmem_shared>> -> memref<64x64xf32, #tpu.memory_space<vmem_shared>>
      tpu.enqueue_dma source(%arg9 : memref<64x64xf32, #tpu.memory_space<vmem>>) target(%dma_start3A_109 : memref<64x64xf32, #tpu.memory_space<vmem_shared>>) target_semaphore(%run_scoped3A : memref<!tpu.dma_semaphore, #tpu.memory_space<semaphore_mem>>)
      %dma_wait3A_110 = arith.constant 0 : i32
      %dma_wait3A_111 = tpu.memref_slice %arg10[%add3A_26, %dma_wait3A_110] : memref<10240x64xf32, #tpu.memory_space<vmem_shared>> -> memref<64x64xf32, #tpu.memory_space<vmem_shared>>
      %dma_wait3A_112 = arith.constant 0 : i32
      %dma_wait3A_113 = tpu.memref_slice %arg10[%add3A_26, %dma_wait3A_112] : memref<10240x64xf32, #tpu.memory_space<vmem_shared>> -> memref<64x64xf32, #tpu.memory_space<vmem_shared>>
      tpu.wait_dma2 semaphore(%run_scoped3A : memref<!tpu.dma_semaphore, #tpu.memory_space<semaphore_mem>>) src(%arg9 : memref<64x64xf32, #tpu.memory_space<vmem>>) dst(%dma_wait3A_113 : memref<64x64xf32, #tpu.memory_space<vmem_shared>>)
      tpu.yield
    }) : () -> ()
    %mul3A_27 = arith.constant 640 : i32
    %mul3A_28 = arith.muli %arg1, %mul3A_27 : i32
    %add3A_29 = arith.constant 128 : i32
    %add3A_30 = arith.addi %mul3A_28, %add3A_29 : i32
    "tpu.region"() ({
      %run_scoped3A = tpu.sem_alloc : memref<!tpu.dma_semaphore, #tpu.memory_space<semaphore_mem>>
      %dma_start3A_106 = arith.constant 0 : i32
      %dma_start3A_107 = tpu.memref_slice %arg10[%add3A_30, %dma_start3A_106] : memref<10240x64xf32, #tpu.memory_space<vmem_shared>> -> memref<64x64xf32, #tpu.memory_space<vmem_shared>>
      %dma_start3A_108 = arith.constant 0 : i32
      %dma_start3A_109 = tpu.memref_slice %arg10[%add3A_30, %dma_start3A_108] : memref<10240x64xf32, #tpu.memory_space<vmem_shared>> -> memref<64x64xf32, #tpu.memory_space<vmem_shared>>
      tpu.enqueue_dma source(%arg9 : memref<64x64xf32, #tpu.memory_space<vmem>>) target(%dma_start3A_109 : memref<64x64xf32, #tpu.memory_space<vmem_shared>>) target_semaphore(%run_scoped3A : memref<!tpu.dma_semaphore, #tpu.memory_space<semaphore_mem>>)
      %dma_wait3A_110 = arith.constant 0 : i32
      %dma_wait3A_111 = tpu.memref_slice %arg10[%add3A_30, %dma_wait3A_110] : memref<10240x64xf32, #tpu.memory_space<vmem_shared>> -> memref<64x64xf32, #tpu.memory_space<vmem_shared>>
      %dma_wait3A_112 = arith.constant 0 : i32
      %dma_wait3A_113 = tpu.memref_slice %arg10[%add3A_30, %dma_wait3A_112] : memref<10240x64xf32, #tpu.memory_space<vmem_shared>> -> memref<64x64xf32, #tpu.memory_space<vmem_shared>>
      tpu.wait_dma2 semaphore(%run_scoped3A : memref<!tpu.dma_semaphore, #tpu.memory_space<semaphore_mem>>) src(%arg9 : memref<64x64xf32, #tpu.memory_space<vmem>>) dst(%dma_wait3A_113 : memref<64x64xf32, #tpu.memory_space<vmem_shared>>)
      tpu.yield
    }) : () -> ()
    %mul3A_31 = arith.constant 640 : i32
    %mul3A_32 = arith.muli %arg1, %mul3A_31 : i32
    %add3A_33 = arith.constant 192 : i32
    %add3A_34 = arith.addi %mul3A_32, %add3A_33 : i32
    "tpu.region"() ({
      %run_scoped3A = tpu.sem_alloc : memref<!tpu.dma_semaphore, #tpu.memory_space<semaphore_mem>>
      %dma_start3A_106 = arith.constant 0 : i32
      %dma_start3A_107 = tpu.memref_slice %arg10[%add3A_34, %dma_start3A_106] : memref<10240x64xf32, #tpu.memory_space<vmem_shared>> -> memref<64x64xf32, #tpu.memory_space<vmem_shared>>
      %dma_start3A_108 = arith.constant 0 : i32
      %dma_start3A_109 = tpu.memref_slice %arg10[%add3A_34, %dma_start3A_108] : memref<10240x64xf32, #tpu.memory_space<vmem_shared>> -> memref<64x64xf32, #tpu.memory_space<vmem_shared>>
      tpu.enqueue_dma source(%arg9 : memref<64x64xf32, #tpu.memory_space<vmem>>) target(%dma_start3A_109 : memref<64x64xf32, #tpu.memory_space<vmem_shared>>) target_semaphore(%run_scoped3A : memref<!tpu.dma_semaphore, #tpu.memory_space<semaphore_mem>>)
      %dma_wait3A_110 = arith.constant 0 : i32
      %dma_wait3A_111 = tpu.memref_slice %arg10[%add3A_34, %dma_wait3A_110] : memref<10240x64xf32, #tpu.memory_space<vmem_shared>> -> memref<64x64xf32, #tpu.memory_space<vmem_shared>>
      %dma_wait3A_112 = arith.constant 0 : i32
      %dma_wait3A_113 = tpu.memref_slice %arg10[%add3A_34, %dma_wait3A_112] : memref<10240x64xf32, #tpu.memory_space<vmem_shared>> -> memref<64x64xf32, #tpu.memory_space<vmem_shared>>
      tpu.wait_dma2 semaphore(%run_scoped3A : memref<!tpu.dma_semaphore, #tpu.memory_space<semaphore_mem>>) src(%arg9 : memref<64x64xf32, #tpu.memory_space<vmem>>) dst(%dma_wait3A_113 : memref<64x64xf32, #tpu.memory_space<vmem_shared>>)
      tpu.yield
    }) : () -> ()
    %mul3A_35 = arith.constant 640 : i32
    %mul3A_36 = arith.muli %arg1, %mul3A_35 : i32
    %add3A_37 = arith.constant 256 : i32
    %add3A_38 = arith.addi %mul3A_36, %add3A_37 : i32
    "tpu.region"() ({
      %run_scoped3A = tpu.sem_alloc : memref<!tpu.dma_semaphore, #tpu.memory_space<semaphore_mem>>
      %dma_start3A_106 = arith.constant 0 : i32
      %dma_start3A_107 = tpu.memref_slice %arg10[%add3A_38, %dma_start3A_106] : memref<10240x64xf32, #tpu.memory_space<vmem_shared>> -> memref<64x64xf32, #tpu.memory_space<vmem_shared>>
      %dma_start3A_108 = arith.constant 0 : i32
      %dma_start3A_109 = tpu.memref_slice %arg10[%add3A_38, %dma_start3A_108] : memref<10240x64xf32, #tpu.memory_space<vmem_shared>> -> memref<64x64xf32, #tpu.memory_space<vmem_shared>>
      tpu.enqueue_dma source(%arg9 : memref<64x64xf32, #tpu.memory_space<vmem>>) target(%dma_start3A_109 : memref<64x64xf32, #tpu.memory_space<vmem_shared>>) target_semaphore(%run_scoped3A : memref<!tpu.dma_semaphore, #tpu.memory_space<semaphore_mem>>)
      %dma_wait3A_110 = arith.constant 0 : i32
      %dma_wait3A_111 = tpu.memref_slice %arg10[%add3A_38, %dma_wait3A_110] : memref<10240x64xf32, #tpu.memory_space<vmem_shared>> -> memref<64x64xf32, #tpu.memory_space<vmem_shared>>
      %dma_wait3A_112 = arith.constant 0 : i32
      %dma_wait3A_113 = tpu.memref_slice %arg10[%add3A_38, %dma_wait3A_112] : memref<10240x64xf32, #tpu.memory_space<vmem_shared>> -> memref<64x64xf32, #tpu.memory_space<vmem_shared>>
      tpu.wait_dma2 semaphore(%run_scoped3A : memref<!tpu.dma_semaphore, #tpu.memory_space<semaphore_mem>>) src(%arg9 : memref<64x64xf32, #tpu.memory_space<vmem>>) dst(%dma_wait3A_113 : memref<64x64xf32, #tpu.memory_space<vmem_shared>>)
      tpu.yield
    }) : () -> ()
    %mul3A_39 = arith.constant 640 : i32
    %mul3A_40 = arith.muli %arg1, %mul3A_39 : i32
    %add3A_41 = arith.constant 320 : i32
    %add3A_42 = arith.addi %mul3A_40, %add3A_41 : i32
    "tpu.region"() ({
      %run_scoped3A = tpu.sem_alloc : memref<!tpu.dma_semaphore, #tpu.memory_space<semaphore_mem>>
      %dma_start3A_106 = arith.constant 0 : i32
      %dma_start3A_107 = tpu.memref_slice %arg10[%add3A_42, %dma_start3A_106] : memref<10240x64xf32, #tpu.memory_space<vmem_shared>> -> memref<64x64xf32, #tpu.memory_space<vmem_shared>>
      %dma_start3A_108 = arith.constant 0 : i32
      %dma_start3A_109 = tpu.memref_slice %arg10[%add3A_42, %dma_start3A_108] : memref<10240x64xf32, #tpu.memory_space<vmem_shared>> -> memref<64x64xf32, #tpu.memory_space<vmem_shared>>
      tpu.enqueue_dma source(%arg9 : memref<64x64xf32, #tpu.memory_space<vmem>>) target(%dma_start3A_109 : memref<64x64xf32, #tpu.memory_space<vmem_shared>>) target_semaphore(%run_scoped3A : memref<!tpu.dma_semaphore, #tpu.memory_space<semaphore_mem>>)
      %dma_wait3A_110 = arith.constant 0 : i32
      %dma_wait3A_111 = tpu.memref_slice %arg10[%add3A_42, %dma_wait3A_110] : memref<10240x64xf32, #tpu.memory_space<vmem_shared>> -> memref<64x64xf32, #tpu.memory_space<vmem_shared>>
      %dma_wait3A_112 = arith.constant 0 : i32
      %dma_wait3A_113 = tpu.memref_slice %arg10[%add3A_42, %dma_wait3A_112] : memref<10240x64xf32, #tpu.memory_space<vmem_shared>> -> memref<64x64xf32, #tpu.memory_space<vmem_shared>>
      tpu.wait_dma2 semaphore(%run_scoped3A : memref<!tpu.dma_semaphore, #tpu.memory_space<semaphore_mem>>) src(%arg9 : memref<64x64xf32, #tpu.memory_space<vmem>>) dst(%dma_wait3A_113 : memref<64x64xf32, #tpu.memory_space<vmem_shared>>)
      tpu.yield
    }) : () -> ()
    %mul3A_43 = arith.constant 640 : i32
    %mul3A_44 = arith.muli %arg1, %mul3A_43 : i32
    %add3A_45 = arith.constant 384 : i32
    %add3A_46 = arith.addi %mul3A_44, %add3A_45 : i32
    "tpu.region"() ({
      %run_scoped3A = tpu.sem_alloc : memref<!tpu.dma_semaphore, #tpu.memory_space<semaphore_mem>>
      %dma_start3A_106 = arith.constant 0 : i32
      %dma_start3A_107 = tpu.memref_slice %arg10[%add3A_46, %dma_start3A_106] : memref<10240x64xf32, #tpu.memory_space<vmem_shared>> -> memref<64x64xf32, #tpu.memory_space<vmem_shared>>
      %dma_start3A_108 = arith.constant 0 : i32
      %dma_start3A_109 = tpu.memref_slice %arg10[%add3A_46, %dma_start3A_108] : memref<10240x64xf32, #tpu.memory_space<vmem_shared>> -> memref<64x64xf32, #tpu.memory_space<vmem_shared>>
      tpu.enqueue_dma source(%arg9 : memref<64x64xf32, #tpu.memory_space<vmem>>) target(%dma_start3A_109 : memref<64x64xf32, #tpu.memory_space<vmem_shared>>) target_semaphore(%run_scoped3A : memref<!tpu.dma_semaphore, #tpu.memory_space<semaphore_mem>>)
      %dma_wait3A_110 = arith.constant 0 : i32
      %dma_wait3A_111 = tpu.memref_slice %arg10[%add3A_46, %dma_wait3A_110] : memref<10240x64xf32, #tpu.memory_space<vmem_shared>> -> memref<64x64xf32, #tpu.memory_space<vmem_shared>>
      %dma_wait3A_112 = arith.constant 0 : i32
      %dma_wait3A_113 = tpu.memref_slice %arg10[%add3A_46, %dma_wait3A_112] : memref<10240x64xf32, #tpu.memory_space<vmem_shared>> -> memref<64x64xf32, #tpu.memory_space<vmem_shared>>
      tpu.wait_dma2 semaphore(%run_scoped3A : memref<!tpu.dma_semaphore, #tpu.memory_space<semaphore_mem>>) src(%arg9 : memref<64x64xf32, #tpu.memory_space<vmem>>) dst(%dma_wait3A_113 : memref<64x64xf32, #tpu.memory_space<vmem_shared>>)
      tpu.yield
    }) : () -> ()
    %mul3A_47 = arith.constant 640 : i32
    %mul3A_48 = arith.muli %arg1, %mul3A_47 : i32
    %add3A_49 = arith.constant 448 : i32
    %add3A_50 = arith.addi %mul3A_48, %add3A_49 : i32
    "tpu.region"() ({
      %run_scoped3A = tpu.sem_alloc : memref<!tpu.dma_semaphore, #tpu.memory_space<semaphore_mem>>
      %dma_start3A_106 = arith.constant 0 : i32
      %dma_start3A_107 = tpu.memref_slice %arg10[%add3A_50, %dma_start3A_106] : memref<10240x64xf32, #tpu.memory_space<vmem_shared>> -> memref<64x64xf32, #tpu.memory_space<vmem_shared>>
      %dma_start3A_108 = arith.constant 0 : i32
      %dma_start3A_109 = tpu.memref_slice %arg10[%add3A_50, %dma_start3A_108] : memref<10240x64xf32, #tpu.memory_space<vmem_shared>> -> memref<64x64xf32, #tpu.memory_space<vmem_shared>>
      tpu.enqueue_dma source(%arg9 : memref<64x64xf32, #tpu.memory_space<vmem>>) target(%dma_start3A_109 : memref<64x64xf32, #tpu.memory_space<vmem_shared>>) target_semaphore(%run_scoped3A : memref<!tpu.dma_semaphore, #tpu.memory_space<semaphore_mem>>)
      %dma_wait3A_110 = arith.constant 0 : i32
      %dma_wait3A_111 = tpu.memref_slice %arg10[%add3A_50, %dma_wait3A_110] : memref<10240x64xf32, #tpu.memory_space<vmem_shared>> -> memref<64x64xf32, #tpu.memory_space<vmem_shared>>
      %dma_wait3A_112 = arith.constant 0 : i32
      %dma_wait3A_113 = tpu.memref_slice %arg10[%add3A_50, %dma_wait3A_112] : memref<10240x64xf32, #tpu.memory_space<vmem_shared>> -> memref<64x64xf32, #tpu.memory_space<vmem_shared>>
      tpu.wait_dma2 semaphore(%run_scoped3A : memref<!tpu.dma_semaphore, #tpu.memory_space<semaphore_mem>>) src(%arg9 : memref<64x64xf32, #tpu.memory_space<vmem>>) dst(%dma_wait3A_113 : memref<64x64xf32, #tpu.memory_space<vmem_shared>>)
      tpu.yield
    }) : () -> ()
    %mul3A_51 = arith.constant 640 : i32
    %mul3A_52 = arith.muli %arg1, %mul3A_51 : i32
    %add3A_53 = arith.constant 512 : i32
    %add3A_54 = arith.addi %mul3A_52, %add3A_53 : i32
    "tpu.region"() ({
      %run_scoped3A = tpu.sem_alloc : memref<!tpu.dma_semaphore, #tpu.memory_space<semaphore_mem>>
      %dma_start3A_106 = arith.constant 0 : i32
      %dma_start3A_107 = tpu.memref_slice %arg10[%add3A_54, %dma_start3A_106] : memref<10240x64xf32, #tpu.memory_space<vmem_shared>> -> memref<64x64xf32, #tpu.memory_space<vmem_shared>>
      %dma_start3A_108 = arith.constant 0 : i32
      %dma_start3A_109 = tpu.memref_slice %arg10[%add3A_54, %dma_start3A_108] : memref<10240x64xf32, #tpu.memory_space<vmem_shared>> -> memref<64x64xf32, #tpu.memory_space<vmem_shared>>
      tpu.enqueue_dma source(%arg9 : memref<64x64xf32, #tpu.memory_space<vmem>>) target(%dma_start3A_109 : memref<64x64xf32, #tpu.memory_space<vmem_shared>>) target_semaphore(%run_scoped3A : memref<!tpu.dma_semaphore, #tpu.memory_space<semaphore_mem>>)
      %dma_wait3A_110 = arith.constant 0 : i32
      %dma_wait3A_111 = tpu.memref_slice %arg10[%add3A_54, %dma_wait3A_110] : memref<10240x64xf32, #tpu.memory_space<vmem_shared>> -> memref<64x64xf32, #tpu.memory_space<vmem_shared>>
      %dma_wait3A_112 = arith.constant 0 : i32
      %dma_wait3A_113 = tpu.memref_slice %arg10[%add3A_54, %dma_wait3A_112] : memref<10240x64xf32, #tpu.memory_space<vmem_shared>> -> memref<64x64xf32, #tpu.memory_space<vmem_shared>>
      tpu.wait_dma2 semaphore(%run_scoped3A : memref<!tpu.dma_semaphore, #tpu.memory_space<semaphore_mem>>) src(%arg9 : memref<64x64xf32, #tpu.memory_space<vmem>>) dst(%dma_wait3A_113 : memref<64x64xf32, #tpu.memory_space<vmem_shared>>)
      tpu.yield
    }) : () -> ()
    %mul3A_55 = arith.constant 640 : i32
    %mul3A_56 = arith.muli %arg1, %mul3A_55 : i32
    %add3A_57 = arith.constant 576 : i32
    %add3A_58 = arith.addi %mul3A_56, %add3A_57 : i32
    "tpu.region"() ({
      %run_scoped3A = tpu.sem_alloc : memref<!tpu.dma_semaphore, #tpu.memory_space<semaphore_mem>>
      %dma_start3A_106 = arith.constant 0 : i32
      %dma_start3A_107 = tpu.memref_slice %arg10[%add3A_58, %dma_start3A_106] : memref<10240x64xf32, #tpu.memory_space<vmem_shared>> -> memref<64x64xf32, #tpu.memory_space<vmem_shared>>
      %dma_start3A_108 = arith.constant 0 : i32
      %dma_start3A_109 = tpu.memref_slice %arg10[%add3A_58, %dma_start3A_108] : memref<10240x64xf32, #tpu.memory_space<vmem_shared>> -> memref<64x64xf32, #tpu.memory_space<vmem_shared>>
      tpu.enqueue_dma source(%arg9 : memref<64x64xf32, #tpu.memory_space<vmem>>) target(%dma_start3A_109 : memref<64x64xf32, #tpu.memory_space<vmem_shared>>) target_semaphore(%run_scoped3A : memref<!tpu.dma_semaphore, #tpu.memory_space<semaphore_mem>>)
      %dma_wait3A_110 = arith.constant 0 : i32
      %dma_wait3A_111 = tpu.memref_slice %arg10[%add3A_58, %dma_wait3A_110] : memref<10240x64xf32, #tpu.memory_space<vmem_shared>> -> memref<64x64xf32, #tpu.memory_space<vmem_shared>>
      %dma_wait3A_112 = arith.constant 0 : i32
      %dma_wait3A_113 = tpu.memref_slice %arg10[%add3A_58, %dma_wait3A_112] : memref<10240x64xf32, #tpu.memory_space<vmem_shared>> -> memref<64x64xf32, #tpu.memory_space<vmem_shared>>
      tpu.wait_dma2 semaphore(%run_scoped3A : memref<!tpu.dma_semaphore, #tpu.memory_space<semaphore_mem>>) src(%arg9 : memref<64x64xf32, #tpu.memory_space<vmem>>) dst(%dma_wait3A_113 : memref<64x64xf32, #tpu.memory_space<vmem_shared>>)
      tpu.yield
    }) : () -> ()
    %dma_wait3A = arith.constant 0 : i32
    %dma_wait3A_59 = arith.constant 0 : i32
    %dma_wait3A_60 = tpu.memref_slice %arg3[%arg0, %arg1, %dma_wait3A, %dma_wait3A_59] : memref<2x16x250x80xi32, #tpu.memory_space<hbm>> -> memref<1x1x250x80xi32, #tpu.memory_space<hbm>>
    %dma_wait3A_61 = tpu.memref_squeeze %dma_wait3A_60 : memref<1x1x250x80xi32, #tpu.memory_space<hbm>> -> memref<250x80xi32, #tpu.memory_space<hbm>>
    %dma_wait3A_62 = arith.constant 0 : i32
    %dma_wait3A_63 = arith.constant 0 : i32
    %dma_wait3A_64 = tpu.memref_slice %arg3[%arg0, %arg1, %dma_wait3A_62, %dma_wait3A_63] : memref<2x16x250x80xi32, #tpu.memory_space<hbm>> -> memref<1x1x250x80xi32, #tpu.memory_space<hbm>>
    %dma_wait3A_65 = tpu.memref_squeeze %dma_wait3A_64 : memref<1x1x250x80xi32, #tpu.memory_space<hbm>> -> memref<250x80xi32, #tpu.memory_space<hbm>>
    tpu.wait_dma2 semaphore(%arg11 : memref<!tpu.dma_semaphore, #tpu.memory_space<semaphore_mem>>) src(%dma_wait3A_65 : memref<250x80xi32, #tpu.memory_space<hbm>>) dst(%arg6 : memref<250x80xi32, #tpu.memory_space<vmem>>)
    %dma_wait3A_66 = arith.constant 0 : i32
    %dma_wait3A_67 = arith.constant 0 : i32
    %dma_wait3A_68 = tpu.memref_slice %arg4[%arg1, %dma_wait3A_66, %dma_wait3A_67] : memref<16x250x80xi32, #tpu.memory_space<hbm>> -> memref<1x250x80xi32, #tpu.memory_space<hbm>>
    %dma_wait3A_69 = tpu.memref_squeeze %dma_wait3A_68 : memref<1x250x80xi32, #tpu.memory_space<hbm>> -> memref<250x80xi32, #tpu.memory_space<hbm>>
    %dma_wait3A_70 = arith.constant 0 : i32
    %dma_wait3A_71 = arith.constant 0 : i32
    %dma_wait3A_72 = tpu.memref_slice %arg4[%arg1, %dma_wait3A_70, %dma_wait3A_71] : memref<16x250x80xi32, #tpu.memory_space<hbm>> -> memref<1x250x80xi32, #tpu.memory_space<hbm>>
    %dma_wait3A_73 = tpu.memref_squeeze %dma_wait3A_72 : memref<1x250x80xi32, #tpu.memory_space<hbm>> -> memref<250x80xi32, #tpu.memory_space<hbm>>
    tpu.wait_dma2 semaphore(%arg11 : memref<!tpu.dma_semaphore, #tpu.memory_space<semaphore_mem>>) src(%dma_wait3A_73 : memref<250x80xi32, #tpu.memory_space<hbm>>) dst(%arg7 : memref<250x80xi32, #tpu.memory_space<vmem>>)
    %barrier3A = arith.constant 0 : index
    tpu.barrier barrier_id(%barrier3A)
    %scan3A_74 = arith.constant 0 : i32
    %scan3A_75 = arith.constant 0 : i32
    %scan3A_76 = arith.constant 127 : i32
    %scan3A_77 = arith.addi %scan3A_75, %scan3A_76 : i32
    %scan3A_78 = arith.constant 1 : i32
    %scan3A_79 = scf.for %scan3A_106 = %scan3A_75 to %scan3A_77 step %scan3A_78 iter_args(%scan3A_107 = %scan3A_74) -> (i32)  : i32 {
      %mul3A_108 = arith.constant 2 : i32
      %mul3A_109 = arith.muli %scan3A_106, %mul3A_108 : i32
      %add3A_110 = arith.constant 0 : i32
      %add3A_111 = arith.addi %mul3A_109, %add3A_110 : i32
      %lt3A = arith.constant 250 : i32
      %lt3A_112 = arith.cmpi slt, %add3A_111, %lt3A : i32
      %convert_element_type3A_113 = arith.extui %lt3A_112 : i1 to i32
      %cond3A_114 = arith.constant 0 : i32
      %cond3A_115 = arith.cmpi ne, %convert_element_type3A_113, %cond3A_114 : i32
      scf.if %cond3A_115 {
        %rem3A = arith.constant 8 : i32
        %rem3A_140 = arith.remsi %add3A_111, %rem3A : i32
        %dma_start3A_141 = arith.constant 0 : i32
        %dma_start3A_142 = arith.constant 0 : i32
        %dma_start3A_143 = tpu.memref_slice %arg8[%rem3A_140, %dma_start3A_141, %dma_start3A_142] : memref<8x80x64xf32, #tpu.memory_space<vmem>> -> memref<1x80x64xf32, #tpu.memory_space<vmem>>
        %dma_start3A_144 = tpu.memref_squeeze %dma_start3A_143 : memref<1x80x64xf32, #tpu.memory_space<vmem>> -> memref<80x64xf32, #tpu.memory_space<vmem>>
        %dma_start3A_145 = arith.constant 0 : i32
        %dma_start3A_146 = tpu.memref_slice %arg6[%add3A_111, %dma_start3A_145] : memref<250x80xi32, #tpu.memory_space<vmem>> -> memref<1x80xi32, #tpu.memory_space<vmem>>
        %dma_start3A_147 = tpu.memref_squeeze %dma_start3A_146 : memref<1x80xi32, #tpu.memory_space<vmem>> -> memref<80xi32, #tpu.memory_space<vmem>>
        %dma_start3A_148 = arith.constant 0 : i32
        %dma_start3A_149 = arith.constant 0 : i32
        %dma_start3A_150 = tpu.memref_slice %arg2[%dma_start3A_148, %dma_start3A_149] : memref<20000x64xf32, #tpu.memory_space<hbm>> -> memref<20000x64xf32, #tpu.memory_space<hbm>>
        %dma_start3A_151 = tpu.memref_slice %arg12[%rem3A_140] : memref<8x!tpu.dma_semaphore, #tpu.memory_space<semaphore_mem>> -> memref<1x!tpu.dma_semaphore, #tpu.memory_space<semaphore_mem>>
        %dma_start3A_152 = tpu.memref_squeeze %dma_start3A_151 : memref<1x!tpu.dma_semaphore, #tpu.memory_space<semaphore_mem>> -> memref<!tpu.dma_semaphore, #tpu.memory_space<semaphore_mem>>
        tpu.enqueue_indirect_dma source(%dma_start3A_150 : memref<20000x64xf32, #tpu.memory_space<hbm>>) target(%dma_start3A_144 : memref<80x64xf32, #tpu.memory_space<vmem>>) offsets(%dma_start3A_147 : memref<80xi32, #tpu.memory_space<vmem>>) semaphore(%dma_start3A_152 : memref<!tpu.dma_semaphore, #tpu.memory_space<semaphore_mem>>)
      } else {
      }
      %ge3A = arith.constant 4 : i32
      %ge3A_116 = arith.cmpi sge, %add3A_111, %ge3A : i32
      %lt3A_117 = arith.constant 254 : i32
      %lt3A_118 = arith.cmpi slt, %add3A_111, %lt3A_117 : i32
      %and3A = arith.andi %ge3A_116, %lt3A_118 : i1
      %convert_element_type3A_119 = arith.extui %and3A : i1 to i32
      %cond3A_120 = arith.constant 0 : i32
      %cond3A_121 = arith.cmpi ne, %convert_element_type3A_119, %cond3A_120 : i32
      scf.if %cond3A_121 {
        %sub3A = arith.constant 4 : i32
        %sub3A_140 = arith.subi %add3A_111, %sub3A : i32
        %rem3A = arith.constant 8 : i32
        %rem3A_141 = arith.remsi %sub3A_140, %rem3A : i32
        %dma_wait3A_142 = arith.constant 0 : i32
        %dma_wait3A_143 = arith.constant 0 : i32
        %dma_wait3A_144 = tpu.memref_slice %arg8[%rem3A_141, %dma_wait3A_142, %dma_wait3A_143] : memref<8x80x64xf32, #tpu.memory_space<vmem>> -> memref<1x80x64xf32, #tpu.memory_space<vmem>>
        %dma_wait3A_145 = tpu.memref_squeeze %dma_wait3A_144 : memref<1x80x64xf32, #tpu.memory_space<vmem>> -> memref<80x64xf32, #tpu.memory_space<vmem>>
        %dma_wait3A_146 = arith.constant 0 : i32
        %dma_wait3A_147 = tpu.memref_slice %arg6[%sub3A_140, %dma_wait3A_146] : memref<250x80xi32, #tpu.memory_space<vmem>> -> memref<1x80xi32, #tpu.memory_space<vmem>>
        %dma_wait3A_148 = tpu.memref_squeeze %dma_wait3A_147 : memref<1x80xi32, #tpu.memory_space<vmem>> -> memref<80xi32, #tpu.memory_space<vmem>>
        %dma_wait3A_149 = arith.constant 0 : i32
        %dma_wait3A_150 = arith.constant 0 : i32
        %dma_wait3A_151 = tpu.memref_slice %arg2[%dma_wait3A_149, %dma_wait3A_150] : memref<20000x64xf32, #tpu.memory_space<hbm>> -> memref<20000x64xf32, #tpu.memory_space<hbm>>
        %dma_wait3A_152 = tpu.memref_slice %arg12[%rem3A_141] : memref<8x!tpu.dma_semaphore, #tpu.memory_space<semaphore_mem>> -> memref<1x!tpu.dma_semaphore, #tpu.memory_space<semaphore_mem>>
        %dma_wait3A_153 = tpu.memref_squeeze %dma_wait3A_152 : memref<1x!tpu.dma_semaphore, #tpu.memory_space<semaphore_mem>> -> memref<!tpu.dma_semaphore, #tpu.memory_space<semaphore_mem>>
        tpu.wait_indirect_dma semaphore(%dma_wait3A_153 : memref<!tpu.dma_semaphore, #tpu.memory_space<semaphore_mem>>) src(%dma_wait3A_151 : memref<20000x64xf32, #tpu.memory_space<hbm>>) dst(%dma_wait3A_145 : memref<80x64xf32, #tpu.memory_space<vmem>>)
        %ge3A_154 = arith.constant 1 : i32
        %ge3A_155 = arith.cmpi sge, %sub3A_140, %ge3A_154 : i32
        %convert_element_type3A_156 = arith.extui %ge3A_155 : i1 to i32
        %cond3A_157 = arith.constant 0 : i32
        %cond3A_158 = arith.cmpi ne, %convert_element_type3A_156, %cond3A_157 : i32
        scf.if %cond3A_158 {
          %sub3A_171 = arith.constant 1 : i32
          %sub3A_172 = arith.subi %sub3A_140, %sub3A_171 : i32
          %rem3A_173 = arith.constant 8 : i32
          %rem3A_174 = arith.remsi %sub3A_172, %rem3A_173 : i32
          %sub3A_175 = arith.constant 1 : i32
          %sub3A_176 = arith.subi %sub3A_140, %sub3A_175 : i32
          %dma_wait3A_177 = arith.constant 0 : i32
          %dma_wait3A_178 = arith.constant 0 : i32
          %dma_wait3A_179 = tpu.memref_slice %arg8[%rem3A_174, %dma_wait3A_177, %dma_wait3A_178] : memref<8x80x64xf32, #tpu.memory_space<vmem>> -> memref<1x80x64xf32, #tpu.memory_space<vmem>>
          %dma_wait3A_180 = tpu.memref_squeeze %dma_wait3A_179 : memref<1x80x64xf32, #tpu.memory_space<vmem>> -> memref<80x64xf32, #tpu.memory_space<vmem>>
          %dma_wait3A_181 = arith.constant 0 : i32
          %dma_wait3A_182 = tpu.memref_slice %arg7[%sub3A_176, %dma_wait3A_181] : memref<250x80xi32, #tpu.memory_space<vmem>> -> memref<1x80xi32, #tpu.memory_space<vmem>>
          %dma_wait3A_183 = tpu.memref_squeeze %dma_wait3A_182 : memref<1x80xi32, #tpu.memory_space<vmem>> -> memref<80xi32, #tpu.memory_space<vmem>>
          %dma_wait3A_184 = arith.constant 0 : i32
          %dma_wait3A_185 = arith.constant 0 : i32
          %dma_wait3A_186 = tpu.memref_slice %arg10[%dma_wait3A_184, %dma_wait3A_185] : memref<10240x64xf32, #tpu.memory_space<vmem_shared>> -> memref<10240x64xf32, #tpu.memory_space<vmem_shared>>
          %dma_wait3A_187 = tpu.memref_slice %arg13[%rem3A_174] : memref<8x!tpu.dma_semaphore, #tpu.memory_space<semaphore_mem>> -> memref<1x!tpu.dma_semaphore, #tpu.memory_space<semaphore_mem>>
          %dma_wait3A_188 = tpu.memref_squeeze %dma_wait3A_187 : memref<1x!tpu.dma_semaphore, #tpu.memory_space<semaphore_mem>> -> memref<!tpu.dma_semaphore, #tpu.memory_space<semaphore_mem>>
          tpu.wait_indirect_dma semaphore(%dma_wait3A_188 : memref<!tpu.dma_semaphore, #tpu.memory_space<semaphore_mem>>) src(%dma_wait3A_180 : memref<80x64xf32, #tpu.memory_space<vmem>>) dst(%dma_wait3A_186 : memref<10240x64xf32, #tpu.memory_space<vmem_shared>>)
        } else {
        }
        %dma_start3A_159 = arith.constant 0 : i32
        %dma_start3A_160 = arith.constant 0 : i32
        %dma_start3A_161 = tpu.memref_slice %arg8[%rem3A_141, %dma_start3A_159, %dma_start3A_160] : memref<8x80x64xf32, #tpu.memory_space<vmem>> -> memref<1x80x64xf32, #tpu.memory_space<vmem>>
        %dma_start3A_162 = tpu.memref_squeeze %dma_start3A_161 : memref<1x80x64xf32, #tpu.memory_space<vmem>> -> memref<80x64xf32, #tpu.memory_space<vmem>>
        %dma_start3A_163 = arith.constant 0 : i32
        %dma_start3A_164 = tpu.memref_slice %arg7[%sub3A_140, %dma_start3A_163] : memref<250x80xi32, #tpu.memory_space<vmem>> -> memref<1x80xi32, #tpu.memory_space<vmem>>
        %dma_start3A_165 = tpu.memref_squeeze %dma_start3A_164 : memref<1x80xi32, #tpu.memory_space<vmem>> -> memref<80xi32, #tpu.memory_space<vmem>>
        %dma_start3A_166 = arith.constant 0 : i32
        %dma_start3A_167 = arith.constant 0 : i32
        %dma_start3A_168 = tpu.memref_slice %arg10[%dma_start3A_166, %dma_start3A_167] : memref<10240x64xf32, #tpu.memory_space<vmem_shared>> -> memref<10240x64xf32, #tpu.memory_space<vmem_shared>>
        %dma_start3A_169 = tpu.memref_slice %arg13[%rem3A_141] : memref<8x!tpu.dma_semaphore, #tpu.memory_space<semaphore_mem>> -> memref<1x!tpu.dma_semaphore, #tpu.memory_space<semaphore_mem>>
        %dma_start3A_170 = tpu.memref_squeeze %dma_start3A_169 : memref<1x!tpu.dma_semaphore, #tpu.memory_space<semaphore_mem>> -> memref<!tpu.dma_semaphore, #tpu.memory_space<semaphore_mem>>
        tpu.enqueue_indirect_dma source(%dma_start3A_162 : memref<80x64xf32, #tpu.memory_space<vmem>>) target(%dma_start3A_168 : memref<10240x64xf32, #tpu.memory_space<vmem_shared>>) offsets(%dma_start3A_165 : memref<80xi32, #tpu.memory_space<vmem>>) semaphore(%dma_start3A_170 : memref<!tpu.dma_semaphore, #tpu.memory_space<semaphore_mem>>) {add = true}
      } else {
      }
      %mul3A_122 = arith.constant 2 : i32
      %mul3A_123 = arith.muli %scan3A_106, %mul3A_122 : i32
      %add3A_124 = arith.constant 1 : i32
      %add3A_125 = arith.addi %mul3A_123, %add3A_124 : i32
      %lt3A_126 = arith.constant 250 : i32
      %lt3A_127 = arith.cmpi slt, %add3A_125, %lt3A_126 : i32
      %convert_element_type3A_128 = arith.extui %lt3A_127 : i1 to i32
      %cond3A_129 = arith.constant 0 : i32
      %cond3A_130 = arith.cmpi ne, %convert_element_type3A_128, %cond3A_129 : i32
      scf.if %cond3A_130 {
        %rem3A = arith.constant 8 : i32
        %rem3A_140 = arith.remsi %add3A_125, %rem3A : i32
        %dma_start3A_141 = arith.constant 0 : i32
        %dma_start3A_142 = arith.constant 0 : i32
        %dma_start3A_143 = tpu.memref_slice %arg8[%rem3A_140, %dma_start3A_141, %dma_start3A_142] : memref<8x80x64xf32, #tpu.memory_space<vmem>> -> memref<1x80x64xf32, #tpu.memory_space<vmem>>
        %dma_start3A_144 = tpu.memref_squeeze %dma_start3A_143 : memref<1x80x64xf32, #tpu.memory_space<vmem>> -> memref<80x64xf32, #tpu.memory_space<vmem>>
        %dma_start3A_145 = arith.constant 0 : i32
        %dma_start3A_146 = tpu.memref_slice %arg6[%add3A_125, %dma_start3A_145] : memref<250x80xi32, #tpu.memory_space<vmem>> -> memref<1x80xi32, #tpu.memory_space<vmem>>
        %dma_start3A_147 = tpu.memref_squeeze %dma_start3A_146 : memref<1x80xi32, #tpu.memory_space<vmem>> -> memref<80xi32, #tpu.memory_space<vmem>>
        %dma_start3A_148 = arith.constant 0 : i32
        %dma_start3A_149 = arith.constant 0 : i32
        %dma_start3A_150 = tpu.memref_slice %arg2[%dma_start3A_148, %dma_start3A_149] : memref<20000x64xf32, #tpu.memory_space<hbm>> -> memref<20000x64xf32, #tpu.memory_space<hbm>>
        %dma_start3A_151 = tpu.memref_slice %arg12[%rem3A_140] : memref<8x!tpu.dma_semaphore, #tpu.memory_space<semaphore_mem>> -> memref<1x!tpu.dma_semaphore, #tpu.memory_space<semaphore_mem>>
        %dma_start3A_152 = tpu.memref_squeeze %dma_start3A_151 : memref<1x!tpu.dma_semaphore, #tpu.memory_space<semaphore_mem>> -> memref<!tpu.dma_semaphore, #tpu.memory_space<semaphore_mem>>
        tpu.enqueue_indirect_dma source(%dma_start3A_150 : memref<20000x64xf32, #tpu.memory_space<hbm>>) target(%dma_start3A_144 : memref<80x64xf32, #tpu.memory_space<vmem>>) offsets(%dma_start3A_147 : memref<80xi32, #tpu.memory_space<vmem>>) semaphore(%dma_start3A_152 : memref<!tpu.dma_semaphore, #tpu.memory_space<semaphore_mem>>)
      } else {
      }
      %ge3A_131 = arith.constant 4 : i32
      %ge3A_132 = arith.cmpi sge, %add3A_125, %ge3A_131 : i32
      %lt3A_133 = arith.constant 254 : i32
      %lt3A_134 = arith.cmpi slt, %add3A_125, %lt3A_133 : i32
      %and3A_135 = arith.andi %ge3A_132, %lt3A_134 : i1
      %convert_element_type3A_136 = arith.extui %and3A_135 : i1 to i32
      %cond3A_137 = arith.constant 0 : i32
      %cond3A_138 = arith.cmpi ne, %convert_element_type3A_136, %cond3A_137 : i32
      scf.if %cond3A_138 {
        %sub3A = arith.constant 4 : i32
        %sub3A_140 = arith.subi %add3A_125, %sub3A : i32
        %rem3A = arith.constant 8 : i32
        %rem3A_141 = arith.remsi %sub3A_140, %rem3A : i32
        %dma_wait3A_142 = arith.constant 0 : i32
        %dma_wait3A_143 = arith.constant 0 : i32
        %dma_wait3A_144 = tpu.memref_slice %arg8[%rem3A_141, %dma_wait3A_142, %dma_wait3A_143] : memref<8x80x64xf32, #tpu.memory_space<vmem>> -> memref<1x80x64xf32, #tpu.memory_space<vmem>>
        %dma_wait3A_145 = tpu.memref_squeeze %dma_wait3A_144 : memref<1x80x64xf32, #tpu.memory_space<vmem>> -> memref<80x64xf32, #tpu.memory_space<vmem>>
        %dma_wait3A_146 = arith.constant 0 : i32
        %dma_wait3A_147 = tpu.memref_slice %arg6[%sub3A_140, %dma_wait3A_146] : memref<250x80xi32, #tpu.memory_space<vmem>> -> memref<1x80xi32, #tpu.memory_space<vmem>>
        %dma_wait3A_148 = tpu.memref_squeeze %dma_wait3A_147 : memref<1x80xi32, #tpu.memory_space<vmem>> -> memref<80xi32, #tpu.memory_space<vmem>>
        %dma_wait3A_149 = arith.constant 0 : i32
        %dma_wait3A_150 = arith.constant 0 : i32
        %dma_wait3A_151 = tpu.memref_slice %arg2[%dma_wait3A_149, %dma_wait3A_150] : memref<20000x64xf32, #tpu.memory_space<hbm>> -> memref<20000x64xf32, #tpu.memory_space<hbm>>
        %dma_wait3A_152 = tpu.memref_slice %arg12[%rem3A_141] : memref<8x!tpu.dma_semaphore, #tpu.memory_space<semaphore_mem>> -> memref<1x!tpu.dma_semaphore, #tpu.memory_space<semaphore_mem>>
        %dma_wait3A_153 = tpu.memref_squeeze %dma_wait3A_152 : memref<1x!tpu.dma_semaphore, #tpu.memory_space<semaphore_mem>> -> memref<!tpu.dma_semaphore, #tpu.memory_space<semaphore_mem>>
        tpu.wait_indirect_dma semaphore(%dma_wait3A_153 : memref<!tpu.dma_semaphore, #tpu.memory_space<semaphore_mem>>) src(%dma_wait3A_151 : memref<20000x64xf32, #tpu.memory_space<hbm>>) dst(%dma_wait3A_145 : memref<80x64xf32, #tpu.memory_space<vmem>>)
        %ge3A_154 = arith.constant 1 : i32
        %ge3A_155 = arith.cmpi sge, %sub3A_140, %ge3A_154 : i32
        %convert_element_type3A_156 = arith.extui %ge3A_155 : i1 to i32
        %cond3A_157 = arith.constant 0 : i32
        %cond3A_158 = arith.cmpi ne, %convert_element_type3A_156, %cond3A_157 : i32
        scf.if %cond3A_158 {
          %sub3A_171 = arith.constant 1 : i32
          %sub3A_172 = arith.subi %sub3A_140, %sub3A_171 : i32
          %rem3A_173 = arith.constant 8 : i32
          %rem3A_174 = arith.remsi %sub3A_172, %rem3A_173 : i32
          %sub3A_175 = arith.constant 1 : i32
          %sub3A_176 = arith.subi %sub3A_140, %sub3A_175 : i32
          %dma_wait3A_177 = arith.constant 0 : i32
          %dma_wait3A_178 = arith.constant 0 : i32
          %dma_wait3A_179 = tpu.memref_slice %arg8[%rem3A_174, %dma_wait3A_177, %dma_wait3A_178] : memref<8x80x64xf32, #tpu.memory_space<vmem>> -> memref<1x80x64xf32, #tpu.memory_space<vmem>>
          %dma_wait3A_180 = tpu.memref_squeeze %dma_wait3A_179 : memref<1x80x64xf32, #tpu.memory_space<vmem>> -> memref<80x64xf32, #tpu.memory_space<vmem>>
          %dma_wait3A_181 = arith.constant 0 : i32
          %dma_wait3A_182 = tpu.memref_slice %arg7[%sub3A_176, %dma_wait3A_181] : memref<250x80xi32, #tpu.memory_space<vmem>> -> memref<1x80xi32, #tpu.memory_space<vmem>>
          %dma_wait3A_183 = tpu.memref_squeeze %dma_wait3A_182 : memref<1x80xi32, #tpu.memory_space<vmem>> -> memref<80xi32, #tpu.memory_space<vmem>>
          %dma_wait3A_184 = arith.constant 0 : i32
          %dma_wait3A_185 = arith.constant 0 : i32
          %dma_wait3A_186 = tpu.memref_slice %arg10[%dma_wait3A_184, %dma_wait3A_185] : memref<10240x64xf32, #tpu.memory_space<vmem_shared>> -> memref<10240x64xf32, #tpu.memory_space<vmem_shared>>
          %dma_wait3A_187 = tpu.memref_slice %arg13[%rem3A_174] : memref<8x!tpu.dma_semaphore, #tpu.memory_space<semaphore_mem>> -> memref<1x!tpu.dma_semaphore, #tpu.memory_space<semaphore_mem>>
          %dma_wait3A_188 = tpu.memref_squeeze %dma_wait3A_187 : memref<1x!tpu.dma_semaphore, #tpu.memory_space<semaphore_mem>> -> memref<!tpu.dma_semaphore, #tpu.memory_space<semaphore_mem>>
          tpu.wait_indirect_dma semaphore(%dma_wait3A_188 : memref<!tpu.dma_semaphore, #tpu.memory_space<semaphore_mem>>) src(%dma_wait3A_180 : memref<80x64xf32, #tpu.memory_space<vmem>>) dst(%dma_wait3A_186 : memref<10240x64xf32, #tpu.memory_space<vmem_shared>>)
        } else {
        }
        %dma_start3A_159 = arith.constant 0 : i32
        %dma_start3A_160 = arith.constant 0 : i32
        %dma_start3A_161 = tpu.memref_slice %arg8[%rem3A_141, %dma_start3A_159, %dma_start3A_160] : memref<8x80x64xf32, #tpu.memory_space<vmem>> -> memref<1x80x64xf32, #tpu.memory_space<vmem>>
        %dma_start3A_162 = tpu.memref_squeeze %dma_start3A_161 : memref<1x80x64xf32, #tpu.memory_space<vmem>> -> memref<80x64xf32, #tpu.memory_space<vmem>>
        %dma_start3A_163 = arith.constant 0 : i32
        %dma_start3A_164 = tpu.memref_slice %arg7[%sub3A_140, %dma_start3A_163] : memref<250x80xi32, #tpu.memory_space<vmem>> -> memref<1x80xi32, #tpu.memory_space<vmem>>
        %dma_start3A_165 = tpu.memref_squeeze %dma_start3A_164 : memref<1x80xi32, #tpu.memory_space<vmem>> -> memref<80xi32, #tpu.memory_space<vmem>>
        %dma_start3A_166 = arith.constant 0 : i32
        %dma_start3A_167 = arith.constant 0 : i32
        %dma_start3A_168 = tpu.memref_slice %arg10[%dma_start3A_166, %dma_start3A_167] : memref<10240x64xf32, #tpu.memory_space<vmem_shared>> -> memref<10240x64xf32, #tpu.memory_space<vmem_shared>>
        %dma_start3A_169 = tpu.memref_slice %arg13[%rem3A_141] : memref<8x!tpu.dma_semaphore, #tpu.memory_space<semaphore_mem>> -> memref<1x!tpu.dma_semaphore, #tpu.memory_space<semaphore_mem>>
        %dma_start3A_170 = tpu.memref_squeeze %dma_start3A_169 : memref<1x!tpu.dma_semaphore, #tpu.memory_space<semaphore_mem>> -> memref<!tpu.dma_semaphore, #tpu.memory_space<semaphore_mem>>
        tpu.enqueue_indirect_dma source(%dma_start3A_162 : memref<80x64xf32, #tpu.memory_space<vmem>>) target(%dma_start3A_168 : memref<10240x64xf32, #tpu.memory_space<vmem_shared>>) offsets(%dma_start3A_165 : memref<80xi32, #tpu.memory_space<vmem>>) semaphore(%dma_start3A_170 : memref<!tpu.dma_semaphore, #tpu.memory_space<semaphore_mem>>) {add = true}
      } else {
      }
      %scan3A_139 = arith.constant 0 : i32
      scf.yield %scan3A_139 : i32
    }
    %scan3A_80 = arith.constant 127 : i32
    %dma_wait3A_81 = arith.constant 1 : i32
    %dma_wait3A_82 = arith.constant 249 : i32
    %dma_wait3A_83 = arith.constant 1 : i32
    %dma_wait3A_84 = arith.constant 0 : i32
    %dma_wait3A_85 = arith.constant 0 : i32
    %dma_wait3A_86 = tpu.memref_slice %arg8[%dma_wait3A_81, %dma_wait3A_84, %dma_wait3A_85] : memref<8x80x64xf32, #tpu.memory_space<vmem>> -> memref<1x80x64xf32, #tpu.memory_space<vmem>>
    %dma_wait3A_87 = tpu.memref_squeeze %dma_wait3A_86 : memref<1x80x64xf32, #tpu.memory_space<vmem>> -> memref<80x64xf32, #tpu.memory_space<vmem>>
    %dma_wait3A_88 = arith.constant 0 : i32
    %dma_wait3A_89 = tpu.memref_slice %arg7[%dma_wait3A_82, %dma_wait3A_88] : memref<250x80xi32, #tpu.memory_space<vmem>> -> memref<1x80xi32, #tpu.memory_space<vmem>>
    %dma_wait3A_90 = tpu.memref_squeeze %dma_wait3A_89 : memref<1x80xi32, #tpu.memory_space<vmem>> -> memref<80xi32, #tpu.memory_space<vmem>>
    %dma_wait3A_91 = arith.constant 0 : i32
    %dma_wait3A_92 = arith.constant 0 : i32
    %dma_wait3A_93 = tpu.memref_slice %arg10[%dma_wait3A_91, %dma_wait3A_92] : memref<10240x64xf32, #tpu.memory_space<vmem_shared>> -> memref<10240x64xf32, #tpu.memory_space<vmem_shared>>
    %dma_wait3A_94 = tpu.memref_slice %arg13[%dma_wait3A_83] : memref<8x!tpu.dma_semaphore, #tpu.memory_space<semaphore_mem>> -> memref<1x!tpu.dma_semaphore, #tpu.memory_space<semaphore_mem>>
    %dma_wait3A_95 = tpu.memref_squeeze %dma_wait3A_94 : memref<1x!tpu.dma_semaphore, #tpu.memory_space<semaphore_mem>> -> memref<!tpu.dma_semaphore, #tpu.memory_space<semaphore_mem>>
    tpu.wait_indirect_dma semaphore(%dma_wait3A_95 : memref<!tpu.dma_semaphore, #tpu.memory_space<semaphore_mem>>) src(%dma_wait3A_87 : memref<80x64xf32, #tpu.memory_space<vmem>>) dst(%dma_wait3A_93 : memref<10240x64xf32, #tpu.memory_space<vmem_shared>>)
    %barrier3A_96 = arith.constant 0 : index
    tpu.barrier barrier_id(%barrier3A_96)
    %mul3A_97 = arith.constant 640 : i32
    %mul3A_98 = arith.muli %arg1, %mul3A_97 : i32
    %eq3A = arith.constant 0 : i32
    %eq3A_99 = arith.cmpi eq, %arg0, %eq3A : i32
    %convert_element_type3A = arith.extui %eq3A_99 : i1 to i32
    %cond3A = arith.constant 0 : i32
    %cond3A_100 = arith.cmpi ne, %convert_element_type3A, %cond3A : i32
    scf.if %cond3A_100 {
      "tpu.region"() ({
        %run_scoped3A = tpu.sem_alloc : memref<!tpu.dma_semaphore, #tpu.memory_space<semaphore_mem>>
        %dma_start3A_106 = arith.constant 0 : i32
        %dma_start3A_107 = tpu.memref_slice %arg5[%mul3A_98, %dma_start3A_106] : memref<10240x128xf32, #tpu.memory_space<hbm>> -> memref<640x64xf32, #tpu.memory_space<hbm>>
        %dma_start3A_108 = arith.constant 0 : i32
        %dma_start3A_109 = tpu.memref_slice %arg10[%mul3A_98, %dma_start3A_108] : memref<10240x64xf32, #tpu.memory_space<vmem_shared>> -> memref<640x64xf32, #tpu.memory_space<vmem_shared>>
        tpu.enqueue_dma source(%dma_start3A_109 : memref<640x64xf32, #tpu.memory_space<vmem_shared>>) target(%dma_start3A_107 : memref<640x64xf32, #tpu.memory_space<hbm>>) target_semaphore(%run_scoped3A : memref<!tpu.dma_semaphore, #tpu.memory_space<semaphore_mem>>)
        %dma_wait3A_110 = arith.constant 0 : i32
        %dma_wait3A_111 = tpu.memref_slice %arg5[%mul3A_98, %dma_wait3A_110] : memref<10240x128xf32, #tpu.memory_space<hbm>> -> memref<640x64xf32, #tpu.memory_space<hbm>>
        %dma_wait3A_112 = arith.constant 0 : i32
        %dma_wait3A_113 = tpu.memref_slice %arg10[%mul3A_98, %dma_wait3A_112] : memref<10240x64xf32, #tpu.memory_space<vmem_shared>> -> memref<640x64xf32, #tpu.memory_space<vmem_shared>>
        tpu.wait_dma2 semaphore(%run_scoped3A : memref<!tpu.dma_semaphore, #tpu.memory_space<semaphore_mem>>) src(%dma_wait3A_113 : memref<640x64xf32, #tpu.memory_space<vmem_shared>>) dst(%dma_wait3A_111 : memref<640x64xf32, #tpu.memory_space<hbm>>)
        tpu.yield
      }) : () -> ()
    } else {
    }
    %eq3A_101 = arith.constant 1 : i32
    %eq3A_102 = arith.cmpi eq, %arg0, %eq3A_101 : i32
    %convert_element_type3A_103 = arith.extui %eq3A_102 : i1 to i32
    %cond3A_104 = arith.constant 0 : i32
    %cond3A_105 = arith.cmpi ne, %convert_element_type3A_103, %cond3A_104 : i32
    scf.if %cond3A_105 {
      "tpu.region"() ({
        %run_scoped3A = tpu.sem_alloc : memref<!tpu.dma_semaphore, #tpu.memory_space<semaphore_mem>>
        %dma_start3A_106 = arith.constant 64 : i32
        %dma_start3A_107 = tpu.memref_slice %arg5[%mul3A_98, %dma_start3A_106] : memref<10240x128xf32, #tpu.memory_space<hbm>> -> memref<640x64xf32, #tpu.memory_space<hbm>>
        %dma_start3A_108 = arith.constant 0 : i32
        %dma_start3A_109 = tpu.memref_slice %arg10[%mul3A_98, %dma_start3A_108] : memref<10240x64xf32, #tpu.memory_space<vmem_shared>> -> memref<640x64xf32, #tpu.memory_space<vmem_shared>>
        tpu.enqueue_dma source(%dma_start3A_109 : memref<640x64xf32, #tpu.memory_space<vmem_shared>>) target(%dma_start3A_107 : memref<640x64xf32, #tpu.memory_space<hbm>>) target_semaphore(%run_scoped3A : memref<!tpu.dma_semaphore, #tpu.memory_space<semaphore_mem>>)
        %dma_wait3A_110 = arith.constant 64 : i32
        %dma_wait3A_111 = tpu.memref_slice %arg5[%mul3A_98, %dma_wait3A_110] : memref<10240x128xf32, #tpu.memory_space<hbm>> -> memref<640x64xf32, #tpu.memory_space<hbm>>
        %dma_wait3A_112 = arith.constant 0 : i32
        %dma_wait3A_113 = tpu.memref_slice %arg10[%mul3A_98, %dma_wait3A_112] : memref<10240x64xf32, #tpu.memory_space<vmem_shared>> -> memref<640x64xf32, #tpu.memory_space<vmem_shared>>
        tpu.wait_dma2 semaphore(%run_scoped3A : memref<!tpu.dma_semaphore, #tpu.memory_space<semaphore_mem>>) src(%dma_wait3A_113 : memref<640x64xf32, #tpu.memory_space<vmem_shared>>) dst(%dma_wait3A_111 : memref<640x64xf32, #tpu.memory_space<hbm>>)
        tpu.yield
      }) : () -> ()
    } else {
    }
    return
  }
}

module attributes {stable_mosaic.version = 14 : i64} {
  func.func @_mlp_block(%arg0: i32, %arg1: memref<1x1xf32, #tpu.memory_space<smem>>, %arg2: memref<2000x128xf32, #tpu.memory_space<vmem>>, %arg3: memref<2000x128xf32, #tpu.memory_space<vmem>>, %arg4: memref<128x128xf32, #tpu.memory_space<vmem>>, %arg5: memref<1x128xf32, #tpu.memory_space<vmem>>, %arg6: memref<128x128xf32, #tpu.memory_space<vmem>>, %arg7: memref<1x128xf32, #tpu.memory_space<vmem>>, %arg8: memref<2000x128xf32, #tpu.memory_space<vmem>>) attributes {dimension_semantics = [#tpu.dimension_semantics<arbitrary>], iteration_bounds = array<i64: 5>, scalar_prefetch = 0 : i64, scratch_operands = 0 : i64, tpu.core_type = #tpu.core_type<tc>, window_params = [{transform_indices = @transform_0, window_bounds = array<i64: 1, 1>}, {transform_indices = @transform_1, window_bounds = array<i64: 2000, 128>}, {transform_indices = @transform_2, window_bounds = array<i64: 2000, 128>}, {pipeline_mode = #tpu.pipeline_mode<synchronous>, transform_indices = @transform_3, window_bounds = array<i64: 128, 128>}, {pipeline_mode = #tpu.pipeline_mode<synchronous>, transform_indices = @transform_4, window_bounds = array<i64: 1, 128>}, {pipeline_mode = #tpu.pipeline_mode<synchronous>, transform_indices = @transform_5, window_bounds = array<i64: 128, 128>}, {pipeline_mode = #tpu.pipeline_mode<synchronous>, transform_indices = @transform_6, window_bounds = array<i64: 1, 128>}, {transform_indices = @transform_7, window_bounds = array<i64: 2000, 128>}]} {
    %get3A = arith.constant 0 : index
    %get3A_0 = arith.constant 0 : index
    %get3A_1 = memref.load %arg1[%get3A, %get3A_0] : memref<1x1xf32, #tpu.memory_space<smem>>
    %add3A = arith.constant 1.000000e+00 : f32
    %add3A_2 = arith.addf %add3A, %get3A_1 : f32
    %get3A_3 = arith.constant 0 : index
    %get3A_4 = arith.constant 0 : index
    %get3A_5 = vector.load %arg2[%get3A_3, %get3A_4] : memref<2000x128xf32, #tpu.memory_space<vmem>>, vector<2000x128xf32>
    %mul3A = vector.broadcast %add3A_2 : f32 to vector<2000x128xf32>
    %mul3A_6 = arith.mulf %mul3A, %get3A_5 : vector<2000x128xf32>
    %get3A_7 = arith.constant 0 : index
    %get3A_8 = arith.constant 0 : index
    %get3A_9 = vector.load %arg3[%get3A_7, %get3A_8] : memref<2000x128xf32, #tpu.memory_space<vmem>>, vector<2000x128xf32>
    %add3A_10 = arith.addf %mul3A_6, %get3A_9 : vector<2000x128xf32>
    %get3A_11 = arith.constant 0 : index
    %get3A_12 = arith.constant 0 : index
    %get3A_13 = vector.load %arg4[%get3A_11, %get3A_12] : memref<128x128xf32, #tpu.memory_space<vmem>>, vector<128x128xf32>
    %dot_general3A = arith.constant dense<0.000000e+00> : vector<2000x128xf32>
    %dot_general3A_14 = tpu.matmul %add3A_10, %get3A_13, %dot_general3A {dimension_numbers = #tpu.dot_dimension_numbers<[1], [0], [0], [1], [0, 0, 1, 1], [], []>, transpose_lhs_hint = false} : vector<2000x128xf32>, vector<128x128xf32>, vector<2000x128xf32> -> vector<2000x128xf32>
    %get3A_15 = arith.constant 0 : index
    %get3A_16 = arith.constant 0 : index
    %get3A_17 = vector.load %arg5[%get3A_15, %get3A_16] : memref<1x128xf32, #tpu.memory_space<vmem>>, vector<1x128xf32>
    %add3A_18 = vector.broadcast %get3A_17 : vector<1x128xf32> to vector<2000x128xf32>
    %add3A_19 = arith.addf %dot_general3A_14, %add3A_18 : vector<2000x128xf32>
    %max3A = arith.constant 0.000000e+00 : f32
    %max3A_20 = vector.broadcast %max3A : f32 to vector<2000x128xf32>
    %max3A_21 = arith.maximumf %add3A_19, %max3A_20 : vector<2000x128xf32>
    %get3A_22 = arith.constant 0 : index
    %get3A_23 = arith.constant 0 : index
    %get3A_24 = vector.load %arg6[%get3A_22, %get3A_23] : memref<128x128xf32, #tpu.memory_space<vmem>>, vector<128x128xf32>
    %dot_general3A_25 = arith.constant dense<0.000000e+00> : vector<2000x128xf32>
    %dot_general3A_26 = tpu.matmul %max3A_21, %get3A_24, %dot_general3A_25 {dimension_numbers = #tpu.dot_dimension_numbers<[1], [0], [0], [1], [0, 0, 1, 1], [], []>, transpose_lhs_hint = false} : vector<2000x128xf32>, vector<128x128xf32>, vector<2000x128xf32> -> vector<2000x128xf32>
    %get3A_27 = arith.constant 0 : index
    %get3A_28 = arith.constant 0 : index
    %get3A_29 = vector.load %arg7[%get3A_27, %get3A_28] : memref<1x128xf32, #tpu.memory_space<vmem>>, vector<1x128xf32>
    %add3A_30 = vector.broadcast %get3A_29 : vector<1x128xf32> to vector<2000x128xf32>
    %add3A_31 = arith.addf %dot_general3A_26, %add3A_30 : vector<2000x128xf32>
    %max3A_32 = arith.constant 0.000000e+00 : f32
    %max3A_33 = vector.broadcast %max3A_32 : f32 to vector<2000x128xf32>
    %max3A_34 = arith.maximumf %add3A_31, %max3A_33 : vector<2000x128xf32>
    %swap3A = arith.constant 0 : index
    %swap3A_35 = arith.constant 0 : index
    %swap3A_36 = vector.load %arg8[%swap3A, %swap3A_35] : memref<2000x128xf32, #tpu.memory_space<vmem>>, vector<2000x128xf32>
    tpu.vector_store %arg8[%swap3A, %swap3A_35], %max3A_34 {strides = array<i32>} : memref<2000x128xf32, #tpu.memory_space<vmem>>, vector<2000x128xf32>,
    return
  }
  func.func @transform_0(%arg0: i32) -> (i32, i32) {
    %c0_i32 = arith.constant 0 : i32
    %c0_i32_0 = arith.constant 0 : i32
    %c0_i32_1 = arith.constant 0 : i32
    return %c0_i32, %c0_i32_0 : i32, i32
  }
  func.func @transform_1(%arg0: i32) -> (i32, i32) {
    %c0_i32 = arith.constant 0 : i32
    %c0_i32_0 = arith.constant 0 : i32
    return %arg0, %c0_i32 : i32, i32
  }
  func.func @transform_2(%arg0: i32) -> (i32, i32) {
    %c0_i32 = arith.constant 0 : i32
    %c0_i32_0 = arith.constant 0 : i32
    return %arg0, %c0_i32 : i32, i32
  }
  func.func @transform_3(%arg0: i32) -> (i32, i32) {
    %c0_i32 = arith.constant 0 : i32
    %c0_i32_0 = arith.constant 0 : i32
    %c0_i32_1 = arith.constant 0 : i32
    return %c0_i32, %c0_i32_0 : i32, i32
  }
  func.func @transform_4(%arg0: i32) -> (i32, i32) {
    %c0_i32 = arith.constant 0 : i32
    %c0_i32_0 = arith.constant 0 : i32
    %c0_i32_1 = arith.constant 0 : i32
    return %c0_i32, %c0_i32_0 : i32, i32
  }
  func.func @transform_5(%arg0: i32) -> (i32, i32) {
    %c0_i32 = arith.constant 0 : i32
    %c0_i32_0 = arith.constant 0 : i32
    %c0_i32_1 = arith.constant 0 : i32
    return %c0_i32, %c0_i32_0 : i32, i32
  }
  func.func @transform_6(%arg0: i32) -> (i32, i32) {
    %c0_i32 = arith.constant 0 : i32
    %c0_i32_0 = arith.constant 0 : i32
    %c0_i32_1 = arith.constant 0 : i32
    return %c0_i32, %c0_i32_0 : i32, i32
  }
  func.func @transform_7(%arg0: i32) -> (i32, i32) {
    %c0_i32 = arith.constant 0 : i32
    %c0_i32_0 = arith.constant 0 : i32
    return %arg0, %c0_i32 : i32, i32
  }
}

module attributes {stable_mosaic.version = 14 : i64} {
  func.func @_cls_block(%arg0: i32, %arg1: memref<1x1xf32, #tpu.memory_space<smem>>, %arg2: memref<2000x128xf32, #tpu.memory_space<vmem>>, %arg3: memref<2000x128xf32, #tpu.memory_space<vmem>>, %arg4: memref<128x40xf32, #tpu.memory_space<vmem>>, %arg5: memref<1x40xf32, #tpu.memory_space<vmem>>, %arg6: memref<2000x40xf32, #tpu.memory_space<vmem>>) attributes {dimension_semantics = [#tpu.dimension_semantics<arbitrary>], iteration_bounds = array<i64: 5>, scalar_prefetch = 0 : i64, scratch_operands = 0 : i64, tpu.core_type = #tpu.core_type<tc>, window_params = [{transform_indices = @transform_0, window_bounds = array<i64: 1, 1>}, {transform_indices = @transform_1, window_bounds = array<i64: 2000, 128>}, {transform_indices = @transform_2, window_bounds = array<i64: 2000, 128>}, {pipeline_mode = #tpu.pipeline_mode<synchronous>, transform_indices = @transform_3, window_bounds = array<i64: 128, 40>}, {pipeline_mode = #tpu.pipeline_mode<synchronous>, transform_indices = @transform_4, window_bounds = array<i64: 1, 40>}, {transform_indices = @transform_5, window_bounds = array<i64: 2000, 40>}]} {
    %get3A = arith.constant 0 : index
    %get3A_0 = arith.constant 0 : index
    %get3A_1 = memref.load %arg1[%get3A, %get3A_0] : memref<1x1xf32, #tpu.memory_space<smem>>
    %add3A = arith.constant 1.000000e+00 : f32
    %add3A_2 = arith.addf %add3A, %get3A_1 : f32
    %get3A_3 = arith.constant 0 : index
    %get3A_4 = arith.constant 0 : index
    %get3A_5 = vector.load %arg2[%get3A_3, %get3A_4] : memref<2000x128xf32, #tpu.memory_space<vmem>>, vector<2000x128xf32>
    %mul3A = vector.broadcast %add3A_2 : f32 to vector<2000x128xf32>
    %mul3A_6 = arith.mulf %mul3A, %get3A_5 : vector<2000x128xf32>
    %get3A_7 = arith.constant 0 : index
    %get3A_8 = arith.constant 0 : index
    %get3A_9 = vector.load %arg3[%get3A_7, %get3A_8] : memref<2000x128xf32, #tpu.memory_space<vmem>>, vector<2000x128xf32>
    %add3A_10 = arith.addf %mul3A_6, %get3A_9 : vector<2000x128xf32>
    %get3A_11 = arith.constant 0 : index
    %get3A_12 = arith.constant 0 : index
    %get3A_13 = vector.load %arg4[%get3A_11, %get3A_12] : memref<128x40xf32, #tpu.memory_space<vmem>>, vector<128x40xf32>
    %dot_general3A = arith.constant dense<0.000000e+00> : vector<2000x40xf32>
    %dot_general3A_14 = tpu.matmul %add3A_10, %get3A_13, %dot_general3A {dimension_numbers = #tpu.dot_dimension_numbers<[1], [0], [0], [1], [0, 0, 1, 1], [], []>, transpose_lhs_hint = false} : vector<2000x128xf32>, vector<128x40xf32>, vector<2000x40xf32> -> vector<2000x40xf32>
    %get3A_15 = arith.constant 0 : index
    %get3A_16 = arith.constant 0 : index
    %get3A_17 = vector.load %arg5[%get3A_15, %get3A_16] : memref<1x40xf32, #tpu.memory_space<vmem>>, vector<1x40xf32>
    %add3A_18 = vector.broadcast %get3A_17 : vector<1x40xf32> to vector<2000x40xf32>
    %add3A_19 = arith.addf %dot_general3A_14, %add3A_18 : vector<2000x40xf32>
    %swap3A = arith.constant 0 : index
    %swap3A_20 = arith.constant 0 : index
    %swap3A_21 = vector.load %arg6[%swap3A, %swap3A_20] : memref<2000x40xf32, #tpu.memory_space<vmem>>, vector<2000x40xf32>
    tpu.vector_store %arg6[%swap3A, %swap3A_20], %add3A_19 {strides = array<i32>} : memref<2000x40xf32, #tpu.memory_space<vmem>>, vector<2000x40xf32>,
    return
  }
  func.func @transform_0(%arg0: i32) -> (i32, i32) {
    %c0_i32 = arith.constant 0 : i32
    %c0_i32_0 = arith.constant 0 : i32
    %c0_i32_1 = arith.constant 0 : i32
    return %c0_i32, %c0_i32_0 : i32, i32
  }
  func.func @transform_1(%arg0: i32) -> (i32, i32) {
    %c0_i32 = arith.constant 0 : i32
    %c0_i32_0 = arith.constant 0 : i32
    return %arg0, %c0_i32 : i32, i32
  }
  func.func @transform_2(%arg0: i32) -> (i32, i32) {
    %c0_i32 = arith.constant 0 : i32
    %c0_i32_0 = arith.constant 0 : i32
    return %arg0, %c0_i32 : i32, i32
  }
  func.func @transform_3(%arg0: i32) -> (i32, i32) {
    %c0_i32 = arith.constant 0 : i32
    %c0_i32_0 = arith.constant 0 : i32
    %c0_i32_1 = arith.constant 0 : i32
    return %c0_i32, %c0_i32_0 : i32, i32
  }
  func.func @transform_4(%arg0: i32) -> (i32, i32) {
    %c0_i32 = arith.constant 0 : i32
    %c0_i32_0 = arith.constant 0 : i32
    %c0_i32_1 = arith.constant 0 : i32
    return %c0_i32, %c0_i32_0 : i32, i32
  }
  func.func @transform_5(%arg0: i32) -> (i32, i32) {
    %c0_i32 = arith.constant 0 : i32
    %c0_i32_0 = arith.constant 0 : i32
    return %arg0, %c0_i32 : i32, i32
  }
}

</mosaic_0001>

<sc_bundles>
// kernel: kernel.11.cloned.1.call-start
scs
__scs_entry_jumppad:
0x0: {  	(pc) =	sbr.rel $0x88, $3  }
0x1: {  	(tag) =	ssettag $0x0;
	lr =	simm.s32 $0x1  }
0x2: {  	[smem:$0x3F92] =	sst lr;
	_ =	strace $0xD0000000  }
0x3: {  	_ = 	snop  }
0x4: {  	_ = 	snop  }
0x5: {  	_ = 	snop  }
0x6: {  	_ = 	snop  }
0x7: {  	_ = 	snop  }
__scs_overlays_trampoline_lowered:
0x8: {  	[smem:$0x3FA1] =	sst s0  }
0x9: {  	[smem:$0x3FA2] =	sst s1  }
0xa: {  	[smem:$0x3FA3] =	sst s2  }
0xb: {  	[smem:$0x3FA4] =	sst s3  }
0xc: {  	[smem:$0x3FA5] =	sst s4  }
0xd: {  	[smem:$0x3FA6] =	sst s5  }
0xe: {  	[smem:$0x3FA7] =	sst s6  }
0xf: {  	[smem:$0x3FA8] =	sst s7  }
0x10: {  	[smem:$0x3FA9] =	sst s8  }
0x11: {  	[smem:$0x3FAA] =	sst s9;
	s0 =	simm.s32 @!p0 $0x0  }
0x12: {  	s1 =	sld [smem:$0x3F90];
	s0 =	simm.s32 @p0 $0x1  }
0x13: {  	[smem:$0x3FAB] =	sst s0;
	s0 =	simm.s32 @!p1 $0x0  }
0x14: {  	s2 =	sld [smem:$0x3F8F];
	s0 =	simm.s32 @p1 $0x1  }
0x15: {  	[smem:$0x3FAC] =	sst s0;
	s0 =	simm.s32 @!p2 $0x0  }
0x16: {  	s3 =	sld [smem:$0x3FDB];
	s0 =	simm.s32 @p2 $0x1  }
0x17: {  	s4 =	simm.s32 $0x1BF5;
	[smem:$0x3FAE] =	sst s0  }
0x18: {  	s0 =	sld [smem:$0x3F91];
	_ =	swait.ge [sflag:s4], $0x0  }
0x19: {  	s7 =	sld [smem:$0x3F92]  }
0x1a: {  	s8 =	sadd.s32 $0xFFFFE003, lr  }
0x1b: {  	s9 =	sadd.s32 $0xFFFFFEF7, lr;
	s5 =	simm.s32 $0xFFFFFFFF;
	p2 =	slt.u32 s8, $0xFFFFF086  }
0x1c: {  	p1 =	slt.u32 s9, $0xF7A;
	s5 =	simm.s32 @!p2 $0x0  }
0x1d: {  	s5 =	simm.s32 @p1 $0x1;
	p0 =	seq.s32 s7, s2  }
0x1e: {  	s7 =	smul.u32 @!p0 $0xF7A, s2;
	p2 =	seq.s32 @!p0 s5, $0x0  }
0x1f: {  	s9 =	smul.u32 $0xF7A, s1;
	s8 =	simm.s32 @!p0 $0x1BF5;
	p2 =	por !p2, p0  }
0x20: {  	[sflag:s8] =	ssyncset.s32 @!p0 $0xFFFFF086;
	s6 =	sadd.s32 @!p0 s3, s7;
	s7 =	simm.s32 @!p0 $0x108  }
0x21: {  	s3 =	sadd.s32 s3, s9;
	s6 =	sadd.s32 @!p0 $0x88, s6;
	s7 =	simm.s32 @p2 $0x1082  }
0x22: {  	[simem:s7], [sflag:s8] =	dma.local @!p0 [hbm:s6], $0xF7A  }
0x23: {  	s9 =	sor.u32 $0xD0000000, s2;
	s6 =	simm.s32 $0x108;
	_ =	swait.ge @!p0 [sflag:s8], $0x0  }
0x24: {  	s3 =	sadd.s32 $0x88, s3;
	s6 =	simm.s32 @!p1 $0x1082;
	[sflag:s4] =	ssyncset.s32 $0xFFFFF086  }
0x25: {  	[simem:s6], [sflag:s4] =	dma.local [hbm:s3], $0xF7A  }
0x26: {  	[smem:$0x3F92] =	sst s1;
	(tag) =	ssettag s2;
	_ =	strace s9  }
0x27: {  	s1 =	sld [smem:$0x3FA2]  }
0x28: {  	s2 =	sld [smem:$0x3FA3]  }
0x29: {  	s4 =	sld [smem:$0x3FA5]  }
0x2a: {  	p0 =	seq.s32 s5, $0x0;
	s5 =	sld [smem:$0x3FA6]  }
0x2b: {  	s6 =	sld [smem:$0x3FA7]  }
0x2c: {  	s7 =	sld [smem:$0x3FA8]  }
0x2d: {  	s3 =	simm.s32 $0x108;
	s8 =	sld [smem:$0x3FA9]  }
0x2e: {  	s3 =	simm.s32 @!p0 $0x1082;
	s9 =	sld [smem:$0x3FAA]  }
0x2f: {  	lr =	sadd.s32 s0, s3;
	s0 =	sld [smem:$0x3FA1]  }
0x30: {  	s3 =	sld [smem:$0x3FA4]  }
0x31: {  	[smem:$0x3FAD] =	sst s10  }
0x32: {  	s10 =	sld [smem:$0x3FAB];
	_ =	sdelay $0x3  }
0x33: {  	p0 =	seq.s32 s10, $0x1;
	s10 =	sld [smem:$0x3FAD];
	_ =	sdelay $0x3  }
0x34: {  	[smem:$0x3FAD] =	sst s10  }
0x35: {  	s10 =	sld [smem:$0x3FAC];
	_ =	sdelay $0x3  }
0x36: {  	p1 =	seq.s32 s10, $0x1;
	s10 =	sld [smem:$0x3FAD];
	_ =	sdelay $0x3  }
0x37: {  	[smem:$0x3FAD] =	sst s10  }
0x38: {  	s10 =	sld [smem:$0x3FAE]  }
0x39: {  	_ = 	snop;
	(pc) =	sbr.ind lr, $3  }
0x3a: {  	_ = 	snop  }
0x3b: {  	_ = 	snop  }
0x3c: {  	p2 =	seq.s32 s10, $0x1;
	s10 =	sld [smem:$0x3FAD]  }
0x3d: {  	_ =	shalt  }
0x3e: {  	_ =	shalt  }
0x3f: {  	_ =	shalt  }
0x40: {  	_ =	shalt  }
0x41: {  	_ =	shalt  }
0x42: {  	_ =	shalt  }
0x43: {  	_ =	shalt  }
0x44: {  	_ =	shalt  }
0x45: {  	_ =	shalt  }
0x46: {  	_ =	shalt  }
0x47: {  	_ =	shalt  }
0x48: {  	_ =	shalt  }
0x49: {  	_ =	shalt  }
0x4a: {  	_ =	shalt  }
0x4b: {  	_ =	shalt  }
0x4c: {  	_ =	shalt  }
0x4d: {  	_ =	shalt  }
0x4e: {  	_ =	shalt  }
0x4f: {  	_ =	shalt  }
0x50: {  	_ =	shalt  }
0x51: {  	_ =	shalt  }
0x52: {  	_ =	shalt  }
0x53: {  	_ =	shalt  }
0x54: {  	_ =	shalt  }
0x55: {  	_ =	shalt  }
0x56: {  	_ =	shalt  }
0x57: {  	_ =	shalt  }
0x58: {  	_ =	shalt  }
0x59: {  	_ =	shalt  }
0x5a: {  	_ =	shalt  }
0x5b: {  	_ =	shalt  }
0x5c: {  	_ =	shalt  }
0x5d: {  	_ =	shalt  }
0x5e: {  	_ =	shalt  }
0x5f: {  	_ =	shalt  }
0x60: {  	_ =	shalt  }
0x61: {  	_ =	shalt  }
0x62: {  	_ =	shalt  }
0x63: {  	_ =	shalt  }
0x64: {  	_ =	shalt  }
0x65: {  	_ =	shalt  }
0x66: {  	_ =	shalt  }
0x67: {  	_ =	shalt  }
0x68: {  	_ =	shalt  }
0x69: {  	_ =	shalt  }
0x6a: {  	_ =	shalt  }
0x6b: {  	_ =	shalt  }
0x6c: {  	_ =	shalt  }
0x6d: {  	_ =	shalt  }
0x6e: {  	_ =	shalt  }
0x6f: {  	_ =	shalt  }
0x70: {  	_ =	shalt  }
0x71: {  	_ =	shalt  }
0x72: {  	_ =	shalt  }
0x73: {  	_ =	shalt  }
0x74: {  	_ =	shalt  }
0x75: {  	_ =	shalt  }
0x76: {  	_ =	shalt  }
0x77: {  	_ =	shalt  }
0x78: {  	_ =	shalt  }
0x79: {  	_ =	shalt  }
0x7a: {  	_ =	shalt  }
0x7b: {  	_ =	shalt  }
0x7c: {  	_ =	shalt  }
0x7d: {  	_ =	shalt  }
0x7e: {  	_ =	shalt  }
0x7f: {  	_ =	shalt  }
0x80: {  	_ =	shalt  }
0x81: {  	_ =	shalt  }
0x82: {  	_ =	shalt  }
0x83: {  	_ =	shalt  }
0x84: {  	_ =	shalt  }
0x85: {  	_ =	shalt  }
0x86: {  	_ =	shalt  }
0x87: {  	_ =	shalt  }
.Lfunc_end0:
.L_simem_size_0:
called_computation.1_lowered:
.L_overlay_start_0:
0x88: {  	s2 =	sld [smem:$0x3FD9]  }
0x89: {  	s3 =	sld [smem:$0x3FFE];
	_ =	sdelay $0x1  }
0x8a: {  	s1 =	srdreg.scid  }
0x8b: {  	s0 =	sand.u32 $0x1, s1  }
0x8c: {  	s17 =	sshll.u32 s0, $0xA;
	s2 =	sadd.s32 s3, s2  }
0x8d: {  	s2 =	sadd.s32 s2, s17  }
0x8e: {  	[smem:$0x3FB9] =	sst s2  }
0x8f: {  	_ = 	snop  }
0x90: {  	s2 =	sld [smem:$0x3FD0];
	(tm) =	ssettm $0x1  }
0x91: {  	s18 =	sld [smem:$0x3FFB];
	_ =	sdelay $0x3  }
0x92: {  	_ =	strace s18  }
0x93: {  	s3 =	sld [smem:$0x3FFC];
	_ =	sdelay $0x3  }
0x94: {  	_ =	strace s3  }
0x95: {  	s3 =	sld [smem:$0x3FFD];
	_ =	sdelay $0x3  }
0x96: {  	_ =	strace s3  }
0x97: {  	_ =	strace $0x8FFFFFFF  }
0x98: {  	s19 =	sld [smem:$0x3FDB];
	_ =	sdelay $0x1  }
0x99: {  	s4 =	simm.s32 $_scs_section_size  }
0x9a: {  	s5 =	simm.s32 $_size__tile_overlayer_lowered;
	s6 =	simm.s32 $_tile_overlayer_lowered  }
0x9b: {  	s22 =	simm.s32 $0x1BFF;
	s21 =	sshll.u32 s6, $0x1;
	s3 =	sadd.s32 s4, s19  }
0x9c: {  	s7 =	simm.s32 $0x0;
	s20 =	sshll.u32 s5, $0x1;
	s5 =	sadd.s32 s21, s3  }
0x9d: {  	[timem:s7], [sflag:s22] =	dma.local [hbm:s5], s20  }
0x9e: {  	_ =	swait.ge [sflag:s22], s20  }
0x9f: {  	s4 =	ssub.s32 $0x0, s20;
	[sflag:s22] =	ssyncset.done $0x0  }
0xa0: {  	[sflag:s22] =	ssyncadd.s32 s4;
	_ =	sdelay $0x1  }
0xa1: {  	s23 =	simm.s32 $0x1B8B  }
0xa2: {  	_ =	swait.ge [sflag:s23], $0x1  }
0xa3: {  	[sflag:s23] =	ssyncset.done $0x0  }
0xa4: {  	s25 =	simm.s32 $0x1B8E;
	s24 =	sld [smem:$0x3FFE];
	[sflag:s23] =	ssyncadd.s32 $0xFFFFFFFF  }
0xa5: {  	s26 =	simm.s32 $execute0_lowered;
	[smem:$0x3FD2] =	sst s25  }
0xa6: {  	s5 =	sshll.u32 s26, $0x1;
	_ =	strace $0x80000049;
	[dreg:$0x1] =	wrdreg $0xFFFFFFFF  }
0xa7: {  	s28 =	simm.s32 $_size_execute0_lowered;
	s3 =	sadd.s32 s3, s5;
	[dreg:$0x0] =	wrdreg $0x0  }
0xa8: {  	s5 =	sshll.u32 s28, $0x1;
	[dreg:$0x2] =	wrdreg s3  }
0xa9: {  	[dreg:$0x3] =	wrdreg s5  }
0xaa: {  	[dreg:$0x4] =	wrdreg $0xC0  }
0xab: {  	_ =	task [dreg:s7], $0x5FFFF  }
0xac: {  	[dreg:$0x1] =	wrdreg $0xFFFFFFFF  }
0xad: {  	[dreg:$0x0] =	wrdreg $0x60  }
0xae: {  	[dreg:$0x2] =	wrdreg s24  }
0xaf: {  	[dreg:$0x3] =	wrdreg s2  }
0xb0: {  	[dreg:$0x4] =	wrdreg $0x14C400  }
0xb1: {  	[dreg:$0x5] =	wrdreg $0x9  }
0xb2: {  	_ =	task.clear_ibuf [dreg:s7], $0x6FFFF;
	_ =	strace $0x90000049  }
0xb3: {  	s29 =	simm.s32 $0x9;
	_ =	strace $0x8000004B  }
0xb4: {  	_ =	swait.ge [sflag:s29], $0x1  }
0xb5: {  	[sflag:s29] =	ssyncadd.s32 $0xFFFFFFFF  }
0xb6: {  	_ =	strace $0x9000004B  }
0xb7: {  	_ =	sfence  }
0xb8: {  	s30 =	sld [smem:$0x0];
	_ =	sdelay $0x2  }
0xb9: {  	s31 =	sshll.u32 s1, $0xD;
	s1 =	sshrl.u32 s1, $0x2  }
0xba: {  	s3 =	sand.u32 $0x4000, s31;
	s1 =	sadd.s32 s1, s30  }
0xbb: {  	s0 =	sor.u32 s3, s0;
	s1 =	sshll.u32 s1, $0x11  }
0xbc: {  	s0 =	sor.u32 s1, s0  }
0xbd: {  	s0 =	sadd.s32 $0x8F2B, s0  }
0xbe: {  	[sflag:s0] =	ssyncadd.remote.s32 $0x1  }
0xbf: {  	_ =	sfence.sel $0xFFFF  }
0xc0: {  	[dreg:$0x0] =	wrdreg $0xFFFFFFFF;
	(pc) =	sbr.abs _section_cstart, $3  }
0xc1: {  	[dreg:$0x1] =	wrdreg $0xFFFFFFFF  }
0xc2: {  	_ =	task.clear_ibuf [dreg:s7], $0x2FFFF;
	_ =	strace $0x9FFFFFFF  }
0xc3: {  	(tm) =	ssettm $0x7FFFFFFF  }
tec
execute0_lowered:
.L_overlay_start_1:
0x0: {  	(tag) =	ssettag $0x1  }
0x1: {  	s1 =	rddreg [dreg:$0x0]  }
0x2: {  	s7 =	rddreg [dreg:$0x1];
	s5 =	srdreg.scid  }
0x3: {  	s0 =	stileid.u32;
	s2 =	rddreg [dreg:$0x2]  }
0x4: {  	s3 =	simm.s32 $0x0;
	s20 =	simm.s32 $0x13C40;
	s21 =	simm.s32 $0x12  }
0x5: {  	s22 =	simm.s32 $0x1;
	s23 =	simm.s32 $0x50;
	s8 =	smul.u32 $0x4E20, s0  }
0x6: {  	s24 =	simm.s32 $0xB;
	s28 =	simm.s32 $0x0;
	s10 =	smul.u32 $0x28000, s0  }
0x7: {  	s6 =	sand.u32 $0x1, s5;
	[smem:$0x7FF] =	sst s3;
	s16 =	smul.u32 $0x2800, s0  }
0x8: {  	s4 =	sadd.s32 $0x17400, s1;
	s5 =	sshll.u32 s5, $0x3;
	s9 =	smul.u32 $0x4E200, s6  }
0x9: {  	_ =	strace $0x8000004A;
	s5 =	sand.u32 $0x8, s5;
	s6 =	ssub.s32 $0x2, s6  }
0xa: {  	s30 =	sshrl.u32 s6, $0x1;
	s10 =	sshrl.u32 s10, $0x2;
	s9 =	sadd.s32 s8, s9  }
0xb: {  	s17 =	ssub.s32 s6, s30;
	s8 =	sshrl.u32 s8, $0x3;
	s9 =	sshrl.u32 s9, $0x3  }
0xc: {  	s7 =	sadd.s32 s7, s8;
	s17 =	smax.u32 s17, $0x1;
	s9 =	sadd.s32 s9, s1  }
0xd: {  	s1 =	sadd.s32 s5, s1;
	s5 =	sadd.s32 s10, s2;
	s31 =	sadd.s32 $0x3A00, s9  }
0xe: {  	s8 =	sadd.s32 $0x1000, s5;
	s9 =	sadd.s32 $0x2000, s5;
	s10 =	sadd.s32 $0x3000, s5  }
0xf: {  	s11 =	sadd.s32 $0x4000, s5;
	s12 =	sadd.s32 $0x5000, s5;
	s13 =	sadd.s32 $0x6000, s5  }
0x10: {  	s14 =	sadd.s32 $0x7000, s5;
	s15 =	sadd.s32 $0x8000, s5;
	s1 =	sadd.s32 s16, s1  }
0x11: {  	v0 =	vimm.f32 $0.0e+00;
	s16 =	sadd.s32 $0x9000, s5;
	[dreg:$0x4] =	wrdreg s31;
	s18 =	sadd.s32 $0x3E600, s1  }
.LBB2_1:
0x12: {  	s0 =	simm.s32 $0x0;
	s1 =	rddreg [dreg:$0x4]  }
0x13: {  	[tilespmem:s0], [sflag:$0x1] =	stream.linear.gather [hbm4b:s1+s0], $0x4E20, $0x38;
	[tilespmem:$0x1EC40] =	vst v63  }
0x14: {  	s31 =	simm.s32 $0x4E20;
	s29 =	simm.s32 $0x100;
	s1 =	simm.s32 $0x0  }
0x15: {  	[tilespmem:s31], [sflag:$0x1] =	stream.linear.gather [hbm4b:s7+s0], $0x4E20, $0x38;
	[tilespmem:$0x1EC40] =	vst v63  }
.LBB2_2:
0x16: {  	p0 =	sne.s32 s29, $0x3F00;
	[tilespmem:s1+$0x13C70] =	vst v0;
	s30 =	smov.u32 s29;
	s29 =	sadd.s32 $0x100, s29  }
.Ltmp0:
0x17: {  	[tilespmem:s1+$0x13C60] =	vst v0;
	(pc) =	sbr.rel @p0 .LBB2_2-.Ltmp0, $3  }
0x18: {  	[tilespmem:s1+$0x13C40] =	vst v0  }
0x19: {  	[tilespmem:s1+$0x13C50] =	vst v0;
	_ =	sdelay $0x1  }
0x1a: {  	s1 =	sshra.s32 s30, $0x2  }
0x1b: {  	[tilespmem:s1+$0x13C70] =	vst v0  }
0x1c: {  	[tilespmem:s1+$0x13C60] =	vst v0  }
0x1d: {  	[tilespmem:s1+$0x13C40] =	vst v0  }
0x1e: {  	[tilespmem:s1+$0x13C50] =	vst v0  }
0x1f: {  	[spmem:s5] =	stream.linear.scatter [tilespmem:s20], [sflag:$0x12], $0x1000, $0x38;
	[tilespmem:$0x1EC40] =	vst v63  }
0x20: {  	_ =	swait.ge [sflag:s21], $0x1000  }
0x21: {  	[sflag:s21] =	ssyncset.done $0x0  }
0x22: {  	[sflag:s21] =	ssyncadd.s32 $0xFFFFF000  }
0x23: {  	[spmem:s8] =	stream.linear.scatter [tilespmem:s20], [sflag:$0x12], $0x1000, $0x38;
	[tilespmem:$0x1EC40] =	vst v63  }
0x24: {  	_ =	swait.ge [sflag:s21], $0x1000  }
0x25: {  	[sflag:s21] =	ssyncset.done $0x0  }
0x26: {  	[sflag:s21] =	ssyncadd.s32 $0xFFFFF000  }
0x27: {  	[spmem:s9] =	stream.linear.scatter [tilespmem:s20], [sflag:$0x12], $0x1000, $0x38;
	[tilespmem:$0x1EC40] =	vst v63  }
0x28: {  	_ =	swait.ge [sflag:s21], $0x1000  }
0x29: {  	[sflag:s21] =	ssyncset.done $0x0  }
0x2a: {  	[sflag:s21] =	ssyncadd.s32 $0xFFFFF000  }
0x2b: {  	[spmem:s10] =	stream.linear.scatter [tilespmem:s20], [sflag:$0x12], $0x1000, $0x38;
	[tilespmem:$0x1EC40] =	vst v63  }
0x2c: {  	_ =	swait.ge [sflag:s21], $0x1000  }
0x2d: {  	[sflag:s21] =	ssyncset.done $0x0  }
0x2e: {  	[sflag:s21] =	ssyncadd.s32 $0xFFFFF000  }
0x2f: {  	[spmem:s11] =	stream.linear.scatter [tilespmem:s20], [sflag:$0x12], $0x1000, $0x38;
	[tilespmem:$0x1EC40] =	vst v63  }
0x30: {  	_ =	swait.ge [sflag:s21], $0x1000  }
0x31: {  	[sflag:s21] =	ssyncset.done $0x0  }
0x32: {  	[sflag:s21] =	ssyncadd.s32 $0xFFFFF000  }
0x33: {  	[spmem:s12] =	stream.linear.scatter [tilespmem:s20], [sflag:$0x12], $0x1000, $0x38;
	[tilespmem:$0x1EC40] =	vst v63  }
0x34: {  	_ =	swait.ge [sflag:s21], $0x1000  }
0x35: {  	[sflag:s21] =	ssyncset.done $0x0  }
0x36: {  	[sflag:s21] =	ssyncadd.s32 $0xFFFFF000  }
0x37: {  	[spmem:s13] =	stream.linear.scatter [tilespmem:s20], [sflag:$0x12], $0x1000, $0x38;
	[tilespmem:$0x1EC40] =	vst v63  }
0x38: {  	_ =	swait.ge [sflag:s21], $0x1000  }
0x39: {  	[sflag:s21] =	ssyncset.done $0x0  }
0x3a: {  	[sflag:s21] =	ssyncadd.s32 $0xFFFFF000  }
0x3b: {  	[spmem:s14] =	stream.linear.scatter [tilespmem:s20], [sflag:$0x12], $0x1000, $0x38;
	[tilespmem:$0x1EC40] =	vst v63  }
0x3c: {  	_ =	swait.ge [sflag:s21], $0x1000  }
0x3d: {  	[sflag:s21] =	ssyncset.done $0x0  }
0x3e: {  	[sflag:s21] =	ssyncadd.s32 $0xFFFFF000  }
0x3f: {  	[spmem:s15] =	stream.linear.scatter [tilespmem:s20], [sflag:$0x12], $0x1000, $0x38;
	[tilespmem:$0x1EC40] =	vst v63  }
0x40: {  	_ =	swait.ge [sflag:s21], $0x1000  }
0x41: {  	[sflag:s21] =	ssyncset.done $0x0  }
0x42: {  	[sflag:s21] =	ssyncadd.s32 $0xFFFFF000  }
0x43: {  	[spmem:s16] =	stream.linear.scatter [tilespmem:s20], [sflag:$0x12], $0x1000, $0x38;
	[tilespmem:$0x1EC40] =	vst v63  }
0x44: {  	_ =	swait.ge [sflag:s21], $0x1000  }
0x45: {  	[sflag:s21] =	ssyncset.done $0x0  }
0x46: {  	[sflag:s21] =	ssyncadd.s32 $0xFFFFF000  }
0x47: {  	_ =	swait.ge [sflag:s22], $0x4E20  }
0x48: {  	[sflag:s22] =	ssyncset.done $0x0  }
0x49: {  	[sflag:s22] =	ssyncadd.s32 $0xFFFFB1E0  }
0x4a: {  	_ =	swait.ge [sflag:s22], $0x4E20  }
0x4b: {  	[sflag:s22] =	ssyncset.done $0x0  }
0x4c: {  	s29 =	simm.s32 $0x0;
	s30 =	simm.s32 $0x4CE0;
	[sflag:s22] =	ssyncadd.s32 $0xFFFFB1E0  }
0x4d: {  	s31 =	simm.s32 $0x0;
	s1 =	simm.s32 $0x0;
	[bflag:$0x0] =	sbarrier.arrive $0xFFFF  }
.LBB2_4:
0x4e: {  	p0 =	sgt.u32 s1, $0x7C  }
0x4f: {  	s0 =	sand.u32 @!p0 $0x6, s29  }
0x50: {  	s19 =	smul.u32 @!p0 $0x5000, s0;
	_ =	sdelay $0x1  }
0x51: {  	s19 =	sshrl.u32 @!p0 s19, $0x2  }
0x52: {  	s25 =	simm.s32 @!p0 $0x50;
	s0 =	sadd.s32 @!p0 $0x2, s0;
	s19 =	sadd.s32 @!p0 $0x9C40, s19  }
0x53: {  	[tilespmem:s19], [sflag:s0] =	stream.indirect.gather @!p0 [hbm4b:s4+s25], $0x40, s31, s25, $0xb8;
	[tilespmem:$0x1EC40] =	vst v63  }
0x54: {  	s0 =	sadd.s32 $0xFFFFFFFC, s29  }
0x55: {  	p1 =	sgt.u32 s0, $0xF9  }
0x56: {  	s0 =	sand.u32 @!p1 $0x6, s0;
	p2 =	slt.u32 @!p1 s1, $0x3  }
0x57: {  	s19 =	sadd.s32 @!p1 $0x2, s0;
	p2 =	por p2, p1  }
0x58: {  	_ =	swait.ge @!p1 [sflag:s19], $0x1400;
	s26 =	sadd.s32 @!p2 $0x3, s29  }
0x59: {  	[sflag:s19] =	ssyncset.done @!p1 $0x0;
	s26 =	sand.u32 @!p2 $0x7, s26  }
0x5a: {  	[sflag:s19] =	ssyncadd.s32 @!p1 $0xFFFFEC00;
	s19 =	sadd.s32 @!p2 $0xA, s26  }
0x5b: {  	s3 =	smul.u32 @!p1 $0x5000, s0;
	_ =	swait.ge @!p2 [sflag:s19], $0x1400  }
0x5c: {  	s0 =	sadd.s32 @!p1 $0xA, s0;
	s26 =	sadd.s32 @!p0 $0x1, s29;
	[sflag:s19] =	ssyncset.done @!p2 $0x0  }
0x5d: {  	s3 =	sshrl.u32 @!p1 s3, $0x2;
	[sflag:s19] =	ssyncadd.s32 @!p2 $0xFFFFEC00;
	s19 =	sand.u32 @!p0 $0x7, s26  }
0x5e: {  	s3 =	sadd.s32 @!p1 $0x9C40, s3;
	s26 =	simm.s32 @!p1 $0x50;
	s6 =	smul.u32 @!p0 $0x5000, s19  }
0x5f: {  	[spmem:s2] =	stream.indirect.scatter.add.f32 @!p1 [tilespmem:s3], [sflag:s0], $0x40, s30, s26, $0xb8;
	[tilespmem:$0x1EC40] =	vst v63  }
0x60: {  	s3 =	sadd.s32 @!p0 $0x50, s31;
	s0 =	sshrl.u32 @!p0 s6, $0x2  }
0x61: {  	p1 =	slt.u32 @!p0 s1, $0x2;
	s6 =	sadd.s32 @!p0 $0x2, s19;
	s0 =	sadd.s32 @!p0 $0x9C40, s0  }
0x62: {  	[tilespmem:s0], [sflag:s6] =	stream.indirect.gather @!p0 [hbm4b:s4+s25], $0x40, s3, s25, $0xb8;
	[tilespmem:$0x1EC40] =	vst v63  }
0x63: {  	p0 =	por p0, !p1  }
0x64: {  	s0 =	sadd.s32 @p0 $0xFFFFFFFD, s29  }
0x65: {  	s0 =	sand.u32 @p0 $0x7, s0  }
0x66: {  	s3 =	sadd.s32 @p0 $0x2, s0  }
0x67: {  	s6 =	sand.u32 @p0 $0x6, s29;
	_ =	swait.ge @p0 [sflag:s3], $0x1400  }
0x68: {  	s6 =	sxor.u32 @p0 $0x4, s6;
	[sflag:s3] =	ssyncset.done @p0 $0x0  }
0x69: {  	s19 =	smul.u32 @p0 $0x5000, s0;
	[sflag:s3] =	ssyncadd.s32 @p0 $0xFFFFEC00;
	s3 =	sadd.s32 @p0 $0xA, s6  }
0x6a: {  	s29 =	sadd.s32 $0x2, s29;
	_ =	swait.ge @p0 [sflag:s3], $0x1400  }
0x6b: {  	s0 =	sadd.s32 @p0 $0xA, s0;
	s6 =	sshrl.u32 @p0 s19, $0x2;
	[sflag:s3] =	ssyncset.done @p0 $0x0  }
0x6c: {  	s6 =	sadd.s32 @p0 $0x9C40, s6;
	[sflag:s3] =	ssyncadd.s32 @p0 $0xFFFFEC00;
	s3 =	sadd.s32 @p0 $0x50, s30  }
0x6d: {  	[spmem:s2] =	stream.indirect.scatter.add.f32 @p0 [tilespmem:s6], [sflag:s0], $0x40, s3, s23, $0xb8;
	[tilespmem:$0x1EC40] =	vst v63  }
0x6e: {  	p0 =	sne.s32 s29, $0xFE  }
.Ltmp1:
0x6f: {  	_ = 	snop;
	(pc) =	sbr.rel @p0 .LBB2_4-.Ltmp1, $2  }
0x70: {  	_ =	sdelay $0x2  }
0x71: {  	s1 =	sadd.s32 $0x1, s1;
	s31 =	sadd.s32 $0xA0, s31;
	s30 =	sadd.s32 $0xA0, s30  }
0x72: {  	_ =	swait.ge [sflag:s24], $0x1400  }
0x73: {  	s0 =	stileid.u32;
	s1 =	sshrl.u32 s5, $0x3;
	s3 =	simm.s32 $0x10  }
0x74: {  	s6 =	simm.s32 $0x8;
	s28 =	sadd.s32 $0x1, s28;
	[sflag:s24] =	ssyncset.done $0x0  }
0x75: {  	s0 =	sshll.u32 s0, $0x6;
	p0 =	sne.s32 s28, s17;
	[sflag:s24] =	ssyncadd.s32 $0xFFFFEC00  }
.Ltmp2:
0x76: {  	s0 =	sor.u32 $0x1C12, s0;
	[bflag:$0x0] =	sbarrier.arrive $0xFFFF;
	(pc) =	sbr.rel @p0 .LBB2_1-.Ltmp2, $4  }
0x77: {  	[hbm:s18@s3], [sflag:s0] =	dma.strided [spmem:s1@s6], $0x1400, s22, $0x8   }
0x78: {  	_ =	swait.ge [sflag:s21], $0x1400  }
0x79: {  	[sflag:s21] =	ssyncset.done $0x0  }
0x7a: {  	[sflag:s21] =	ssyncadd.s32 $0xFFFFEC00  }
0x7b: {  	_ =	sfence.sel $0x180000  }
0x7c: {  	[bflag:$0x0] =	sbarrier.arrive $0xFFFF  }
0x7d: {  	_ =	strace $0x9000004A  }
0x7e: {  	s0 =	stileid.u32;
	[bflag:$0x2] =	sbarrier.arrive $0xFFFF  }
0x7f: {  	p0 =	sne.s32 s0, $0x0;
	s0 =	rddreg [dreg:$0x3]  }
0x80: {  	s0 =	sadd.s32 @!p0 $0x100000, s0  }
0x81: {  	[sflag:s0] =	ssyncadd.tile.s32 @!p0 $0x1;
	_ =	shalt  }
.Lfunc_end2:
_tile_overlayer_lowered:
.L_overlay_start_2:
0x82: {  	(tag) =	ssettag $0x2  }
0x83: {  	s0 =	rddreg [dreg:$0x0];
	s2 =	stileid.u32  }
0x84: {  	s1 =	rddreg [dreg:$0x1];
	p0 =	sne.s32 s2, $0x0  }
0x85: {  	s3 =	rddreg [dreg:$0x2];
	[bflag:$0x3] =	sbarrier.arrive $0xFFFF;
	s2 =	simm.s32 @!p0 $0x1C12  }
0x86: {  	[timem:s3], [sflag:s2] =	dma.local @!p0 [hbm:s0], s1  }
0x87: {  	s0 =	simm.s32 @!p0 $0x12  }
0x88: {  	_ =	swait.ge @!p0 [sflag:s0], s1  }
0x89: {  	s1 =	ssub.s32 @!p0 $0x0, s1;
	[sflag:s0] =	ssyncset.done @!p0 $0x0  }
0x8a: {  	[sflag:s0] =	ssyncadd.s32 @!p0 s1  }
0x8b: {  	[bflag:$0x3] =	sbarrier.arrive $0xFFFF  }
0x8c: {  	_ =	shalt  }

// kernel: kernel.14.cloned.1.call-start
scs
__scs_entry_jumppad:
0x0: {  	(pc) =	sbr.rel $0x88, $3  }
0x1: {  	(tag) =	ssettag $0x0;
	lr =	simm.s32 $0x1  }
0x2: {  	[smem:$0x3F92] =	sst lr;
	_ =	strace $0xD0000000  }
0x3: {  	_ = 	snop  }
0x4: {  	_ = 	snop  }
0x5: {  	_ = 	snop  }
0x6: {  	_ = 	snop  }
0x7: {  	_ = 	snop  }
__scs_overlays_trampoline_lowered:
0x8: {  	[smem:$0x3FA1] =	sst s0  }
0x9: {  	[smem:$0x3FA2] =	sst s1  }
0xa: {  	[smem:$0x3FA3] =	sst s2  }
0xb: {  	[smem:$0x3FA4] =	sst s3  }
0xc: {  	[smem:$0x3FA5] =	sst s4  }
0xd: {  	[smem:$0x3FA6] =	sst s5  }
0xe: {  	[smem:$0x3FA7] =	sst s6  }
0xf: {  	[smem:$0x3FA8] =	sst s7  }
0x10: {  	[smem:$0x3FA9] =	sst s8  }
0x11: {  	[smem:$0x3FAA] =	sst s9;
	s0 =	simm.s32 @!p0 $0x0  }
0x12: {  	s1 =	sld [smem:$0x3F90];
	s0 =	simm.s32 @p0 $0x1  }
0x13: {  	[smem:$0x3FAB] =	sst s0;
	s0 =	simm.s32 @!p1 $0x0  }
0x14: {  	s2 =	sld [smem:$0x3F8F];
	s0 =	simm.s32 @p1 $0x1  }
0x15: {  	[smem:$0x3FAC] =	sst s0;
	s0 =	simm.s32 @!p2 $0x0  }
0x16: {  	s3 =	sld [smem:$0x3FDB];
	s0 =	simm.s32 @p2 $0x1  }
0x17: {  	s4 =	simm.s32 $0x1BF5;
	[smem:$0x3FAE] =	sst s0  }
0x18: {  	s0 =	sld [smem:$0x3F91];
	_ =	swait.ge [sflag:s4], $0x0  }
0x19: {  	s7 =	sld [smem:$0x3F92]  }
0x1a: {  	s8 =	sadd.s32 $0xFFFFE003, lr  }
0x1b: {  	s9 =	sadd.s32 $0xFFFFFEF7, lr;
	s5 =	simm.s32 $0xFFFFFFFF;
	p2 =	slt.u32 s8, $0xFFFFF086  }
0x1c: {  	p1 =	slt.u32 s9, $0xF7A;
	s5 =	simm.s32 @!p2 $0x0  }
0x1d: {  	s5 =	simm.s32 @p1 $0x1;
	p0 =	seq.s32 s7, s2  }
0x1e: {  	s7 =	smul.u32 @!p0 $0xF7A, s2;
	p2 =	seq.s32 @!p0 s5, $0x0  }
0x1f: {  	s9 =	smul.u32 $0xF7A, s1;
	s8 =	simm.s32 @!p0 $0x1BF5;
	p2 =	por !p2, p0  }
0x20: {  	[sflag:s8] =	ssyncset.s32 @!p0 $0xFFFFF086;
	s6 =	sadd.s32 @!p0 s3, s7;
	s7 =	simm.s32 @!p0 $0x108  }
0x21: {  	s3 =	sadd.s32 s3, s9;
	s6 =	sadd.s32 @!p0 $0x88, s6;
	s7 =	simm.s32 @p2 $0x1082  }
0x22: {  	[simem:s7], [sflag:s8] =	dma.local @!p0 [hbm:s6], $0xF7A  }
0x23: {  	s9 =	sor.u32 $0xD0000000, s2;
	s6 =	simm.s32 $0x108;
	_ =	swait.ge @!p0 [sflag:s8], $0x0  }
0x24: {  	s3 =	sadd.s32 $0x88, s3;
	s6 =	simm.s32 @!p1 $0x1082;
	[sflag:s4] =	ssyncset.s32 $0xFFFFF086  }
0x25: {  	[simem:s6], [sflag:s4] =	dma.local [hbm:s3], $0xF7A  }
0x26: {  	[smem:$0x3F92] =	sst s1;
	(tag) =	ssettag s2;
	_ =	strace s9  }
0x27: {  	s1 =	sld [smem:$0x3FA2]  }
0x28: {  	s2 =	sld [smem:$0x3FA3]  }
0x29: {  	s4 =	sld [smem:$0x3FA5]  }
0x2a: {  	p0 =	seq.s32 s5, $0x0;
	s5 =	sld [smem:$0x3FA6]  }
0x2b: {  	s6 =	sld [smem:$0x3FA7]  }
0x2c: {  	s7 =	sld [smem:$0x3FA8]  }
0x2d: {  	s3 =	simm.s32 $0x108;
	s8 =	sld [smem:$0x3FA9]  }
0x2e: {  	s3 =	simm.s32 @!p0 $0x1082;
	s9 =	sld [smem:$0x3FAA]  }
0x2f: {  	lr =	sadd.s32 s0, s3;
	s0 =	sld [smem:$0x3FA1]  }
0x30: {  	s3 =	sld [smem:$0x3FA4]  }
0x31: {  	[smem:$0x3FAD] =	sst s10  }
0x32: {  	s10 =	sld [smem:$0x3FAB];
	_ =	sdelay $0x3  }
0x33: {  	p0 =	seq.s32 s10, $0x1;
	s10 =	sld [smem:$0x3FAD];
	_ =	sdelay $0x3  }
0x34: {  	[smem:$0x3FAD] =	sst s10  }
0x35: {  	s10 =	sld [smem:$0x3FAC];
	_ =	sdelay $0x3  }
0x36: {  	p1 =	seq.s32 s10, $0x1;
	s10 =	sld [smem:$0x3FAD];
	_ =	sdelay $0x3  }
0x37: {  	[smem:$0x3FAD] =	sst s10  }
0x38: {  	s10 =	sld [smem:$0x3FAE]  }
0x39: {  	_ = 	snop;
	(pc) =	sbr.ind lr, $3  }
0x3a: {  	_ = 	snop  }
0x3b: {  	_ = 	snop  }
0x3c: {  	p2 =	seq.s32 s10, $0x1;
	s10 =	sld [smem:$0x3FAD]  }
0x3d: {  	_ =	shalt  }
0x3e: {  	_ =	shalt  }
0x3f: {  	_ =	shalt  }
0x40: {  	_ =	shalt  }
0x41: {  	_ =	shalt  }
0x42: {  	_ =	shalt  }
0x43: {  	_ =	shalt  }
0x44: {  	_ =	shalt  }
0x45: {  	_ =	shalt  }
0x46: {  	_ =	shalt  }
0x47: {  	_ =	shalt  }
0x48: {  	_ =	shalt  }
0x49: {  	_ =	shalt  }
0x4a: {  	_ =	shalt  }
0x4b: {  	_ =	shalt  }
0x4c: {  	_ =	shalt  }
0x4d: {  	_ =	shalt  }
0x4e: {  	_ =	shalt  }
0x4f: {  	_ =	shalt  }
0x50: {  	_ =	shalt  }
0x51: {  	_ =	shalt  }
0x52: {  	_ =	shalt  }
0x53: {  	_ =	shalt  }
0x54: {  	_ =	shalt  }
0x55: {  	_ =	shalt  }
0x56: {  	_ =	shalt  }
0x57: {  	_ =	shalt  }
0x58: {  	_ =	shalt  }
0x59: {  	_ =	shalt  }
0x5a: {  	_ =	shalt  }
0x5b: {  	_ =	shalt  }
0x5c: {  	_ =	shalt  }
0x5d: {  	_ =	shalt  }
0x5e: {  	_ =	shalt  }
0x5f: {  	_ =	shalt  }
0x60: {  	_ =	shalt  }
0x61: {  	_ =	shalt  }
0x62: {  	_ =	shalt  }
0x63: {  	_ =	shalt  }
0x64: {  	_ =	shalt  }
0x65: {  	_ =	shalt  }
0x66: {  	_ =	shalt  }
0x67: {  	_ =	shalt  }
0x68: {  	_ =	shalt  }
0x69: {  	_ =	shalt  }
0x6a: {  	_ =	shalt  }
0x6b: {  	_ =	shalt  }
0x6c: {  	_ =	shalt  }
0x6d: {  	_ =	shalt  }
0x6e: {  	_ =	shalt  }
0x6f: {  	_ =	shalt  }
0x70: {  	_ =	shalt  }
0x71: {  	_ =	shalt  }
0x72: {  	_ =	shalt  }
0x73: {  	_ =	shalt  }
0x74: {  	_ =	shalt  }
0x75: {  	_ =	shalt  }
0x76: {  	_ =	shalt  }
0x77: {  	_ =	shalt  }
0x78: {  	_ =	shalt  }
0x79: {  	_ =	shalt  }
0x7a: {  	_ =	shalt  }
0x7b: {  	_ =	shalt  }
0x7c: {  	_ =	shalt  }
0x7d: {  	_ =	shalt  }
0x7e: {  	_ =	shalt  }
0x7f: {  	_ =	shalt  }
0x80: {  	_ =	shalt  }
0x81: {  	_ =	shalt  }
0x82: {  	_ =	shalt  }
0x83: {  	_ =	shalt  }
0x84: {  	_ =	shalt  }
0x85: {  	_ =	shalt  }
0x86: {  	_ =	shalt  }
0x87: {  	_ =	shalt  }
.Lfunc_end0:
.L_simem_size_0:
called_computation.2_lowered:
.L_overlay_start_0:
0x88: {  	s2 =	sld [smem:$0x3FD9]  }
0x89: {  	s3 =	sld [smem:$0x3FFE];
	_ =	sdelay $0x1  }
0x8a: {  	s1 =	srdreg.scid  }
0x8b: {  	s0 =	sand.u32 $0x1, s1  }
0x8c: {  	s17 =	sshll.u32 s0, $0xA;
	s2 =	sadd.s32 s3, s2  }
0x8d: {  	s2 =	sadd.s32 s2, s17  }
0x8e: {  	[smem:$0x3FB9] =	sst s2  }
0x8f: {  	_ = 	snop  }
0x90: {  	s2 =	sld [smem:$0x3FD0];
	(tm) =	ssettm $0x1  }
0x91: {  	s18 =	sld [smem:$0x3FFB];
	_ =	sdelay $0x3  }
0x92: {  	_ =	strace s18  }
0x93: {  	s3 =	sld [smem:$0x3FFC];
	_ =	sdelay $0x3  }
0x94: {  	_ =	strace s3  }
0x95: {  	s3 =	sld [smem:$0x3FFD];
	_ =	sdelay $0x3  }
0x96: {  	_ =	strace s3  }
0x97: {  	_ =	strace $0x8FFFFFFF  }
0x98: {  	s19 =	sld [smem:$0x3FDB];
	_ =	sdelay $0x1  }
0x99: {  	s4 =	simm.s32 $_scs_section_size  }
0x9a: {  	s5 =	simm.s32 $_size__tile_overlayer_lowered;
	s6 =	simm.s32 $_tile_overlayer_lowered  }
0x9b: {  	s22 =	simm.s32 $0x1BFF;
	s21 =	sshll.u32 s6, $0x1;
	s3 =	sadd.s32 s4, s19  }
0x9c: {  	s7 =	simm.s32 $0x0;
	s20 =	sshll.u32 s5, $0x1;
	s5 =	sadd.s32 s21, s3  }
0x9d: {  	[timem:s7], [sflag:s22] =	dma.local [hbm:s5], s20  }
0x9e: {  	_ =	swait.ge [sflag:s22], s20  }
0x9f: {  	s4 =	ssub.s32 $0x0, s20;
	[sflag:s22] =	ssyncset.done $0x0  }
0xa0: {  	[sflag:s22] =	ssyncadd.s32 s4;
	_ =	sdelay $0x1  }
0xa1: {  	s23 =	simm.s32 $0x1B8B  }
0xa2: {  	_ =	swait.ge [sflag:s23], $0x1  }
0xa3: {  	[sflag:s23] =	ssyncset.done $0x0  }
0xa4: {  	s25 =	simm.s32 $0x1B8E;
	s24 =	sld [smem:$0x3FFE];
	[sflag:s23] =	ssyncadd.s32 $0xFFFFFFFF  }
0xa5: {  	s26 =	simm.s32 $execute0_lowered;
	[smem:$0x3FD2] =	sst s25  }
0xa6: {  	s5 =	sshll.u32 s26, $0x1;
	_ =	strace $0x8000004C;
	[dreg:$0x1] =	wrdreg $0xFFFFFFFF  }
0xa7: {  	s28 =	simm.s32 $_size_execute0_lowered;
	s3 =	sadd.s32 s3, s5;
	[dreg:$0x0] =	wrdreg $0x0  }
0xa8: {  	s5 =	sshll.u32 s28, $0x1;
	[dreg:$0x2] =	wrdreg s3  }
0xa9: {  	[dreg:$0x3] =	wrdreg s5  }
0xaa: {  	[dreg:$0x4] =	wrdreg $0xC0  }
0xab: {  	_ =	task [dreg:s7], $0x5FFFF  }
0xac: {  	[dreg:$0x1] =	wrdreg $0xFFFFFFFF  }
0xad: {  	[dreg:$0x0] =	wrdreg $0x60  }
0xae: {  	[dreg:$0x2] =	wrdreg s24  }
0xaf: {  	[dreg:$0x3] =	wrdreg s2  }
0xb0: {  	[dreg:$0x4] =	wrdreg $0x14C400  }
0xb1: {  	[dreg:$0x5] =	wrdreg $0x9  }
0xb2: {  	_ =	task.clear_ibuf [dreg:s7], $0x6FFFF;
	_ =	strace $0x9000004C  }
0xb3: {  	s29 =	simm.s32 $0x9;
	_ =	strace $0x8000004E  }
0xb4: {  	_ =	swait.ge [sflag:s29], $0x1  }
0xb5: {  	[sflag:s29] =	ssyncadd.s32 $0xFFFFFFFF  }
0xb6: {  	_ =	strace $0x9000004E  }
0xb7: {  	_ =	sfence  }
0xb8: {  	s30 =	sld [smem:$0x0];
	_ =	sdelay $0x2  }
0xb9: {  	s31 =	sshll.u32 s1, $0xD;
	s1 =	sshrl.u32 s1, $0x2  }
0xba: {  	s3 =	sand.u32 $0x4000, s31;
	s1 =	sadd.s32 s1, s30  }
0xbb: {  	s0 =	sor.u32 s3, s0;
	s1 =	sshll.u32 s1, $0x11  }
0xbc: {  	s0 =	sor.u32 s1, s0  }
0xbd: {  	s0 =	sadd.s32 $0x8F2B, s0  }
0xbe: {  	[sflag:s0] =	ssyncadd.remote.s32 $0x1  }
0xbf: {  	_ =	sfence.sel $0xFFFF  }
0xc0: {  	[dreg:$0x0] =	wrdreg $0xFFFFFFFF;
	(pc) =	sbr.abs _section_cstart, $3  }
0xc1: {  	[dreg:$0x1] =	wrdreg $0xFFFFFFFF  }
0xc2: {  	_ =	task.clear_ibuf [dreg:s7], $0x2FFFF;
	_ =	strace $0x9FFFFFFF  }
0xc3: {  	(tm) =	ssettm $0x7FFFFFFF  }
tec
execute0_lowered:
.L_overlay_start_1:
0x0: {  	(tag) =	ssettag $0x1  }
0x1: {  	s1 =	rddreg [dreg:$0x0]  }
0x2: {  	s7 =	rddreg [dreg:$0x1];
	s5 =	srdreg.scid  }
0x3: {  	s0 =	stileid.u32;
	s2 =	rddreg [dreg:$0x2]  }
0x4: {  	s3 =	simm.s32 $0x0;
	s20 =	simm.s32 $0x13C40;
	s21 =	simm.s32 $0x12  }
0x5: {  	s22 =	simm.s32 $0x1;
	s23 =	simm.s32 $0x50;
	s8 =	smul.u32 $0x4E20, s0  }
0x6: {  	s24 =	simm.s32 $0xB;
	s28 =	simm.s32 $0x0;
	s10 =	smul.u32 $0x28000, s0  }
0x7: {  	s6 =	sand.u32 $0x1, s5;
	[smem:$0x7FF] =	sst s3;
	s16 =	smul.u32 $0x2800, s0  }
0x8: {  	s4 =	sadd.s32 $0x17400, s1;
	s5 =	sshll.u32 s5, $0x3;
	s9 =	smul.u32 $0x4E200, s6  }
0x9: {  	_ =	strace $0x8000004D;
	s5 =	sand.u32 $0x8, s5;
	s6 =	ssub.s32 $0x2, s6  }
0xa: {  	s30 =	sshrl.u32 s6, $0x1;
	s10 =	sshrl.u32 s10, $0x2;
	s9 =	sadd.s32 s8, s9  }
0xb: {  	s17 =	ssub.s32 s6, s30;
	s8 =	sshrl.u32 s8, $0x3;
	s9 =	sshrl.u32 s9, $0x3  }
0xc: {  	s7 =	sadd.s32 s7, s8;
	s17 =	smax.u32 s17, $0x1;
	s9 =	sadd.s32 s9, s1  }
0xd: {  	s1 =	sadd.s32 s5, s1;
	s5 =	sadd.s32 s10, s2;
	s31 =	sadd.s32 $0x3A00, s9  }
0xe: {  	s8 =	sadd.s32 $0x1000, s5;
	s9 =	sadd.s32 $0x2000, s5;
	s10 =	sadd.s32 $0x3000, s5  }
0xf: {  	s11 =	sadd.s32 $0x4000, s5;
	s12 =	sadd.s32 $0x5000, s5;
	s13 =	sadd.s32 $0x6000, s5  }
0x10: {  	s14 =	sadd.s32 $0x7000, s5;
	s15 =	sadd.s32 $0x8000, s5;
	s1 =	sadd.s32 s16, s1  }
0x11: {  	v0 =	vimm.f32 $0.0e+00;
	s16 =	sadd.s32 $0x9000, s5;
	[dreg:$0x4] =	wrdreg s31;
	s18 =	sadd.s32 $0x3E600, s1  }
.LBB2_1:
0x12: {  	s0 =	simm.s32 $0x0;
	s1 =	rddreg [dreg:$0x4]  }
0x13: {  	[tilespmem:s0], [sflag:$0x1] =	stream.linear.gather [hbm4b:s1+s0], $0x4E20, $0x38;
	[tilespmem:$0x1EC40] =	vst v63  }
0x14: {  	s31 =	simm.s32 $0x4E20;
	s29 =	simm.s32 $0x100;
	s1 =	simm.s32 $0x0  }
0x15: {  	[tilespmem:s31], [sflag:$0x1] =	stream.linear.gather [hbm4b:s7+s0], $0x4E20, $0x38;
	[tilespmem:$0x1EC40] =	vst v63  }
.LBB2_2:
0x16: {  	p0 =	sne.s32 s29, $0x3F00;
	[tilespmem:s1+$0x13C70] =	vst v0;
	s30 =	smov.u32 s29;
	s29 =	sadd.s32 $0x100, s29  }
.Ltmp0:
0x17: {  	[tilespmem:s1+$0x13C60] =	vst v0;
	(pc) =	sbr.rel @p0 .LBB2_2-.Ltmp0, $3  }
0x18: {  	[tilespmem:s1+$0x13C40] =	vst v0  }
0x19: {  	[tilespmem:s1+$0x13C50] =	vst v0;
	_ =	sdelay $0x1  }
0x1a: {  	s1 =	sshra.s32 s30, $0x2  }
0x1b: {  	[tilespmem:s1+$0x13C70] =	vst v0  }
0x1c: {  	[tilespmem:s1+$0x13C60] =	vst v0  }
0x1d: {  	[tilespmem:s1+$0x13C40] =	vst v0  }
0x1e: {  	[tilespmem:s1+$0x13C50] =	vst v0  }
0x1f: {  	[spmem:s5] =	stream.linear.scatter [tilespmem:s20], [sflag:$0x12], $0x1000, $0x38;
	[tilespmem:$0x1EC40] =	vst v63  }
0x20: {  	_ =	swait.ge [sflag:s21], $0x1000  }
0x21: {  	[sflag:s21] =	ssyncset.done $0x0  }
0x22: {  	[sflag:s21] =	ssyncadd.s32 $0xFFFFF000  }
0x23: {  	[spmem:s8] =	stream.linear.scatter [tilespmem:s20], [sflag:$0x12], $0x1000, $0x38;
	[tilespmem:$0x1EC40] =	vst v63  }
0x24: {  	_ =	swait.ge [sflag:s21], $0x1000  }
0x25: {  	[sflag:s21] =	ssyncset.done $0x0  }
0x26: {  	[sflag:s21] =	ssyncadd.s32 $0xFFFFF000  }
0x27: {  	[spmem:s9] =	stream.linear.scatter [tilespmem:s20], [sflag:$0x12], $0x1000, $0x38;
	[tilespmem:$0x1EC40] =	vst v63  }
0x28: {  	_ =	swait.ge [sflag:s21], $0x1000  }
0x29: {  	[sflag:s21] =	ssyncset.done $0x0  }
0x2a: {  	[sflag:s21] =	ssyncadd.s32 $0xFFFFF000  }
0x2b: {  	[spmem:s10] =	stream.linear.scatter [tilespmem:s20], [sflag:$0x12], $0x1000, $0x38;
	[tilespmem:$0x1EC40] =	vst v63  }
0x2c: {  	_ =	swait.ge [sflag:s21], $0x1000  }
0x2d: {  	[sflag:s21] =	ssyncset.done $0x0  }
0x2e: {  	[sflag:s21] =	ssyncadd.s32 $0xFFFFF000  }
0x2f: {  	[spmem:s11] =	stream.linear.scatter [tilespmem:s20], [sflag:$0x12], $0x1000, $0x38;
	[tilespmem:$0x1EC40] =	vst v63  }
0x30: {  	_ =	swait.ge [sflag:s21], $0x1000  }
0x31: {  	[sflag:s21] =	ssyncset.done $0x0  }
0x32: {  	[sflag:s21] =	ssyncadd.s32 $0xFFFFF000  }
0x33: {  	[spmem:s12] =	stream.linear.scatter [tilespmem:s20], [sflag:$0x12], $0x1000, $0x38;
	[tilespmem:$0x1EC40] =	vst v63  }
0x34: {  	_ =	swait.ge [sflag:s21], $0x1000  }
0x35: {  	[sflag:s21] =	ssyncset.done $0x0  }
0x36: {  	[sflag:s21] =	ssyncadd.s32 $0xFFFFF000  }
0x37: {  	[spmem:s13] =	stream.linear.scatter [tilespmem:s20], [sflag:$0x12], $0x1000, $0x38;
	[tilespmem:$0x1EC40] =	vst v63  }
0x38: {  	_ =	swait.ge [sflag:s21], $0x1000  }
0x39: {  	[sflag:s21] =	ssyncset.done $0x0  }
0x3a: {  	[sflag:s21] =	ssyncadd.s32 $0xFFFFF000  }
0x3b: {  	[spmem:s14] =	stream.linear.scatter [tilespmem:s20], [sflag:$0x12], $0x1000, $0x38;
	[tilespmem:$0x1EC40] =	vst v63  }
0x3c: {  	_ =	swait.ge [sflag:s21], $0x1000  }
0x3d: {  	[sflag:s21] =	ssyncset.done $0x0  }
0x3e: {  	[sflag:s21] =	ssyncadd.s32 $0xFFFFF000  }
0x3f: {  	[spmem:s15] =	stream.linear.scatter [tilespmem:s20], [sflag:$0x12], $0x1000, $0x38;
	[tilespmem:$0x1EC40] =	vst v63  }
0x40: {  	_ =	swait.ge [sflag:s21], $0x1000  }
0x41: {  	[sflag:s21] =	ssyncset.done $0x0  }
0x42: {  	[sflag:s21] =	ssyncadd.s32 $0xFFFFF000  }
0x43: {  	[spmem:s16] =	stream.linear.scatter [tilespmem:s20], [sflag:$0x12], $0x1000, $0x38;
	[tilespmem:$0x1EC40] =	vst v63  }
0x44: {  	_ =	swait.ge [sflag:s21], $0x1000  }
0x45: {  	[sflag:s21] =	ssyncset.done $0x0  }
0x46: {  	[sflag:s21] =	ssyncadd.s32 $0xFFFFF000  }
0x47: {  	_ =	swait.ge [sflag:s22], $0x4E20  }
0x48: {  	[sflag:s22] =	ssyncset.done $0x0  }
0x49: {  	[sflag:s22] =	ssyncadd.s32 $0xFFFFB1E0  }
0x4a: {  	_ =	swait.ge [sflag:s22], $0x4E20  }
0x4b: {  	[sflag:s22] =	ssyncset.done $0x0  }
0x4c: {  	s29 =	simm.s32 $0x0;
	s30 =	simm.s32 $0x4CE0;
	[sflag:s22] =	ssyncadd.s32 $0xFFFFB1E0  }
0x4d: {  	s31 =	simm.s32 $0x0;
	s1 =	simm.s32 $0x0;
	[bflag:$0x0] =	sbarrier.arrive $0xFFFF  }
.LBB2_4:
0x4e: {  	p0 =	sgt.u32 s1, $0x7C  }
0x4f: {  	s0 =	sand.u32 @!p0 $0x6, s29  }
0x50: {  	s19 =	smul.u32 @!p0 $0x5000, s0;
	_ =	sdelay $0x1  }
0x51: {  	s19 =	sshrl.u32 @!p0 s19, $0x2  }
0x52: {  	s25 =	simm.s32 @!p0 $0x50;
	s0 =	sadd.s32 @!p0 $0x2, s0;
	s19 =	sadd.s32 @!p0 $0x9C40, s19  }
0x53: {  	[tilespmem:s19], [sflag:s0] =	stream.indirect.gather @!p0 [hbm4b:s4+s25], $0x40, s31, s25, $0xb8;
	[tilespmem:$0x1EC40] =	vst v63  }
0x54: {  	s0 =	sadd.s32 $0xFFFFFFFC, s29  }
0x55: {  	p1 =	sgt.u32 s0, $0xF9  }
0x56: {  	s0 =	sand.u32 @!p1 $0x6, s0;
	p2 =	slt.u32 @!p1 s1, $0x3  }
0x57: {  	s19 =	sadd.s32 @!p1 $0x2, s0;
	p2 =	por p2, p1  }
0x58: {  	_ =	swait.ge @!p1 [sflag:s19], $0x1400;
	s26 =	sadd.s32 @!p2 $0x3, s29  }
0x59: {  	[sflag:s19] =	ssyncset.done @!p1 $0x0;
	s26 =	sand.u32 @!p2 $0x7, s26  }
0x5a: {  	[sflag:s19] =	ssyncadd.s32 @!p1 $0xFFFFEC00;
	s19 =	sadd.s32 @!p2 $0xA, s26  }
0x5b: {  	s3 =	smul.u32 @!p1 $0x5000, s0;
	_ =	swait.ge @!p2 [sflag:s19], $0x1400  }
0x5c: {  	s0 =	sadd.s32 @!p1 $0xA, s0;
	s26 =	sadd.s32 @!p0 $0x1, s29;
	[sflag:s19] =	ssyncset.done @!p2 $0x0  }
0x5d: {  	s3 =	sshrl.u32 @!p1 s3, $0x2;
	[sflag:s19] =	ssyncadd.s32 @!p2 $0xFFFFEC00;
	s19 =	sand.u32 @!p0 $0x7, s26  }
0x5e: {  	s3 =	sadd.s32 @!p1 $0x9C40, s3;
	s26 =	simm.s32 @!p1 $0x50;
	s6 =	smul.u32 @!p0 $0x5000, s19  }
0x5f: {  	[spmem:s2] =	stream.indirect.scatter.add.f32 @!p1 [tilespmem:s3], [sflag:s0], $0x40, s30, s26, $0xb8;
	[tilespmem:$0x1EC40] =	vst v63  }
0x60: {  	s3 =	sadd.s32 @!p0 $0x50, s31;
	s0 =	sshrl.u32 @!p0 s6, $0x2  }
0x61: {  	p1 =	slt.u32 @!p0 s1, $0x2;
	s6 =	sadd.s32 @!p0 $0x2, s19;
	s0 =	sadd.s32 @!p0 $0x9C40, s0  }
0x62: {  	[tilespmem:s0], [sflag:s6] =	stream.indirect.gather @!p0 [hbm4b:s4+s25], $0x40, s3, s25, $0xb8;
	[tilespmem:$0x1EC40] =	vst v63  }
0x63: {  	p0 =	por p0, !p1  }
0x64: {  	s0 =	sadd.s32 @p0 $0xFFFFFFFD, s29  }
0x65: {  	s0 =	sand.u32 @p0 $0x7, s0  }
0x66: {  	s3 =	sadd.s32 @p0 $0x2, s0  }
0x67: {  	s6 =	sand.u32 @p0 $0x6, s29;
	_ =	swait.ge @p0 [sflag:s3], $0x1400  }
0x68: {  	s6 =	sxor.u32 @p0 $0x4, s6;
	[sflag:s3] =	ssyncset.done @p0 $0x0  }
0x69: {  	s19 =	smul.u32 @p0 $0x5000, s0;
	[sflag:s3] =	ssyncadd.s32 @p0 $0xFFFFEC00;
	s3 =	sadd.s32 @p0 $0xA, s6  }
0x6a: {  	s29 =	sadd.s32 $0x2, s29;
	_ =	swait.ge @p0 [sflag:s3], $0x1400  }
0x6b: {  	s0 =	sadd.s32 @p0 $0xA, s0;
	s6 =	sshrl.u32 @p0 s19, $0x2;
	[sflag:s3] =	ssyncset.done @p0 $0x0  }
0x6c: {  	s6 =	sadd.s32 @p0 $0x9C40, s6;
	[sflag:s3] =	ssyncadd.s32 @p0 $0xFFFFEC00;
	s3 =	sadd.s32 @p0 $0x50, s30  }
0x6d: {  	[spmem:s2] =	stream.indirect.scatter.add.f32 @p0 [tilespmem:s6], [sflag:s0], $0x40, s3, s23, $0xb8;
	[tilespmem:$0x1EC40] =	vst v63  }
0x6e: {  	p0 =	sne.s32 s29, $0xFE  }
.Ltmp1:
0x6f: {  	_ = 	snop;
	(pc) =	sbr.rel @p0 .LBB2_4-.Ltmp1, $2  }
0x70: {  	_ =	sdelay $0x2  }
0x71: {  	s1 =	sadd.s32 $0x1, s1;
	s31 =	sadd.s32 $0xA0, s31;
	s30 =	sadd.s32 $0xA0, s30  }
0x72: {  	_ =	swait.ge [sflag:s24], $0x1400  }
0x73: {  	s0 =	stileid.u32;
	s1 =	sshrl.u32 s5, $0x3;
	s3 =	simm.s32 $0x10  }
0x74: {  	s6 =	simm.s32 $0x8;
	s28 =	sadd.s32 $0x1, s28;
	[sflag:s24] =	ssyncset.done $0x0  }
0x75: {  	s0 =	sshll.u32 s0, $0x6;
	p0 =	sne.s32 s28, s17;
	[sflag:s24] =	ssyncadd.s32 $0xFFFFEC00  }
.Ltmp2:
0x76: {  	s0 =	sor.u32 $0x1C12, s0;
	[bflag:$0x0] =	sbarrier.arrive $0xFFFF;
	(pc) =	sbr.rel @p0 .LBB2_1-.Ltmp2, $4  }
0x77: {  	[hbm:s18@s3], [sflag:s0] =	dma.strided [spmem:s1@s6], $0x1400, s22, $0x8   }
0x78: {  	_ =	swait.ge [sflag:s21], $0x1400  }
0x79: {  	[sflag:s21] =	ssyncset.done $0x0  }
0x7a: {  	[sflag:s21] =	ssyncadd.s32 $0xFFFFEC00  }
0x7b: {  	_ =	sfence.sel $0x180000  }
0x7c: {  	[bflag:$0x0] =	sbarrier.arrive $0xFFFF  }
0x7d: {  	_ =	strace $0x9000004D  }
0x7e: {  	s0 =	stileid.u32;
	[bflag:$0x2] =	sbarrier.arrive $0xFFFF  }
0x7f: {  	p0 =	sne.s32 s0, $0x0;
	s0 =	rddreg [dreg:$0x3]  }
0x80: {  	s0 =	sadd.s32 @!p0 $0x100000, s0  }
0x81: {  	[sflag:s0] =	ssyncadd.tile.s32 @!p0 $0x1;
	_ =	shalt  }
.Lfunc_end2:
_tile_overlayer_lowered:
.L_overlay_start_2:
0x82: {  	(tag) =	ssettag $0x2  }
0x83: {  	s0 =	rddreg [dreg:$0x0];
	s2 =	stileid.u32  }
0x84: {  	s1 =	rddreg [dreg:$0x1];
	p0 =	sne.s32 s2, $0x0  }
0x85: {  	s3 =	rddreg [dreg:$0x2];
	[bflag:$0x3] =	sbarrier.arrive $0xFFFF;
	s2 =	simm.s32 @!p0 $0x1C12  }
0x86: {  	[timem:s3], [sflag:s2] =	dma.local @!p0 [hbm:s0], s1  }
0x87: {  	s0 =	simm.s32 @!p0 $0x12  }
0x88: {  	_ =	swait.ge @!p0 [sflag:s0], s1  }
0x89: {  	s1 =	ssub.s32 @!p0 $0x0, s1;
	[sflag:s0] =	ssyncset.done @!p0 $0x0  }
0x8a: {  	[sflag:s0] =	ssyncadd.s32 @!p0 s1  }
0x8b: {  	[bflag:$0x3] =	sbarrier.arrive $0xFFFF  }
0x8c: {  	_ =	shalt  }

// kernel: kernel.8.cloned.1.call-start
scs
__scs_entry_jumppad:
0x0: {  	(pc) =	sbr.rel $0x88, $3  }
0x1: {  	(tag) =	ssettag $0x0;
	lr =	simm.s32 $0x1  }
0x2: {  	[smem:$0x3F92] =	sst lr;
	_ =	strace $0xD0000000  }
0x3: {  	_ = 	snop  }
0x4: {  	_ = 	snop  }
0x5: {  	_ = 	snop  }
0x6: {  	_ = 	snop  }
0x7: {  	_ = 	snop  }
__scs_overlays_trampoline_lowered:
0x8: {  	[smem:$0x3FA1] =	sst s0  }
0x9: {  	[smem:$0x3FA2] =	sst s1  }
0xa: {  	[smem:$0x3FA3] =	sst s2  }
0xb: {  	[smem:$0x3FA4] =	sst s3  }
0xc: {  	[smem:$0x3FA5] =	sst s4  }
0xd: {  	[smem:$0x3FA6] =	sst s5  }
0xe: {  	[smem:$0x3FA7] =	sst s6  }
0xf: {  	[smem:$0x3FA8] =	sst s7  }
0x10: {  	[smem:$0x3FA9] =	sst s8  }
0x11: {  	[smem:$0x3FAA] =	sst s9;
	s0 =	simm.s32 @!p0 $0x0  }
0x12: {  	s1 =	sld [smem:$0x3F90];
	s0 =	simm.s32 @p0 $0x1  }
0x13: {  	[smem:$0x3FAB] =	sst s0;
	s0 =	simm.s32 @!p1 $0x0  }
0x14: {  	s2 =	sld [smem:$0x3F8F];
	s0 =	simm.s32 @p1 $0x1  }
0x15: {  	[smem:$0x3FAC] =	sst s0;
	s0 =	simm.s32 @!p2 $0x0  }
0x16: {  	s3 =	sld [smem:$0x3FDB];
	s0 =	simm.s32 @p2 $0x1  }
0x17: {  	s4 =	simm.s32 $0x1BF5;
	[smem:$0x3FAE] =	sst s0  }
0x18: {  	s0 =	sld [smem:$0x3F91];
	_ =	swait.ge [sflag:s4], $0x0  }
0x19: {  	s7 =	sld [smem:$0x3F92]  }
0x1a: {  	s8 =	sadd.s32 $0xFFFFE003, lr  }
0x1b: {  	s9 =	sadd.s32 $0xFFFFFEF7, lr;
	s5 =	simm.s32 $0xFFFFFFFF;
	p2 =	slt.u32 s8, $0xFFFFF086  }
0x1c: {  	p1 =	slt.u32 s9, $0xF7A;
	s5 =	simm.s32 @!p2 $0x0  }
0x1d: {  	s5 =	simm.s32 @p1 $0x1;
	p0 =	seq.s32 s7, s2  }
0x1e: {  	s7 =	smul.u32 @!p0 $0xF7A, s2;
	p2 =	seq.s32 @!p0 s5, $0x0  }
0x1f: {  	s9 =	smul.u32 $0xF7A, s1;
	s8 =	simm.s32 @!p0 $0x1BF5;
	p2 =	por !p2, p0  }
0x20: {  	[sflag:s8] =	ssyncset.s32 @!p0 $0xFFFFF086;
	s6 =	sadd.s32 @!p0 s3, s7;
	s7 =	simm.s32 @!p0 $0x108  }
0x21: {  	s3 =	sadd.s32 s3, s9;
	s6 =	sadd.s32 @!p0 $0x88, s6;
	s7 =	simm.s32 @p2 $0x1082  }
0x22: {  	[simem:s7], [sflag:s8] =	dma.local @!p0 [hbm:s6], $0xF7A  }
0x23: {  	s9 =	sor.u32 $0xD0000000, s2;
	s6 =	simm.s32 $0x108;
	_ =	swait.ge @!p0 [sflag:s8], $0x0  }
0x24: {  	s3 =	sadd.s32 $0x88, s3;
	s6 =	simm.s32 @!p1 $0x1082;
	[sflag:s4] =	ssyncset.s32 $0xFFFFF086  }
0x25: {  	[simem:s6], [sflag:s4] =	dma.local [hbm:s3], $0xF7A  }
0x26: {  	[smem:$0x3F92] =	sst s1;
	(tag) =	ssettag s2;
	_ =	strace s9  }
0x27: {  	s1 =	sld [smem:$0x3FA2]  }
0x28: {  	s2 =	sld [smem:$0x3FA3]  }
0x29: {  	s4 =	sld [smem:$0x3FA5]  }
0x2a: {  	p0 =	seq.s32 s5, $0x0;
	s5 =	sld [smem:$0x3FA6]  }
0x2b: {  	s6 =	sld [smem:$0x3FA7]  }
0x2c: {  	s7 =	sld [smem:$0x3FA8]  }
0x2d: {  	s3 =	simm.s32 $0x108;
	s8 =	sld [smem:$0x3FA9]  }
0x2e: {  	s3 =	simm.s32 @!p0 $0x1082;
	s9 =	sld [smem:$0x3FAA]  }
0x2f: {  	lr =	sadd.s32 s0, s3;
	s0 =	sld [smem:$0x3FA1]  }
0x30: {  	s3 =	sld [smem:$0x3FA4]  }
0x31: {  	[smem:$0x3FAD] =	sst s10  }
0x32: {  	s10 =	sld [smem:$0x3FAB];
	_ =	sdelay $0x3  }
0x33: {  	p0 =	seq.s32 s10, $0x1;
	s10 =	sld [smem:$0x3FAD];
	_ =	sdelay $0x3  }
0x34: {  	[smem:$0x3FAD] =	sst s10  }
0x35: {  	s10 =	sld [smem:$0x3FAC];
	_ =	sdelay $0x3  }
0x36: {  	p1 =	seq.s32 s10, $0x1;
	s10 =	sld [smem:$0x3FAD];
	_ =	sdelay $0x3  }
0x37: {  	[smem:$0x3FAD] =	sst s10  }
0x38: {  	s10 =	sld [smem:$0x3FAE]  }
0x39: {  	_ = 	snop;
	(pc) =	sbr.ind lr, $3  }
0x3a: {  	_ = 	snop  }
0x3b: {  	_ = 	snop  }
0x3c: {  	p2 =	seq.s32 s10, $0x1;
	s10 =	sld [smem:$0x3FAD]  }
0x3d: {  	_ =	shalt  }
0x3e: {  	_ =	shalt  }
0x3f: {  	_ =	shalt  }
0x40: {  	_ =	shalt  }
0x41: {  	_ =	shalt  }
0x42: {  	_ =	shalt  }
0x43: {  	_ =	shalt  }
0x44: {  	_ =	shalt  }
0x45: {  	_ =	shalt  }
0x46: {  	_ =	shalt  }
0x47: {  	_ =	shalt  }
0x48: {  	_ =	shalt  }
0x49: {  	_ =	shalt  }
0x4a: {  	_ =	shalt  }
0x4b: {  	_ =	shalt  }
0x4c: {  	_ =	shalt  }
0x4d: {  	_ =	shalt  }
0x4e: {  	_ =	shalt  }
0x4f: {  	_ =	shalt  }
0x50: {  	_ =	shalt  }
0x51: {  	_ =	shalt  }
0x52: {  	_ =	shalt  }
0x53: {  	_ =	shalt  }
0x54: {  	_ =	shalt  }
0x55: {  	_ =	shalt  }
0x56: {  	_ =	shalt  }
0x57: {  	_ =	shalt  }
0x58: {  	_ =	shalt  }
0x59: {  	_ =	shalt  }
0x5a: {  	_ =	shalt  }
0x5b: {  	_ =	shalt  }
0x5c: {  	_ =	shalt  }
0x5d: {  	_ =	shalt  }
0x5e: {  	_ =	shalt  }
0x5f: {  	_ =	shalt  }
0x60: {  	_ =	shalt  }
0x61: {  	_ =	shalt  }
0x62: {  	_ =	shalt  }
0x63: {  	_ =	shalt  }
0x64: {  	_ =	shalt  }
0x65: {  	_ =	shalt  }
0x66: {  	_ =	shalt  }
0x67: {  	_ =	shalt  }
0x68: {  	_ =	shalt  }
0x69: {  	_ =	shalt  }
0x6a: {  	_ =	shalt  }
0x6b: {  	_ =	shalt  }
0x6c: {  	_ =	shalt  }
0x6d: {  	_ =	shalt  }
0x6e: {  	_ =	shalt  }
0x6f: {  	_ =	shalt  }
0x70: {  	_ =	shalt  }
0x71: {  	_ =	shalt  }
0x72: {  	_ =	shalt  }
0x73: {  	_ =	shalt  }
0x74: {  	_ =	shalt  }
0x75: {  	_ =	shalt  }
0x76: {  	_ =	shalt  }
0x77: {  	_ =	shalt  }
0x78: {  	_ =	shalt  }
0x79: {  	_ =	shalt  }
0x7a: {  	_ =	shalt  }
0x7b: {  	_ =	shalt  }
0x7c: {  	_ =	shalt  }
0x7d: {  	_ =	shalt  }
0x7e: {  	_ =	shalt  }
0x7f: {  	_ =	shalt  }
0x80: {  	_ =	shalt  }
0x81: {  	_ =	shalt  }
0x82: {  	_ =	shalt  }
0x83: {  	_ =	shalt  }
0x84: {  	_ =	shalt  }
0x85: {  	_ =	shalt  }
0x86: {  	_ =	shalt  }
0x87: {  	_ =	shalt  }
.Lfunc_end0:
.L_simem_size_0:
called_computation_lowered:
.L_overlay_start_0:
0x88: {  	s2 =	sld [smem:$0x3FD9]  }
0x89: {  	s3 =	sld [smem:$0x3FFE];
	_ =	sdelay $0x1  }
0x8a: {  	s1 =	srdreg.scid  }
0x8b: {  	s0 =	sand.u32 $0x1, s1  }
0x8c: {  	s17 =	sshll.u32 s0, $0xA;
	s2 =	sadd.s32 s3, s2  }
0x8d: {  	s2 =	sadd.s32 s2, s17  }
0x8e: {  	[smem:$0x3FB9] =	sst s2  }
0x8f: {  	_ = 	snop  }
0x90: {  	s2 =	sld [smem:$0x3FC9]  }
0x91: {  	s18 =	sld [smem:$0x3FD0];
	(tm) =	ssettm $0x1  }
0x92: {  	s4 =	sld [smem:$0x3FFB];
	_ =	sdelay $0x3  }
0x93: {  	_ =	strace s4  }
0x94: {  	s4 =	sld [smem:$0x3FFC];
	_ =	sdelay $0x3  }
0x95: {  	_ =	strace s4  }
0x96: {  	s4 =	sld [smem:$0x3FFD];
	_ =	sdelay $0x3  }
0x97: {  	_ =	strace s4  }
0x98: {  	_ =	strace $0x8FFFFFFF  }
0x99: {  	s19 =	sld [smem:$0x3FDB];
	_ =	sdelay $0x1  }
0x9a: {  	s5 =	simm.s32 $_scs_section_size  }
0x9b: {  	s6 =	simm.s32 $_size__tile_overlayer_lowered;
	s7 =	simm.s32 $_tile_overlayer_lowered  }
0x9c: {  	s22 =	simm.s32 $0x1BFF;
	s21 =	sshll.u32 s7, $0x1;
	s4 =	sadd.s32 s5, s19  }
0x9d: {  	s8 =	simm.s32 $0x0;
	s20 =	sshll.u32 s6, $0x1;
	s6 =	sadd.s32 s21, s4  }
0x9e: {  	[timem:s8], [sflag:s22] =	dma.local [hbm:s6], s20  }
0x9f: {  	_ =	swait.ge [sflag:s22], s20  }
0xa0: {  	s5 =	ssub.s32 $0x0, s20;
	[sflag:s22] =	ssyncset.done $0x0  }
0xa1: {  	[sflag:s22] =	ssyncadd.s32 s5;
	_ =	sdelay $0x1  }
0xa2: {  	s23 =	simm.s32 $0x1B8B  }
0xa3: {  	_ =	swait.ge [sflag:s23], $0x1  }
0xa4: {  	[sflag:s23] =	ssyncset.done $0x0  }
0xa5: {  	s25 =	simm.s32 $0x1B8E;
	s24 =	sld [smem:$0x3FFE];
	[sflag:s23] =	ssyncadd.s32 $0xFFFFFFFF  }
0xa6: {  	s26 =	simm.s32 $execute0_lowered;
	[smem:$0x3FD2] =	sst s25  }
0xa7: {  	s6 =	sshll.u32 s26, $0x1;
	_ =	strace $0x80000046;
	[dreg:$0x1] =	wrdreg $0xFFFFFFFF  }
0xa8: {  	s28 =	simm.s32 $_size_execute0_lowered;
	s4 =	sadd.s32 s4, s6;
	[dreg:$0x0] =	wrdreg $0x0  }
0xa9: {  	s6 =	sshll.u32 s28, $0x1;
	[dreg:$0x2] =	wrdreg s4  }
0xaa: {  	[dreg:$0x3] =	wrdreg s6  }
0xab: {  	[dreg:$0x4] =	wrdreg $0xC0  }
0xac: {  	_ =	task [dreg:s8], $0x5FFFF  }
0xad: {  	[dreg:$0x1] =	wrdreg $0xFFFFFFFF  }
0xae: {  	[dreg:$0x0] =	wrdreg $0x60  }
0xaf: {  	[dreg:$0x2] =	wrdreg s2  }
0xb0: {  	[dreg:$0x3] =	wrdreg s24  }
0xb1: {  	[dreg:$0x4] =	wrdreg s18  }
0xb2: {  	[dreg:$0x5] =	wrdreg $0x14C400  }
0xb3: {  	[dreg:$0x6] =	wrdreg $0x9  }
0xb4: {  	_ =	task.clear_ibuf [dreg:s8], $0x7FFFF;
	_ =	strace $0x90000046  }
0xb5: {  	s29 =	simm.s32 $0x9;
	_ =	strace $0x80000048  }
0xb6: {  	_ =	swait.ge [sflag:s29], $0x1  }
0xb7: {  	[sflag:s29] =	ssyncadd.s32 $0xFFFFFFFF  }
0xb8: {  	_ =	strace $0x90000048  }
0xb9: {  	_ =	sfence  }
0xba: {  	s30 =	sld [smem:$0x0];
	_ =	sdelay $0x2  }
0xbb: {  	s31 =	sshll.u32 s1, $0xD;
	s1 =	sshrl.u32 s1, $0x2  }
0xbc: {  	s3 =	sand.u32 $0x4000, s31;
	s1 =	sadd.s32 s1, s30  }
0xbd: {  	s0 =	sor.u32 s3, s0;
	s1 =	sshll.u32 s1, $0x11  }
0xbe: {  	s0 =	sor.u32 s1, s0  }
0xbf: {  	s0 =	sadd.s32 $0x8F2B, s0  }
0xc0: {  	[sflag:s0] =	ssyncadd.remote.s32 $0x1  }
0xc1: {  	_ =	sfence.sel $0xFFFF  }
0xc2: {  	[dreg:$0x0] =	wrdreg $0xFFFFFFFF;
	(pc) =	sbr.abs _section_cstart, $3  }
0xc3: {  	[dreg:$0x1] =	wrdreg $0xFFFFFFFF  }
0xc4: {  	_ =	task.clear_ibuf [dreg:s8], $0x2FFFF;
	_ =	strace $0x9FFFFFFF  }
0xc5: {  	(tm) =	ssettm $0x7FFFFFFF  }
tec
execute0_lowered:
.L_overlay_start_1:
0x0: {  	(tag) =	ssettag $0x1  }
0x1: {  	s1 =	rddreg [dreg:$0x0]  }
0x2: {  	s2 =	rddreg [dreg:$0x1]  }
0x3: {  	s7 =	rddreg [dreg:$0x2]  }
0x4: {  	s5 =	srdreg.scid;
	s0 =	stileid.u32  }
0x5: {  	s3 =	rddreg [dreg:$0x3];
	s4 =	simm.s32 $0x0;
	s20 =	simm.s32 $0x13C40  }
0x6: {  	s21 =	simm.s32 $0x12;
	s22 =	simm.s32 $0x1;
	s8 =	smul.u32 $0x4E20, s0  }
0x7: {  	s23 =	simm.s32 $0x50;
	s24 =	simm.s32 $0xB;
	s10 =	smul.u32 $0x28000, s0  }
0x8: {  	s28 =	simm.s32 $0x0;
	s6 =	sand.u32 $0x1, s5;
	s16 =	smul.u32 $0x2800, s0  }
0x9: {  	[smem:$0x7FF] =	sst s4;
	s5 =	sshll.u32 s5, $0x3;
	s9 =	smul.u32 $0x4E200, s6  }
0xa: {  	_ =	strace $0x80000047;
	s5 =	sand.u32 $0x8, s5;
	s6 =	ssub.s32 $0x2, s6  }
0xb: {  	s30 =	sshrl.u32 s6, $0x1;
	s10 =	sshrl.u32 s10, $0x2;
	s9 =	sadd.s32 s8, s9  }
0xc: {  	s17 =	ssub.s32 s6, s30;
	s8 =	sshrl.u32 s8, $0x3;
	s9 =	sshrl.u32 s9, $0x3  }
0xd: {  	s7 =	sadd.s32 s7, s8;
	s17 =	smax.u32 s17, $0x1;
	s9 =	sadd.s32 s9, s2  }
0xe: {  	s2 =	sadd.s32 s5, s2;
	s5 =	sadd.s32 s10, s3;
	s31 =	sadd.s32 $0x3A00, s9  }
0xf: {  	s8 =	sadd.s32 $0x1000, s5;
	s9 =	sadd.s32 $0x2000, s5;
	s10 =	sadd.s32 $0x3000, s5  }
0x10: {  	s11 =	sadd.s32 $0x4000, s5;
	s12 =	sadd.s32 $0x5000, s5;
	s13 =	sadd.s32 $0x6000, s5  }
0x11: {  	s14 =	sadd.s32 $0x7000, s5;
	s15 =	sadd.s32 $0x8000, s5;
	s2 =	sadd.s32 s16, s2  }
0x12: {  	v0 =	vimm.f32 $0.0e+00;
	s16 =	sadd.s32 $0x9000, s5;
	[dreg:$0x5] =	wrdreg s31;
	s18 =	sadd.s32 $0x17400, s2  }
.LBB2_1:
0x13: {  	s0 =	simm.s32 $0x0;
	s2 =	rddreg [dreg:$0x5]  }
0x14: {  	[tilespmem:s0], [sflag:$0x1] =	stream.linear.gather [hbm4b:s2+s0], $0x4E20, $0x38;
	[tilespmem:$0x1EC40] =	vst v63  }
0x15: {  	s31 =	simm.s32 $0x4E20;
	s29 =	simm.s32 $0x100;
	s2 =	simm.s32 $0x0  }
0x16: {  	[tilespmem:s31], [sflag:$0x1] =	stream.linear.gather [hbm4b:s7+s0], $0x4E20, $0x38;
	[tilespmem:$0x1EC40] =	vst v63  }
.LBB2_2:
0x17: {  	p0 =	sne.s32 s29, $0x3F00;
	[tilespmem:s2+$0x13C70] =	vst v0;
	s30 =	smov.u32 s29;
	s29 =	sadd.s32 $0x100, s29  }
.Ltmp0:
0x18: {  	[tilespmem:s2+$0x13C60] =	vst v0;
	(pc) =	sbr.rel @p0 .LBB2_2-.Ltmp0, $3  }
0x19: {  	[tilespmem:s2+$0x13C40] =	vst v0  }
0x1a: {  	[tilespmem:s2+$0x13C50] =	vst v0;
	_ =	sdelay $0x1  }
0x1b: {  	s2 =	sshra.s32 s30, $0x2  }
0x1c: {  	[tilespmem:s2+$0x13C70] =	vst v0  }
0x1d: {  	[tilespmem:s2+$0x13C60] =	vst v0  }
0x1e: {  	[tilespmem:s2+$0x13C40] =	vst v0  }
0x1f: {  	[tilespmem:s2+$0x13C50] =	vst v0  }
0x20: {  	[spmem:s5] =	stream.linear.scatter [tilespmem:s20], [sflag:$0x12], $0x1000, $0x38;
	[tilespmem:$0x1EC40] =	vst v63  }
0x21: {  	_ =	swait.ge [sflag:s21], $0x1000  }
0x22: {  	[sflag:s21] =	ssyncset.done $0x0  }
0x23: {  	[sflag:s21] =	ssyncadd.s32 $0xFFFFF000  }
0x24: {  	[spmem:s8] =	stream.linear.scatter [tilespmem:s20], [sflag:$0x12], $0x1000, $0x38;
	[tilespmem:$0x1EC40] =	vst v63  }
0x25: {  	_ =	swait.ge [sflag:s21], $0x1000  }
0x26: {  	[sflag:s21] =	ssyncset.done $0x0  }
0x27: {  	[sflag:s21] =	ssyncadd.s32 $0xFFFFF000  }
0x28: {  	[spmem:s9] =	stream.linear.scatter [tilespmem:s20], [sflag:$0x12], $0x1000, $0x38;
	[tilespmem:$0x1EC40] =	vst v63  }
0x29: {  	_ =	swait.ge [sflag:s21], $0x1000  }
0x2a: {  	[sflag:s21] =	ssyncset.done $0x0  }
0x2b: {  	[sflag:s21] =	ssyncadd.s32 $0xFFFFF000  }
0x2c: {  	[spmem:s10] =	stream.linear.scatter [tilespmem:s20], [sflag:$0x12], $0x1000, $0x38;
	[tilespmem:$0x1EC40] =	vst v63  }
0x2d: {  	_ =	swait.ge [sflag:s21], $0x1000  }
0x2e: {  	[sflag:s21] =	ssyncset.done $0x0  }
0x2f: {  	[sflag:s21] =	ssyncadd.s32 $0xFFFFF000  }
0x30: {  	[spmem:s11] =	stream.linear.scatter [tilespmem:s20], [sflag:$0x12], $0x1000, $0x38;
	[tilespmem:$0x1EC40] =	vst v63  }
0x31: {  	_ =	swait.ge [sflag:s21], $0x1000  }
0x32: {  	[sflag:s21] =	ssyncset.done $0x0  }
0x33: {  	[sflag:s21] =	ssyncadd.s32 $0xFFFFF000  }
0x34: {  	[spmem:s12] =	stream.linear.scatter [tilespmem:s20], [sflag:$0x12], $0x1000, $0x38;
	[tilespmem:$0x1EC40] =	vst v63  }
0x35: {  	_ =	swait.ge [sflag:s21], $0x1000  }
0x36: {  	[sflag:s21] =	ssyncset.done $0x0  }
0x37: {  	[sflag:s21] =	ssyncadd.s32 $0xFFFFF000  }
0x38: {  	[spmem:s13] =	stream.linear.scatter [tilespmem:s20], [sflag:$0x12], $0x1000, $0x38;
	[tilespmem:$0x1EC40] =	vst v63  }
0x39: {  	_ =	swait.ge [sflag:s21], $0x1000  }
0x3a: {  	[sflag:s21] =	ssyncset.done $0x0  }
0x3b: {  	[sflag:s21] =	ssyncadd.s32 $0xFFFFF000  }
0x3c: {  	[spmem:s14] =	stream.linear.scatter [tilespmem:s20], [sflag:$0x12], $0x1000, $0x38;
	[tilespmem:$0x1EC40] =	vst v63  }
0x3d: {  	_ =	swait.ge [sflag:s21], $0x1000  }
0x3e: {  	[sflag:s21] =	ssyncset.done $0x0  }
0x3f: {  	[sflag:s21] =	ssyncadd.s32 $0xFFFFF000  }
0x40: {  	[spmem:s15] =	stream.linear.scatter [tilespmem:s20], [sflag:$0x12], $0x1000, $0x38;
	[tilespmem:$0x1EC40] =	vst v63  }
0x41: {  	_ =	swait.ge [sflag:s21], $0x1000  }
0x42: {  	[sflag:s21] =	ssyncset.done $0x0  }
0x43: {  	[sflag:s21] =	ssyncadd.s32 $0xFFFFF000  }
0x44: {  	[spmem:s16] =	stream.linear.scatter [tilespmem:s20], [sflag:$0x12], $0x1000, $0x38;
	[tilespmem:$0x1EC40] =	vst v63  }
0x45: {  	_ =	swait.ge [sflag:s21], $0x1000  }
0x46: {  	[sflag:s21] =	ssyncset.done $0x0  }
0x47: {  	[sflag:s21] =	ssyncadd.s32 $0xFFFFF000  }
0x48: {  	_ =	swait.ge [sflag:s22], $0x4E20  }
0x49: {  	[sflag:s22] =	ssyncset.done $0x0  }
0x4a: {  	[sflag:s22] =	ssyncadd.s32 $0xFFFFB1E0  }
0x4b: {  	_ =	swait.ge [sflag:s22], $0x4E20  }
0x4c: {  	[sflag:s22] =	ssyncset.done $0x0  }
0x4d: {  	s29 =	simm.s32 $0x0;
	s30 =	simm.s32 $0x4CE0;
	[sflag:s22] =	ssyncadd.s32 $0xFFFFB1E0  }
0x4e: {  	s31 =	simm.s32 $0x0;
	s2 =	simm.s32 $0x0;
	[bflag:$0x0] =	sbarrier.arrive $0xFFFF  }
.LBB2_4:
0x4f: {  	p0 =	sgt.u32 s2, $0x7C  }
0x50: {  	s0 =	sand.u32 @!p0 $0x6, s29  }
0x51: {  	s19 =	smul.u32 @!p0 $0x5000, s0;
	_ =	sdelay $0x1  }
0x52: {  	s19 =	sshrl.u32 @!p0 s19, $0x2  }
0x53: {  	s25 =	simm.s32 @!p0 $0x50;
	s0 =	sadd.s32 @!p0 $0x2, s0;
	s19 =	sadd.s32 @!p0 $0x9C40, s19  }
0x54: {  	[tilespmem:s19], [sflag:s0] =	stream.indirect.gather @!p0 [hbm4b:s1+s25], $0x40, s31, s25, $0xb8;
	[tilespmem:$0x1EC40] =	vst v63  }
0x55: {  	s0 =	sadd.s32 $0xFFFFFFFC, s29  }
0x56: {  	p1 =	sgt.u32 s0, $0xF9  }
0x57: {  	s0 =	sand.u32 @!p1 $0x6, s0;
	p2 =	slt.u32 @!p1 s2, $0x3  }
0x58: {  	s19 =	sadd.s32 @!p1 $0x2, s0;
	p2 =	por p2, p1  }
0x59: {  	_ =	swait.ge @!p1 [sflag:s19], $0x1400;
	s26 =	sadd.s32 @!p2 $0x3, s29  }
0x5a: {  	[sflag:s19] =	ssyncset.done @!p1 $0x0;
	s26 =	sand.u32 @!p2 $0x7, s26  }
0x5b: {  	[sflag:s19] =	ssyncadd.s32 @!p1 $0xFFFFEC00;
	s19 =	sadd.s32 @!p2 $0xA, s26  }
0x5c: {  	s4 =	smul.u32 @!p1 $0x5000, s0;
	_ =	swait.ge @!p2 [sflag:s19], $0x1400  }
0x5d: {  	s0 =	sadd.s32 @!p1 $0xA, s0;
	s26 =	sadd.s32 @!p0 $0x1, s29;
	[sflag:s19] =	ssyncset.done @!p2 $0x0  }
0x5e: {  	s4 =	sshrl.u32 @!p1 s4, $0x2;
	[sflag:s19] =	ssyncadd.s32 @!p2 $0xFFFFEC00;
	s19 =	sand.u32 @!p0 $0x7, s26  }
0x5f: {  	s4 =	sadd.s32 @!p1 $0x9C40, s4;
	s26 =	simm.s32 @!p1 $0x50;
	s6 =	smul.u32 @!p0 $0x5000, s19  }
0x60: {  	[spmem:s3] =	stream.indirect.scatter.add.f32 @!p1 [tilespmem:s4], [sflag:s0], $0x40, s30, s26, $0xb8;
	[tilespmem:$0x1EC40] =	vst v63  }
0x61: {  	s4 =	sadd.s32 @!p0 $0x50, s31;
	s0 =	sshrl.u32 @!p0 s6, $0x2  }
0x62: {  	p1 =	slt.u32 @!p0 s2, $0x2;
	s6 =	sadd.s32 @!p0 $0x2, s19;
	s0 =	sadd.s32 @!p0 $0x9C40, s0  }
0x63: {  	[tilespmem:s0], [sflag:s6] =	stream.indirect.gather @!p0 [hbm4b:s1+s25], $0x40, s4, s25, $0xb8;
	[tilespmem:$0x1EC40] =	vst v63  }
0x64: {  	p0 =	por p0, !p1  }
0x65: {  	s0 =	sadd.s32 @p0 $0xFFFFFFFD, s29  }
0x66: {  	s0 =	sand.u32 @p0 $0x7, s0  }
0x67: {  	s4 =	sadd.s32 @p0 $0x2, s0  }
0x68: {  	s6 =	sand.u32 @p0 $0x6, s29;
	_ =	swait.ge @p0 [sflag:s4], $0x1400  }
0x69: {  	s6 =	sxor.u32 @p0 $0x4, s6;
	[sflag:s4] =	ssyncset.done @p0 $0x0  }
0x6a: {  	s19 =	smul.u32 @p0 $0x5000, s0;
	[sflag:s4] =	ssyncadd.s32 @p0 $0xFFFFEC00;
	s4 =	sadd.s32 @p0 $0xA, s6  }
0x6b: {  	s29 =	sadd.s32 $0x2, s29;
	_ =	swait.ge @p0 [sflag:s4], $0x1400  }
0x6c: {  	s0 =	sadd.s32 @p0 $0xA, s0;
	s6 =	sshrl.u32 @p0 s19, $0x2;
	[sflag:s4] =	ssyncset.done @p0 $0x0  }
0x6d: {  	s6 =	sadd.s32 @p0 $0x9C40, s6;
	[sflag:s4] =	ssyncadd.s32 @p0 $0xFFFFEC00;
	s4 =	sadd.s32 @p0 $0x50, s30  }
0x6e: {  	[spmem:s3] =	stream.indirect.scatter.add.f32 @p0 [tilespmem:s6], [sflag:s0], $0x40, s4, s23, $0xb8;
	[tilespmem:$0x1EC40] =	vst v63  }
0x6f: {  	p0 =	sne.s32 s29, $0xFE  }
.Ltmp1:
0x70: {  	_ = 	snop;
	(pc) =	sbr.rel @p0 .LBB2_4-.Ltmp1, $2  }
0x71: {  	_ =	sdelay $0x2  }
0x72: {  	s2 =	sadd.s32 $0x1, s2;
	s31 =	sadd.s32 $0xA0, s31;
	s30 =	sadd.s32 $0xA0, s30  }
0x73: {  	_ =	swait.ge [sflag:s24], $0x1400  }
0x74: {  	s0 =	stileid.u32;
	s2 =	sshrl.u32 s5, $0x3;
	s4 =	simm.s32 $0x10  }
0x75: {  	s6 =	simm.s32 $0x8;
	s28 =	sadd.s32 $0x1, s28;
	[sflag:s24] =	ssyncset.done $0x0  }
0x76: {  	s0 =	sshll.u32 s0, $0x6;
	p0 =	sne.s32 s28, s17;
	[sflag:s24] =	ssyncadd.s32 $0xFFFFEC00  }
.Ltmp2:
0x77: {  	s0 =	sor.u32 $0x1C12, s0;
	[bflag:$0x0] =	sbarrier.arrive $0xFFFF;
	(pc) =	sbr.rel @p0 .LBB2_1-.Ltmp2, $4  }
0x78: {  	[hbm:s18@s4], [sflag:s0] =	dma.strided [spmem:s2@s6], $0x1400, s22, $0x8   }
0x79: {  	_ =	swait.ge [sflag:s21], $0x1400  }
0x7a: {  	[sflag:s21] =	ssyncset.done $0x0  }
0x7b: {  	[sflag:s21] =	ssyncadd.s32 $0xFFFFEC00  }
0x7c: {  	_ =	sfence.sel $0x180000  }
0x7d: {  	[bflag:$0x0] =	sbarrier.arrive $0xFFFF  }
0x7e: {  	_ =	strace $0x90000047  }
0x7f: {  	s0 =	stileid.u32;
	[bflag:$0x2] =	sbarrier.arrive $0xFFFF  }
0x80: {  	p0 =	sne.s32 s0, $0x0;
	s0 =	rddreg [dreg:$0x4]  }
0x81: {  	s0 =	sadd.s32 @!p0 $0x100000, s0  }
0x82: {  	[sflag:s0] =	ssyncadd.tile.s32 @!p0 $0x1;
	_ =	shalt  }
.Lfunc_end2:
_tile_overlayer_lowered:
.L_overlay_start_2:
0x83: {  	(tag) =	ssettag $0x2  }
0x84: {  	s0 =	rddreg [dreg:$0x0];
	s2 =	stileid.u32  }
0x85: {  	s1 =	rddreg [dreg:$0x1];
	p0 =	sne.s32 s2, $0x0  }
0x86: {  	s3 =	rddreg [dreg:$0x2];
	[bflag:$0x3] =	sbarrier.arrive $0xFFFF;
	s2 =	simm.s32 @!p0 $0x1C12  }
0x87: {  	[timem:s3], [sflag:s2] =	dma.local @!p0 [hbm:s0], s1  }
0x88: {  	s0 =	simm.s32 @!p0 $0x12  }
0x89: {  	_ =	swait.ge @!p0 [sflag:s0], s1  }
0x8a: {  	s1 =	ssub.s32 @!p0 $0x0, s1;
	[sflag:s0] =	ssyncset.done @!p0 $0x0  }
0x8b: {  	[sflag:s0] =	ssyncadd.s32 @!p0 s1  }
0x8c: {  	[bflag:$0x3] =	sbarrier.arrive $0xFFFF  }
0x8d: {  	_ =	shalt  }

</sc_bundles>
